<compile_context>
chip_gen: v7x
topology: tpu7x:2x2x1
jax: 0.10.2.dev20260603
libtpu: 0.0.44.dev20260713+nightly
codegen_flags: <defaults>
</compile_context>

<pallas_src>
import functools

import jax
import jax.numpy as jnp
from jax import lax
from jax.experimental import pallas as pl
from jax.experimental.pallas import tpu as pltpu
from jax.experimental.pallas import tpu_sc as plsc

N = 10000
E = 320000
D = 128
TEMP = 0.5

NC, NS, L = 2, 16, 16
NW = NC * NS
NB = 80
E_PAD = NW * NB * 128
N_ACC = 10240
RPT = N_ACC // NS
EPW = E_PAD // NW


CS = 5
_mesh_split = plsc.VectorSubcoreMesh(core_axis_name="c", subcore_axis_name="s")


@functools.partial(
    pl.kernel,
    mesh=_mesh_split,
    compiler_params=pltpu.CompilerParams(use_tc_tiling_on_sc=False,
                                         needs_layout_passes=False),
    out_type=jax.ShapeDtypeStruct((NC, 80, 128), jnp.float32),
    scratch_types=[
        pltpu.VMEM((EPW,), jnp.int32),
        pltpu.VMEM((EPW,), jnp.int32),
        pltpu.VMEM((N_ACC,), jnp.float32),
        pltpu.VMEM((80, 128), jnp.float32),
        pltpu.VMEM((1, 80), jnp.int32),
        pltpu.VMEM_SHARED((80, 128), jnp.float32),
    ],
)
def _gate_sout(src_hbm, dst_hbm, outval_hbm, z80_hbm, sout_hbm,
               src_v, dst_v, outv_v, souts_v, idx80_v, sacc):
    cid = lax.axis_index("c")
    sid = lax.axis_index("s")
    wid = sid * NC + cid
    pltpu.sync_copy(src_hbm.at[wid], src_v)
    pltpu.sync_copy(dst_hbm.at[wid], dst_v)
    pltpu.sync_copy(outval_hbm, outv_v)
    pltpu.sync_copy(z80_hbm, souts_v)
    pltpu.sync_copy(z80_hbm.at[pl.ds(sid * 5, 5)], sacc.at[pl.ds(sid * 5, 5)])
    for kk in range(5):
        idx80_v[0, pl.ds(kk * 16, 16)] = (
            jnp.arange(16, dtype=jnp.int32) + 16 * kk)

    def body(i, c):
        s16 = src_v[pl.ds(i * 16, 16)]
        d16 = dst_v[pl.ds(i * 16, 16)]
        ov = plsc.load_gather(outv_v, [s16])
        rr = jnp.right_shift(d16, 7)
        cc = jnp.bitwise_and(d16, 127)
        plsc.addupdate_scatter(souts_v, [rr, cc], ov)
        return c

    lax.fori_loop(0, EPW // 16, body, 0)
    plsc.subcore_barrier()
    pltpu.sync_copy(souts_v, sacc.at[idx80_v.at[0]], add=True)
    plsc.subcore_barrier()
    pltpu.sync_copy(sacc.at[pl.ds(sid * 5, 5)],
                    sout_hbm.at[cid, pl.ds(sid * 5, 5)])


@functools.partial(
    pl.kernel,
    mesh=_mesh_split,
    compiler_params=pltpu.CompilerParams(use_tc_tiling_on_sc=False,
                                         needs_layout_passes=False),
    out_type=jax.ShapeDtypeStruct((NC, 80, 128), jnp.float32),
    scratch_types=[
        pltpu.VMEM((EPW,), jnp.int32),
        pltpu.VMEM((80, 128), jnp.float32),
        pltpu.VMEM((1, 80), jnp.int32),
        pltpu.VMEM_SHARED((80, 128), jnp.float32),
    ],
)
def _hist_reg(dst_hbm, z80_hbm, out_hbm, dst_v, priv_v, idx80_v, sacc):
    cid = lax.axis_index("c")
    sid = lax.axis_index("s")
    wid = sid * NC + cid
    pltpu.sync_copy(dst_hbm.at[wid], dst_v)
    pltpu.sync_copy(z80_hbm, priv_v)
    pltpu.sync_copy(z80_hbm.at[pl.ds(sid * 5, 5)], sacc.at[pl.ds(sid * 5, 5)])
    for kk in range(5):
        idx80_v[0, pl.ds(kk * 16, 16)] = (
            jnp.arange(16, dtype=jnp.int32) + 16 * kk)

    def body(i, c):
        d16 = dst_v[pl.ds(i * 16, 16)]
        rr = jnp.right_shift(d16, 7)
        cc = jnp.bitwise_and(d16, 127)
        plsc.addupdate_scatter(priv_v, [rr, cc], jnp.ones((16,), jnp.float32))
        return c

    lax.fori_loop(0, EPW // 16, body, 0)
    plsc.subcore_barrier()
    pltpu.sync_copy(priv_v, sacc.at[idx80_v.at[0]], add=True)
    plsc.subcore_barrier()
    pltpu.sync_copy(sacc.at[pl.ds(sid * 5, 5)],
                    out_hbm.at[cid, pl.ds(sid * 5, 5)])


EPW2 = E_PAD // NS


@functools.partial(
    pl.kernel,
    mesh=_mesh_split,
    compiler_params=pltpu.CompilerParams(use_tc_tiling_on_sc=False,
                                         needs_layout_passes=False),
    out_type=jax.ShapeDtypeStruct((NC, 2, 80, 128), jnp.float32),
    scratch_types=[
        pltpu.VMEM((EPW2 // 4,), jnp.int32),
        pltpu.VMEM((EPW2 // 4,), jnp.int32),
        pltpu.VMEM((N, 2), jnp.float32),
        pltpu.VMEM((2, 80, 128), jnp.float32),
        pltpu.VMEM((1, 80), jnp.int32),
        pltpu.VMEM_SHARED((2, 80, 128), jnp.float32),
    ],
)
def _pre4_reg(src_hbm, dst_hbm, h4s_hbm, z280_hbm, out_hbm,
              src_v, dst_v, h4s_v, priv_v, idx80_v, sacc):
    cid = lax.axis_index("c")
    sid = lax.axis_index("s")
    pltpu.sync_copy(h4s_hbm.at[cid], h4s_v)
    pltpu.sync_copy(z280_hbm, priv_v)
    pltpu.sync_copy(z280_hbm.at[0, pl.ds(sid * 5, 5)],
                    sacc.at[0, pl.ds(sid * 5, 5)])
    pltpu.sync_copy(z280_hbm.at[1, pl.ds(sid * 5, 5)],
                    sacc.at[1, pl.ds(sid * 5, 5)])
    for kk in range(5):
        idx80_v[0, pl.ds(kk * 16, 16)] = (
            jnp.arange(16, dtype=jnp.int32) + 16 * kk)

    def body(i, c):
        s16 = src_v[pl.ds(i * 16, 16)]
        d16 = dst_v[pl.ds(i * 16, 16)]
        rr = jnp.right_shift(d16, 7)
        cc = jnp.bitwise_and(d16, 127)
        for p in range(2):
            vp = plsc.load_gather(h4s_v,
                                  [s16, jnp.full((16,), p, jnp.int32)])
            plsc.addupdate_scatter(priv_v.at[p], [rr, cc], vp)
        return c

    for q in range(4):
        pltpu.sync_copy(src_hbm.at[sid, pl.ds(q * (EPW2 // 4), EPW2 // 4)],
                        src_v)
        pltpu.sync_copy(dst_hbm.at[sid, pl.ds(q * (EPW2 // 4), EPW2 // 4)],
                        dst_v)
        lax.fori_loop(0, EPW2 // 64, body, 0)
    plsc.subcore_barrier()
    for p in range(2):
        pltpu.sync_copy(priv_v.at[p], sacc.at[p].at[idx80_v.at[0]], add=True)
    plsc.subcore_barrier()
    for p in range(2):
        pltpu.sync_copy(sacc.at[p, pl.ds(sid * 5, 5)],
                        out_hbm.at[cid, p, pl.ds(sid * 5, 5)])


NBT = E_PAD // (NS * 128)


@functools.partial(
    pl.kernel,
    mesh=_mesh_split,
    compiler_params=pltpu.CompilerParams(use_tc_tiling_on_sc=False),
    out_type=jax.ShapeDtypeStruct((NC, N_ACC, 64), jnp.float32),
    scratch_types=[
        pltpu.VMEM((NBT, 128), jnp.int32),
        pltpu.VMEM((NBT, 128), jnp.int32),
        pltpu.VMEM((CS, 128, 64), jnp.float32),
        pltpu.VMEM_SHARED((N_ACC, 64), jnp.float32),
        pltpu.SemaphoreType.DMA,
        pltpu.SemaphoreType.DMA,
    ],
)
def _scatter_split(src_hbm, dst_hbm, table_hbm, zrow_hbm, out_hbm,
                   src_v, dst_v, rows_v, acc, sem_g, sem_s):
    cid = lax.axis_index("c")
    sid = lax.axis_index("s")
    pltpu.sync_copy(zrow_hbm.at[pl.ds(sid * RPT, RPT)],
                    acc.at[pl.ds(sid * RPT, RPT)])
    pltpu.sync_copy(src_hbm.at[sid], src_v)
    pltpu.sync_copy(dst_hbm.at[sid], dst_v)
    plsc.subcore_barrier()

    def chunk(i, carry):
        gh = [pltpu.async_copy(table_hbm.at[cid].at[src_v.at[i * CS + b]],
                               rows_v.at[b], sem_g)
              for b in range(CS)]
        sh = []
        for b in range(CS):
            gh[b].wait()
            sh.append(pltpu.async_copy(rows_v.at[b],
                                       acc.at[dst_v.at[i * CS + b]],
                                       sem_s, add=True))
        for b in range(CS):
            sh[b].wait()
        return carry

    lax.fori_loop(0, NBT // CS, chunk, 0)
    plsc.subcore_barrier()
    pltpu.sync_copy(acc.at[pl.ds(sid * RPT, RPT)],
                    out_hbm.at[cid, pl.ds(sid * RPT, RPT)])


def _front_body(x_ref, g_ref, b_ref, w4_ref, wenv_ref, h4_ref, henv_ref):
    x = x_ref[...]
    mu = jnp.mean(x, axis=-1, keepdims=True)
    var = jnp.mean((x - mu) ** 2, axis=-1, keepdims=True)
    xn = (x - mu) / jnp.sqrt(var + 1e-5) * g_ref[...] + b_ref[...]
    h4_ref[...] = jnp.dot(xn, w4_ref[...], preferred_element_type=jnp.float32)
    henv_ref[...] = jnp.dot(xn, wenv_ref[...], preferred_element_type=jnp.float32)


def _front(x, ln_g, ln_b, W4, W_env, bs=2000):
    grid = (N // bs,)
    return pl.pallas_call(
        _front_body,
        grid=grid,
        in_specs=[
            pl.BlockSpec((bs, D), lambda i: (i, 0)),
            pl.BlockSpec((1, D), lambda i: (0, 0)),
            pl.BlockSpec((1, D), lambda i: (0, 0)),
            pl.BlockSpec((D, 4), lambda i: (0, 0)),
            pl.BlockSpec((D, D), lambda i: (0, 0)),
        ],
        out_specs=[
            pl.BlockSpec((bs, 4), lambda i: (i, 0)),
            pl.BlockSpec((bs, D), lambda i: (i, 0)),
        ],
        out_shape=[
            jax.ShapeDtypeStruct((N, 4), jnp.float32),
            jax.ShapeDtypeStruct((N, D), jnp.float32),
        ],
    )(x, ln_g.reshape(1, D), ln_b.reshape(1, D), W4, W_env)


def _scale_body(a_ref, h_ref, o_ref):
    hh = a_ref[...] * h_ref[...]
    o_ref[0] = hh[:, :64]
    o_ref[1] = hh[:, 64:]


def _scale_rows_split(a, h, bs=2000):
    return pl.pallas_call(
        _scale_body,
        grid=(N // bs,),
        in_specs=[
            pl.BlockSpec((bs, 1), lambda i: (i, 0)),
            pl.BlockSpec((bs, D), lambda i: (i, 0)),
        ],
        out_specs=pl.BlockSpec((NC, bs, 64), lambda i: (0, i, 0)),
        out_shape=jax.ShapeDtypeStruct((NC, N, 64), jnp.float32),
    )(a.reshape(N, 1), h)


def _final_body(p0_ref, p1_ref, henv_ref, c1_ref, c2_ref, be_ref,
                g_ref, b_ref, o_ref):
    pre = jnp.concatenate([p0_ref[...], p1_ref[...]], axis=1)
    o = (c1_ref[...] * pre
         + c2_ref[...] * henv_ref[...] + be_ref[...])
    mu = jnp.mean(o, axis=-1, keepdims=True)
    var = jnp.mean((o - mu) ** 2, axis=-1, keepdims=True)
    o_ref[...] = (o - mu) / jnp.sqrt(var + 1e-5) * g_ref[...] + b_ref[...]


def _final(p0, p1, h_env, c1, c2, b_env, ln_g, ln_b, bs=2000):
    return pl.pallas_call(
        _final_body,
        grid=(N // bs,),
        in_specs=[
            pl.BlockSpec((bs, 64), lambda i: (i, 0)),
            pl.BlockSpec((bs, 64), lambda i: (i, 0)),
            pl.BlockSpec((bs, D), lambda i: (i, 0)),
            pl.BlockSpec((bs, 1), lambda i: (i, 0)),
            pl.BlockSpec((bs, 1), lambda i: (i, 0)),
            pl.BlockSpec((1, D), lambda i: (0, 0)),
            pl.BlockSpec((1, D), lambda i: (0, 0)),
            pl.BlockSpec((1, D), lambda i: (0, 0)),
        ],
        out_specs=pl.BlockSpec((bs, D), lambda i: (i, 0)),
        out_shape=jax.ShapeDtypeStruct((N, D), jnp.float32),
    )(p0, p1, h_env, c1.reshape(N, 1), c2.reshape(N, 1),
      b_env.reshape(1, D), ln_g.reshape(1, D), ln_b.reshape(1, D))


def _gumbel_hard0(logits, g):
    y = jax.nn.softmax((logits + g) / TEMP, axis=-1)
    idx = jnp.argmax(y, axis=-1)
    y_hard = jax.nn.one_hot(idx, 2, dtype=y.dtype)
    return ((y_hard - y) + y)[:, 0]


def kernel(x, edge_index, W_in, b_in, W_out, b_out, W_env, b_env,
           ln_in_g, ln_in_b, ln_out_g, ln_out_b):
    src, dst = edge_index[0], edge_index[1]
    pad = jnp.zeros((E_PAD - E,), dtype=jnp.int32)
    pad_d = N + jnp.arange(E_PAD - E, dtype=jnp.int32) % (N_ACC - N)

    W4 = jnp.concatenate([W_in, W_out], axis=1)
    b4 = jnp.concatenate([b_in, b_out])
    h4, h_env = _front(x, ln_in_g, ln_in_b, W4, W_env)

    z80g = jnp.zeros((80, 128), jnp.float32)
    src1wg = jnp.concatenate([src, pad]).reshape(NW, EPW)
    dst1wg = jnp.concatenate([dst, pad_d]).reshape(NW, EPW)

    cnt_p = _hist_reg(dst1wg, z80g)
    cnt = (cnt_p[0] + cnt_p[1]).reshape(N_ACC)[:N]
    dinv_u = 1.0 / jnp.sqrt(cnt + 1.0)

    h4s = dinv_u[:, None] * h4
    h4s2 = jnp.stack([h4s[:, :2], h4s[:, 2:]])
    z280 = jnp.zeros((2, 80, 128), jnp.float32)
    src1t = jnp.concatenate([src, pad]).reshape(NS, EPW2)
    dst1t = jnp.concatenate([dst, pad_d]).reshape(NS, EPW2)
    pre4_p = _pre4_reg(src1t, dst1t, h4s2, z280)
    pre4 = jnp.concatenate([pre4_p[0], pre4_p[1]]).reshape(4, N_ACC)[:, :N].T
    logits4 = dinv_u[:, None] * pre4 + (dinv_u ** 2)[:, None] * h4 + b4

    kg = jax.random.key(42)
    u1 = jax.random.uniform(jax.random.fold_in(kg, 0), (N, 2),
                            minval=1e-6, maxval=1.0)
    u2 = jax.random.uniform(jax.random.fold_in(kg, 1), (N, 2),
                            minval=1e-6, maxval=1.0)
    g1 = -jnp.log(-jnp.log(u1))
    g2 = -jnp.log(-jnp.log(u2))
    in_val = _gumbel_hard0(logits4[:, :2], g1)
    out_val = _gumbel_hard0(logits4[:, 2:], g2)

    zpad1 = jnp.zeros((N_ACC - N,), jnp.float32)
    sout_p = _gate_sout(src1wg, dst1wg,
                        jnp.concatenate([out_val, zpad1]), z80g)
    s_out = (sout_p[0] + sout_p[1]).reshape(N_ACC)[:N]
    deg_w = in_val * s_out + 1.0
    dinv_w = 1.0 / jnp.sqrt(deg_w)

    hh = _scale_rows_split(out_val * dinv_w, h_env)
    zrow64 = jnp.zeros((N_ACC, 64), jnp.float32)
    src3s = jnp.concatenate([src, pad]).reshape(NS, NBT, 128)
    dst3s = jnp.concatenate([dst, pad_d]).reshape(NS, NBT, 128)
    pre = _scatter_split(src3s, dst3s, hh, zrow64)

    c1 = dinv_w * in_val
    c2 = dinv_w ** 2
    return _final(pre[0, :N], pre[1, :N], h_env, c1, c2,
                  b_env, ln_out_g, ln_out_b)

# --- scband reference (transcript-rebuilt; emitter-appended) ---
"""Pipeline reference for scband-co-gnn-47562467835947 (READ-ONLY COPY).

The authoritative reference and input builder live on the scoring server;
editing this copy changes nothing except your own understanding.
"""

import jax, jax.numpy as jnp
import numpy as np

N = 10000
E = 320000
D = 128
TEMP = 0.5


def layer_norm(x, g, b, eps=1e-5):
    mu = jnp.mean(x, axis=-1, keepdims=True)
    var = jnp.mean((x - mu) ** 2, axis=-1, keepdims=True)
    return (x - mu) / jnp.sqrt(var + eps) * g + b


def gcn_conv(x, W, b, src, dst, n, edge_weight=None):
    # PyG GCNConv with normalize=True, add_self_loops=True, aggr='add'
    loop = jnp.arange(n, dtype=src.dtype)
    s = jnp.concatenate([src, loop])
    d = jnp.concatenate([dst, loop])
    if edge_weight is None:
        ew = jnp.ones(s.shape[0], dtype=x.dtype)
    else:
        ew = jnp.concatenate([edge_weight, jnp.ones(n, dtype=x.dtype)])
    deg = jnp.zeros(n, dtype=x.dtype).at[d].add(ew)
    dinv = jnp.where(deg > 0, 1.0 / jnp.sqrt(deg), 0.0)
    norm = dinv[s] * ew * dinv[d]
    h = x @ W
    msg = h[s] * norm[:, None]
    out = jnp.zeros((n, W.shape[1]), dtype=x.dtype).at[d].add(msg)
    return out + b


def gumbel_softmax_hard(logits, gumbels, tau):
    # straight-through gumbel softmax (F.gumbel_softmax hard=True)
    y_soft = jax.nn.softmax((logits + gumbels) / tau, axis=-1)
    idx = jnp.argmax(y_soft, axis=-1)
    y_hard = jax.nn.one_hot(idx, y_soft.shape[-1], dtype=y_soft.dtype)
    return jax.lax.stop_gradient(y_hard - y_soft) + y_soft


def cognn_forward(x, W_in, b_in, W_out, b_out, W_env, b_env, ln_in_g, ln_in_b, ln_out_g, ln_out_b, src, dst):
    n = x.shape[0]
    x = layer_norm(x, ln_in_g, ln_in_b)
    in_logits = gcn_conv(x, W_in, b_in, src, dst, n)
    out_logits = gcn_conv(x, W_out, b_out, src, dst, n)
    kg = jax.random.key(42)
    u1 = jax.random.uniform(jax.random.fold_in(kg, 0), in_logits.shape, minval=1e-6, maxval=1.0)
    u2 = jax.random.uniform(jax.random.fold_in(kg, 1), out_logits.shape, minval=1e-6, maxval=1.0)
    g1 = jax.lax.stop_gradient(-jnp.log(-jnp.log(u1)))
    g2 = jax.lax.stop_gradient(-jnp.log(-jnp.log(u2)))
    in_probs = gumbel_softmax_hard(in_logits, g1, TEMP)
    out_probs = gumbel_softmax_hard(out_logits, g2, TEMP)
    # edge kept iff destination keeps incoming and source keeps outgoing
    edge_weight = in_probs[:, 0][dst] * out_probs[:, 0][src]
    out = gcn_conv(x, W_env, b_env, src, dst, n, edge_weight)
    out = layer_norm(out, ln_out_g, ln_out_b)
    return out


def setup_inputs(seed: int = 0):
    key = jax.random.key(seed)
    ks = jax.random.split(key, 6)
    x = jax.random.normal(ks[0], (N, D), dtype=jnp.float32)
    edge_index = jax.random.randint(ks[1], (2, E), 0, N, dtype=jnp.int32)
    W_in = jax.random.normal(ks[2], (D, 2), dtype=jnp.float32) * 0.05
    b_in = jnp.zeros((2,), dtype=jnp.float32)
    W_out = jax.random.normal(ks[3], (D, 2), dtype=jnp.float32) * 0.05
    b_out = jnp.zeros((2,), dtype=jnp.float32)
    W_env = jax.random.normal(ks[4], (D, D), dtype=jnp.float32) * (1.0 / np.sqrt(D))
    b_env = jnp.zeros((D,), dtype=jnp.float32)
    ln_in_g = jnp.ones((D,), dtype=jnp.float32)
    ln_in_b = jnp.zeros((D,), dtype=jnp.float32)
    ln_out_g = jnp.ones((D,), dtype=jnp.float32)
    ln_out_b = jnp.zeros((D,), dtype=jnp.float32)
    return {"x": x, "edge_index": edge_index, "W_in": W_in, "b_in": b_in, "W_out": W_out, "b_out": b_out, "W_env": W_env, "b_env": b_env, "ln_in_g": ln_in_g, "ln_in_b": ln_in_b, "ln_out_g": ln_out_g, "ln_out_b": ln_out_b}


def reference(x, edge_index, W_in, b_in, W_out, b_out, W_env, b_env, ln_in_g, ln_in_b, ln_out_g, ln_out_b):
    return cognn_forward(x, W_in, b_in, W_out, b_out, W_env, b_env, ln_in_g, ln_in_b, ln_out_g, ln_out_b, edge_index[0], edge_index[1])

if __name__ == "__main__":
    import jax
    _d = setup_inputs()
    print(jax.jit(kernel)(*tuple(_d.values())))

</pallas_src>

<mosaic_0001>
#map = affine_map<(d0, d1) -> (0, 0)>
#map1 = affine_map<(d0, d1) -> (0)>
#map2 = affine_map<(d0, d1) -> (0, 0, 0)>
module attributes {stable_mosaic.version = 14 : i64} {
  func.func @_gate_sout(%arg0: i32, %arg1: i32, %arg2: memref<32x10240xi32, #tpu.memory_space<hbm>>, %arg3: memref<32x10240xi32, #tpu.memory_space<hbm>>, %arg4: memref<10240xf32, #tpu.memory_space<hbm>>, %arg5: memref<80x128xf32, #tpu.memory_space<hbm>>, %arg6: memref<2x80x128xf32, #tpu.memory_space<hbm>>, %arg7: memref<10240xi32, #tpu.memory_space<vmem>>, %arg8: memref<10240xi32, #tpu.memory_space<vmem>>, %arg9: memref<10240xf32, #tpu.memory_space<vmem>>, %arg10: memref<80x128xf32, #tpu.memory_space<vmem>>, %arg11: memref<1x80xi32, #tpu.memory_space<vmem>>, %arg12: memref<80x128xf32, #tpu.memory_space<vmem_shared>>) attributes {dimension_semantics = [#tpu.dimension_semantics<core_parallel>, #tpu.dimension_semantics<subcore_parallel>], iteration_bounds = array<i64: 2, 16>, scalar_prefetch = 0 : i64, scratch_operands = 6 : i64, tpu.core_type = #tpu.core_type<sc_vector_subcore>, window_params = [{transform_indices = #map}, {transform_indices = #map}, {transform_indices = #map1}, {transform_indices = #map}, {transform_indices = #map2}]} {
    %mul3A = arith.constant 2 : i32
    %mul3A_0 = arith.muli %arg1, %mul3A : i32
    %add3A = arith.addi %mul3A_0, %arg0 : i32
    "tpu.region"() ({
      %run_scoped3A_53 = tpu.sem_alloc : memref<!tpu.dma_semaphore, #tpu.memory_space<semaphore_mem>>
      %dma_start3A = arith.constant 0 : i32
      %dma_start3A_54 = tpu.memref_slice %arg2[%add3A, %dma_start3A] : memref<32x10240xi32, #tpu.memory_space<hbm>> -> memref<1x10240xi32, #tpu.memory_space<hbm>>
      %dma_start3A_55 = tpu.memref_squeeze %dma_start3A_54 : memref<1x10240xi32, #tpu.memory_space<hbm>> -> memref<10240xi32, #tpu.memory_space<hbm>>
      %dma_start3A_56 = arith.constant 0 : i32
      %dma_start3A_57 = tpu.memref_slice %arg2[%add3A, %dma_start3A_56] : memref<32x10240xi32, #tpu.memory_space<hbm>> -> memref<1x10240xi32, #tpu.memory_space<hbm>>
      %dma_start3A_58 = tpu.memref_squeeze %dma_start3A_57 : memref<1x10240xi32, #tpu.memory_space<hbm>> -> memref<10240xi32, #tpu.memory_space<hbm>>
      tpu.enqueue_dma source(%dma_start3A_58 : memref<10240xi32, #tpu.memory_space<hbm>>) target(%arg7 : memref<10240xi32, #tpu.memory_space<vmem>>) target_semaphore(%run_scoped3A_53 : memref<!tpu.dma_semaphore, #tpu.memory_space<semaphore_mem>>)
      %dma_wait3A = arith.constant 0 : i32
      %dma_wait3A_59 = tpu.memref_slice %arg2[%add3A, %dma_wait3A] : memref<32x10240xi32, #tpu.memory_space<hbm>> -> memref<1x10240xi32, #tpu.memory_space<hbm>>
      %dma_wait3A_60 = tpu.memref_squeeze %dma_wait3A_59 : memref<1x10240xi32, #tpu.memory_space<hbm>> -> memref<10240xi32, #tpu.memory_space<hbm>>
      %dma_wait3A_61 = arith.constant 0 : i32
      %dma_wait3A_62 = tpu.memref_slice %arg2[%add3A, %dma_wait3A_61] : memref<32x10240xi32, #tpu.memory_space<hbm>> -> memref<1x10240xi32, #tpu.memory_space<hbm>>
      %dma_wait3A_63 = tpu.memref_squeeze %dma_wait3A_62 : memref<1x10240xi32, #tpu.memory_space<hbm>> -> memref<10240xi32, #tpu.memory_space<hbm>>
      tpu.wait_dma2 semaphore(%run_scoped3A_53 : memref<!tpu.dma_semaphore, #tpu.memory_space<semaphore_mem>>) src(%dma_wait3A_63 : memref<10240xi32, #tpu.memory_space<hbm>>) dst(%arg7 : memref<10240xi32, #tpu.memory_space<vmem>>)
      tpu.yield
    }) : () -> ()
    "tpu.region"() ({
      %run_scoped3A_53 = tpu.sem_alloc : memref<!tpu.dma_semaphore, #tpu.memory_space<semaphore_mem>>
      %dma_start3A = arith.constant 0 : i32
      %dma_start3A_54 = tpu.memref_slice %arg3[%add3A, %dma_start3A] : memref<32x10240xi32, #tpu.memory_space<hbm>> -> memref<1x10240xi32, #tpu.memory_space<hbm>>
      %dma_start3A_55 = tpu.memref_squeeze %dma_start3A_54 : memref<1x10240xi32, #tpu.memory_space<hbm>> -> memref<10240xi32, #tpu.memory_space<hbm>>
      %dma_start3A_56 = arith.constant 0 : i32
      %dma_start3A_57 = tpu.memref_slice %arg3[%add3A, %dma_start3A_56] : memref<32x10240xi32, #tpu.memory_space<hbm>> -> memref<1x10240xi32, #tpu.memory_space<hbm>>
      %dma_start3A_58 = tpu.memref_squeeze %dma_start3A_57 : memref<1x10240xi32, #tpu.memory_space<hbm>> -> memref<10240xi32, #tpu.memory_space<hbm>>
      tpu.enqueue_dma source(%dma_start3A_58 : memref<10240xi32, #tpu.memory_space<hbm>>) target(%arg8 : memref<10240xi32, #tpu.memory_space<vmem>>) target_semaphore(%run_scoped3A_53 : memref<!tpu.dma_semaphore, #tpu.memory_space<semaphore_mem>>)
      %dma_wait3A = arith.constant 0 : i32
      %dma_wait3A_59 = tpu.memref_slice %arg3[%add3A, %dma_wait3A] : memref<32x10240xi32, #tpu.memory_space<hbm>> -> memref<1x10240xi32, #tpu.memory_space<hbm>>
      %dma_wait3A_60 = tpu.memref_squeeze %dma_wait3A_59 : memref<1x10240xi32, #tpu.memory_space<hbm>> -> memref<10240xi32, #tpu.memory_space<hbm>>
      %dma_wait3A_61 = arith.constant 0 : i32
      %dma_wait3A_62 = tpu.memref_slice %arg3[%add3A, %dma_wait3A_61] : memref<32x10240xi32, #tpu.memory_space<hbm>> -> memref<1x10240xi32, #tpu.memory_space<hbm>>
      %dma_wait3A_63 = tpu.memref_squeeze %dma_wait3A_62 : memref<1x10240xi32, #tpu.memory_space<hbm>> -> memref<10240xi32, #tpu.memory_space<hbm>>
      tpu.wait_dma2 semaphore(%run_scoped3A_53 : memref<!tpu.dma_semaphore, #tpu.memory_space<semaphore_mem>>) src(%dma_wait3A_63 : memref<10240xi32, #tpu.memory_space<hbm>>) dst(%arg8 : memref<10240xi32, #tpu.memory_space<vmem>>)
      tpu.yield
    }) : () -> ()
    "tpu.region"() ({
      %run_scoped3A_53 = tpu.sem_alloc : memref<!tpu.dma_semaphore, #tpu.memory_space<semaphore_mem>>
      tpu.enqueue_dma source(%arg4 : memref<10240xf32, #tpu.memory_space<hbm>>) target(%arg9 : memref<10240xf32, #tpu.memory_space<vmem>>) target_semaphore(%run_scoped3A_53 : memref<!tpu.dma_semaphore, #tpu.memory_space<semaphore_mem>>)
      tpu.wait_dma2 semaphore(%run_scoped3A_53 : memref<!tpu.dma_semaphore, #tpu.memory_space<semaphore_mem>>) src(%arg4 : memref<10240xf32, #tpu.memory_space<hbm>>) dst(%arg9 : memref<10240xf32, #tpu.memory_space<vmem>>)
      tpu.yield
    }) : () -> ()
    "tpu.region"() ({
      %run_scoped3A_53 = tpu.sem_alloc : memref<!tpu.dma_semaphore, #tpu.memory_space<semaphore_mem>>
      tpu.enqueue_dma source(%arg5 : memref<80x128xf32, #tpu.memory_space<hbm>>) target(%arg10 : memref<80x128xf32, #tpu.memory_space<vmem>>) target_semaphore(%run_scoped3A_53 : memref<!tpu.dma_semaphore, #tpu.memory_space<semaphore_mem>>)
      tpu.wait_dma2 semaphore(%run_scoped3A_53 : memref<!tpu.dma_semaphore, #tpu.memory_space<semaphore_mem>>) src(%arg5 : memref<80x128xf32, #tpu.memory_space<hbm>>) dst(%arg10 : memref<80x128xf32, #tpu.memory_space<vmem>>)
      tpu.yield
    }) : () -> ()
    %mul3A_1 = arith.constant 5 : i32
    %mul3A_2 = arith.muli %arg1, %mul3A_1 : i32
    %mul3A_3 = arith.constant 5 : i32
    %mul3A_4 = arith.muli %arg1, %mul3A_3 : i32
    "tpu.region"() ({
      %run_scoped3A_53 = tpu.sem_alloc : memref<!tpu.dma_semaphore, #tpu.memory_space<semaphore_mem>>
      %dma_start3A = arith.constant 0 : i32
      %dma_start3A_54 = tpu.memref_slice %arg12[%mul3A_4, %dma_start3A] : memref<80x128xf32, #tpu.memory_space<vmem_shared>> -> memref<5x128xf32, #tpu.memory_space<vmem_shared>>
      %dma_start3A_55 = arith.constant 0 : i32
      %dma_start3A_56 = tpu.memref_slice %arg5[%mul3A_2, %dma_start3A_55] : memref<80x128xf32, #tpu.memory_space<hbm>> -> memref<5x128xf32, #tpu.memory_space<hbm>>
      tpu.enqueue_dma source(%dma_start3A_56 : memref<5x128xf32, #tpu.memory_space<hbm>>) target(%dma_start3A_54 : memref<5x128xf32, #tpu.memory_space<vmem_shared>>) target_semaphore(%run_scoped3A_53 : memref<!tpu.dma_semaphore, #tpu.memory_space<semaphore_mem>>)
      %dma_wait3A = arith.constant 0 : i32
      %dma_wait3A_57 = tpu.memref_slice %arg12[%mul3A_4, %dma_wait3A] : memref<80x128xf32, #tpu.memory_space<vmem_shared>> -> memref<5x128xf32, #tpu.memory_space<vmem_shared>>
      %dma_wait3A_58 = arith.constant 0 : i32
      %dma_wait3A_59 = tpu.memref_slice %arg5[%mul3A_2, %dma_wait3A_58] : memref<80x128xf32, #tpu.memory_space<hbm>> -> memref<5x128xf32, #tpu.memory_space<hbm>>
      tpu.wait_dma2 semaphore(%run_scoped3A_53 : memref<!tpu.dma_semaphore, #tpu.memory_space<semaphore_mem>>) src(%dma_wait3A_59 : memref<5x128xf32, #tpu.memory_space<hbm>>) dst(%dma_wait3A_57 : memref<5x128xf32, #tpu.memory_space<vmem_shared>>)
      tpu.yield
    }) : () -> ()
    %iota3A = tpu.iota {dimensions = array<i32: 0>} : vector<16xi32>
    %add3A_5 = arith.constant 0 : i32
    %add3A_6 = vector.broadcast %add3A_5 : i32 to vector<16xi32>
    %add3A_7 = arith.addi %iota3A, %add3A_6 : vector<16xi32>
    %swap3A = arith.constant 0 : i32
    %swap3A_8 = arith.index_cast %swap3A : i32 to index
    %swap3A_9 = arith.constant 0 : index
    %swap3A_10 = tpu.vector_load %arg11[%swap3A_8, %swap3A_9] {strides = array<i32>} : memref<1x80xi32, #tpu.memory_space<vmem>>, vector<16xi32>,
    tpu.vector_store %arg11[%swap3A_8, %swap3A_9], %add3A_7 {strides = array<i32>} : memref<1x80xi32, #tpu.memory_space<vmem>>, vector<16xi32>,
    %iota3A_11 = tpu.iota {dimensions = array<i32: 0>} : vector<16xi32>
    %add3A_12 = arith.constant 16 : i32
    %add3A_13 = vector.broadcast %add3A_12 : i32 to vector<16xi32>
    %add3A_14 = arith.addi %iota3A_11, %add3A_13 : vector<16xi32>
    %swap3A_15 = arith.constant 0 : i32
    %swap3A_16 = arith.index_cast %swap3A_15 : i32 to index
    %swap3A_17 = arith.constant 16 : index
    %swap3A_18 = tpu.vector_load %arg11[%swap3A_16, %swap3A_17] {strides = array<i32>} : memref<1x80xi32, #tpu.memory_space<vmem>>, vector<16xi32>,
    tpu.vector_store %arg11[%swap3A_16, %swap3A_17], %add3A_14 {strides = array<i32>} : memref<1x80xi32, #tpu.memory_space<vmem>>, vector<16xi32>,
    %iota3A_19 = tpu.iota {dimensions = array<i32: 0>} : vector<16xi32>
    %add3A_20 = arith.constant 32 : i32
    %add3A_21 = vector.broadcast %add3A_20 : i32 to vector<16xi32>
    %add3A_22 = arith.addi %iota3A_19, %add3A_21 : vector<16xi32>
    %swap3A_23 = arith.constant 0 : i32
    %swap3A_24 = arith.index_cast %swap3A_23 : i32 to index
    %swap3A_25 = arith.constant 32 : index
    %swap3A_26 = tpu.vector_load %arg11[%swap3A_24, %swap3A_25] {strides = array<i32>} : memref<1x80xi32, #tpu.memory_space<vmem>>, vector<16xi32>,
    tpu.vector_store %arg11[%swap3A_24, %swap3A_25], %add3A_22 {strides = array<i32>} : memref<1x80xi32, #tpu.memory_space<vmem>>, vector<16xi32>,
    %iota3A_27 = tpu.iota {dimensions = array<i32: 0>} : vector<16xi32>
    %add3A_28 = arith.constant 48 : i32
    %add3A_29 = vector.broadcast %add3A_28 : i32 to vector<16xi32>
    %add3A_30 = arith.addi %iota3A_27, %add3A_29 : vector<16xi32>
    %swap3A_31 = arith.constant 0 : i32
    %swap3A_32 = arith.index_cast %swap3A_31 : i32 to index
    %swap3A_33 = arith.constant 48 : index
    %swap3A_34 = tpu.vector_load %arg11[%swap3A_32, %swap3A_33] {strides = array<i32>} : memref<1x80xi32, #tpu.memory_space<vmem>>, vector<16xi32>,
    tpu.vector_store %arg11[%swap3A_32, %swap3A_33], %add3A_30 {strides = array<i32>} : memref<1x80xi32, #tpu.memory_space<vmem>>, vector<16xi32>,
    %iota3A_35 = tpu.iota {dimensions = array<i32: 0>} : vector<16xi32>
    %add3A_36 = arith.constant 64 : i32
    %add3A_37 = vector.broadcast %add3A_36 : i32 to vector<16xi32>
    %add3A_38 = arith.addi %iota3A_35, %add3A_37 : vector<16xi32>
    %swap3A_39 = arith.constant 0 : i32
    %swap3A_40 = arith.index_cast %swap3A_39 : i32 to index
    %swap3A_41 = arith.constant 64 : index
    %swap3A_42 = tpu.vector_load %arg11[%swap3A_40, %swap3A_41] {strides = array<i32>} : memref<1x80xi32, #tpu.memory_space<vmem>>, vector<16xi32>,
    tpu.vector_store %arg11[%swap3A_40, %swap3A_41], %add3A_38 {strides = array<i32>} : memref<1x80xi32, #tpu.memory_space<vmem>>, vector<16xi32>,
    %scan3A = arith.constant 0 : i32
    %scan3A_43 = arith.constant 0 : i32
    %scan3A_44 = arith.constant 640 : i32
    %scan3A_45 = arith.addi %scan3A_43, %scan3A_44 : i32
    %scan3A_46 = arith.constant 1 : i32
    scf.for %scan3A_53 = %scan3A_43 to %scan3A_45 step %scan3A_46  : i32 {
      %mul3A_54 = arith.constant 16 : i32
      %mul3A_55 = arith.muli %scan3A_53, %mul3A_54 : i32
      %get3A = arith.index_cast %mul3A_55 : i32 to index
      %get3A_56 = tpu.vector_load %arg7[%get3A] {strides = array<i32>} : memref<10240xi32, #tpu.memory_space<vmem>>, vector<16xi32>,
      %mul3A_57 = arith.constant 16 : i32
      %mul3A_58 = arith.muli %scan3A_53, %mul3A_57 : i32
      %get3A_59 = arith.index_cast %mul3A_58 : i32 to index
      %get3A_60 = tpu.vector_load %arg8[%get3A_59] {strides = array<i32>} : memref<10240xi32, #tpu.memory_space<vmem>>, vector<16xi32>,
      %gather3A = tpu.vector_load_idx %arg9[%get3A_56] : memref<10240xf32, #tpu.memory_space<vmem>>[vector<16xi32>], vector<16xf32>,
      %shift_right_arithmetic3A = arith.constant 7 : i32
      %shift_right_arithmetic3A_61 = vector.broadcast %shift_right_arithmetic3A : i32 to vector<16xi32>
      %shift_right_arithmetic3A_62 = arith.shrsi %get3A_60, %shift_right_arithmetic3A_61 : vector<16xi32>
      %and3A = arith.constant 127 : i32
      %and3A_63 = vector.broadcast %and3A : i32 to vector<16xi32>
      %and3A_64 = arith.andi %get3A_60, %and3A_63 : vector<16xi32>
      tpu.vector_store_idx %arg10[%shift_right_arithmetic3A_62, %and3A_64], %gather3A {add = true} : memref<80x128xf32, #tpu.memory_space<vmem>>[vector<16xi32>, vector<16xi32>], vector<16xf32>,
    }
    %scan3A_47 = arith.constant 640 : i32
    %barrier3A = arith.constant 0 : index
    tpu.barrier barrier_id(%barrier3A)
    %run_scoped3A = arith.constant 0 : i32
    "tpu.region"() ({
      %run_scoped3A_53 = tpu.sem_alloc : memref<!tpu.dma_semaphore, #tpu.memory_space<semaphore_mem>>
      %dma_start3A = arith.constant 0 : i32
      %dma_start3A_54 = tpu.memref_slice %arg11[%run_scoped3A, %dma_start3A] : memref<1x80xi32, #tpu.memory_space<vmem>> -> memref<1x80xi32, #tpu.memory_space<vmem>>
      %dma_start3A_55 = tpu.memref_squeeze %dma_start3A_54 : memref<1x80xi32, #tpu.memory_space<vmem>> -> memref<80xi32, #tpu.memory_space<vmem>>
      %dma_start3A_56 = arith.constant 0 : i32
      %dma_start3A_57 = arith.constant 0 : i32
      %dma_start3A_58 = tpu.memref_slice %arg12[%dma_start3A_56, %dma_start3A_57] : memref<80x128xf32, #tpu.memory_space<vmem_shared>> -> memref<80x128xf32, #tpu.memory_space<vmem_shared>>
      tpu.enqueue_indirect_dma source(%arg10 : memref<80x128xf32, #tpu.memory_space<vmem>>) target(%dma_start3A_58 : memref<80x128xf32, #tpu.memory_space<vmem_shared>>) offsets(%dma_start3A_55 : memref<80xi32, #tpu.memory_space<vmem>>) semaphore(%run_scoped3A_53 : memref<!tpu.dma_semaphore, #tpu.memory_space<semaphore_mem>>) {add = true}
      %dma_wait3A = arith.constant 0 : i32
      %dma_wait3A_59 = tpu.memref_slice %arg11[%run_scoped3A, %dma_wait3A] : memref<1x80xi32, #tpu.memory_space<vmem>> -> memref<1x80xi32, #tpu.memory_space<vmem>>
      %dma_wait3A_60 = tpu.memref_squeeze %dma_wait3A_59 : memref<1x80xi32, #tpu.memory_space<vmem>> -> memref<80xi32, #tpu.memory_space<vmem>>
      %dma_wait3A_61 = arith.constant 0 : i32
      %dma_wait3A_62 = arith.constant 0 : i32
      %dma_wait3A_63 = tpu.memref_slice %arg12[%dma_wait3A_61, %dma_wait3A_62] : memref<80x128xf32, #tpu.memory_space<vmem_shared>> -> memref<80x128xf32, #tpu.memory_space<vmem_shared>>
      tpu.wait_indirect_dma semaphore(%run_scoped3A_53 : memref<!tpu.dma_semaphore, #tpu.memory_space<semaphore_mem>>) src(%arg10 : memref<80x128xf32, #tpu.memory_space<vmem>>) dst(%dma_wait3A_63 : memref<80x128xf32, #tpu.memory_space<vmem_shared>>)
      tpu.yield
    }) : () -> ()
    %barrier3A_48 = arith.constant 0 : index
    tpu.barrier barrier_id(%barrier3A_48)
    %mul3A_49 = arith.constant 5 : i32
    %mul3A_50 = arith.muli %arg1, %mul3A_49 : i32
    %mul3A_51 = arith.constant 5 : i32
    %mul3A_52 = arith.muli %arg1, %mul3A_51 : i32
    "tpu.region"() ({
      %run_scoped3A_53 = tpu.sem_alloc : memref<!tpu.dma_semaphore, #tpu.memory_space<semaphore_mem>>
      %dma_start3A = arith.constant 0 : i32
      %dma_start3A_54 = tpu.memref_slice %arg6[%arg0, %mul3A_52, %dma_start3A] : memref<2x80x128xf32, #tpu.memory_space<hbm>> -> memref<1x5x128xf32, #tpu.memory_space<hbm>>
      %dma_start3A_55 = tpu.memref_squeeze %dma_start3A_54 : memref<1x5x128xf32, #tpu.memory_space<hbm>> -> memref<5x128xf32, #tpu.memory_space<hbm>>
      %dma_start3A_56 = arith.constant 0 : i32
      %dma_start3A_57 = tpu.memref_slice %arg12[%mul3A_50, %dma_start3A_56] : memref<80x128xf32, #tpu.memory_space<vmem_shared>> -> memref<5x128xf32, #tpu.memory_space<vmem_shared>>
      tpu.enqueue_dma source(%dma_start3A_57 : memref<5x128xf32, #tpu.memory_space<vmem_shared>>) target(%dma_start3A_55 : memref<5x128xf32, #tpu.memory_space<hbm>>) target_semaphore(%run_scoped3A_53 : memref<!tpu.dma_semaphore, #tpu.memory_space<semaphore_mem>>)
      %dma_wait3A = arith.constant 0 : i32
      %dma_wait3A_58 = tpu.memref_slice %arg6[%arg0, %mul3A_52, %dma_wait3A] : memref<2x80x128xf32, #tpu.memory_space<hbm>> -> memref<1x5x128xf32, #tpu.memory_space<hbm>>
      %dma_wait3A_59 = tpu.memref_squeeze %dma_wait3A_58 : memref<1x5x128xf32, #tpu.memory_space<hbm>> -> memref<5x128xf32, #tpu.memory_space<hbm>>
      %dma_wait3A_60 = arith.constant 0 : i32
      %dma_wait3A_61 = tpu.memref_slice %arg12[%mul3A_50, %dma_wait3A_60] : memref<80x128xf32, #tpu.memory_space<vmem_shared>> -> memref<5x128xf32, #tpu.memory_space<vmem_shared>>
      tpu.wait_dma2 semaphore(%run_scoped3A_53 : memref<!tpu.dma_semaphore, #tpu.memory_space<semaphore_mem>>) src(%dma_wait3A_61 : memref<5x128xf32, #tpu.memory_space<vmem_shared>>) dst(%dma_wait3A_59 : memref<5x128xf32, #tpu.memory_space<hbm>>)
      tpu.yield
    }) : () -> ()
    return
  }
}

#map = affine_map<(d0, d1) -> (0, 0)>
#map1 = affine_map<(d0, d1) -> (0, 0, 0)>
module attributes {stable_mosaic.version = 14 : i64} {
  func.func @_hist_reg(%arg0: i32, %arg1: i32, %arg2: memref<32x10240xi32, #tpu.memory_space<hbm>>, %arg3: memref<80x128xf32, #tpu.memory_space<hbm>>, %arg4: memref<2x80x128xf32, #tpu.memory_space<hbm>>, %arg5: memref<10240xi32, #tpu.memory_space<vmem>>, %arg6: memref<80x128xf32, #tpu.memory_space<vmem>>, %arg7: memref<1x80xi32, #tpu.memory_space<vmem>>, %arg8: memref<80x128xf32, #tpu.memory_space<vmem_shared>>) attributes {dimension_semantics = [#tpu.dimension_semantics<core_parallel>, #tpu.dimension_semantics<subcore_parallel>], iteration_bounds = array<i64: 2, 16>, scalar_prefetch = 0 : i64, scratch_operands = 4 : i64, tpu.core_type = #tpu.core_type<sc_vector_subcore>, window_params = [{transform_indices = #map}, {transform_indices = #map}, {transform_indices = #map1}]} {
    %mul3A = arith.constant 2 : i32
    %mul3A_0 = arith.muli %arg1, %mul3A : i32
    %add3A = arith.addi %mul3A_0, %arg0 : i32
    "tpu.region"() ({
      %run_scoped3A_53 = tpu.sem_alloc : memref<!tpu.dma_semaphore, #tpu.memory_space<semaphore_mem>>
      %dma_start3A = arith.constant 0 : i32
      %dma_start3A_54 = tpu.memref_slice %arg2[%add3A, %dma_start3A] : memref<32x10240xi32, #tpu.memory_space<hbm>> -> memref<1x10240xi32, #tpu.memory_space<hbm>>
      %dma_start3A_55 = tpu.memref_squeeze %dma_start3A_54 : memref<1x10240xi32, #tpu.memory_space<hbm>> -> memref<10240xi32, #tpu.memory_space<hbm>>
      %dma_start3A_56 = arith.constant 0 : i32
      %dma_start3A_57 = tpu.memref_slice %arg2[%add3A, %dma_start3A_56] : memref<32x10240xi32, #tpu.memory_space<hbm>> -> memref<1x10240xi32, #tpu.memory_space<hbm>>
      %dma_start3A_58 = tpu.memref_squeeze %dma_start3A_57 : memref<1x10240xi32, #tpu.memory_space<hbm>> -> memref<10240xi32, #tpu.memory_space<hbm>>
      tpu.enqueue_dma source(%dma_start3A_58 : memref<10240xi32, #tpu.memory_space<hbm>>) target(%arg5 : memref<10240xi32, #tpu.memory_space<vmem>>) target_semaphore(%run_scoped3A_53 : memref<!tpu.dma_semaphore, #tpu.memory_space<semaphore_mem>>)
      %dma_wait3A = arith.constant 0 : i32
      %dma_wait3A_59 = tpu.memref_slice %arg2[%add3A, %dma_wait3A] : memref<32x10240xi32, #tpu.memory_space<hbm>> -> memref<1x10240xi32, #tpu.memory_space<hbm>>
      %dma_wait3A_60 = tpu.memref_squeeze %dma_wait3A_59 : memref<1x10240xi32, #tpu.memory_space<hbm>> -> memref<10240xi32, #tpu.memory_space<hbm>>
      %dma_wait3A_61 = arith.constant 0 : i32
      %dma_wait3A_62 = tpu.memref_slice %arg2[%add3A, %dma_wait3A_61] : memref<32x10240xi32, #tpu.memory_space<hbm>> -> memref<1x10240xi32, #tpu.memory_space<hbm>>
      %dma_wait3A_63 = tpu.memref_squeeze %dma_wait3A_62 : memref<1x10240xi32, #tpu.memory_space<hbm>> -> memref<10240xi32, #tpu.memory_space<hbm>>
      tpu.wait_dma2 semaphore(%run_scoped3A_53 : memref<!tpu.dma_semaphore, #tpu.memory_space<semaphore_mem>>) src(%dma_wait3A_63 : memref<10240xi32, #tpu.memory_space<hbm>>) dst(%arg5 : memref<10240xi32, #tpu.memory_space<vmem>>)
      tpu.yield
    }) : () -> ()
    "tpu.region"() ({
      %run_scoped3A_53 = tpu.sem_alloc : memref<!tpu.dma_semaphore, #tpu.memory_space<semaphore_mem>>
      tpu.enqueue_dma source(%arg3 : memref<80x128xf32, #tpu.memory_space<hbm>>) target(%arg6 : memref<80x128xf32, #tpu.memory_space<vmem>>) target_semaphore(%run_scoped3A_53 : memref<!tpu.dma_semaphore, #tpu.memory_space<semaphore_mem>>)
      tpu.wait_dma2 semaphore(%run_scoped3A_53 : memref<!tpu.dma_semaphore, #tpu.memory_space<semaphore_mem>>) src(%arg3 : memref<80x128xf32, #tpu.memory_space<hbm>>) dst(%arg6 : memref<80x128xf32, #tpu.memory_space<vmem>>)
      tpu.yield
    }) : () -> ()
    %mul3A_1 = arith.constant 5 : i32
    %mul3A_2 = arith.muli %arg1, %mul3A_1 : i32
    %mul3A_3 = arith.constant 5 : i32
    %mul3A_4 = arith.muli %arg1, %mul3A_3 : i32
    "tpu.region"() ({
      %run_scoped3A_53 = tpu.sem_alloc : memref<!tpu.dma_semaphore, #tpu.memory_space<semaphore_mem>>
      %dma_start3A = arith.constant 0 : i32
      %dma_start3A_54 = tpu.memref_slice %arg8[%mul3A_4, %dma_start3A] : memref<80x128xf32, #tpu.memory_space<vmem_shared>> -> memref<5x128xf32, #tpu.memory_space<vmem_shared>>
      %dma_start3A_55 = arith.constant 0 : i32
      %dma_start3A_56 = tpu.memref_slice %arg3[%mul3A_2, %dma_start3A_55] : memref<80x128xf32, #tpu.memory_space<hbm>> -> memref<5x128xf32, #tpu.memory_space<hbm>>
      tpu.enqueue_dma source(%dma_start3A_56 : memref<5x128xf32, #tpu.memory_space<hbm>>) target(%dma_start3A_54 : memref<5x128xf32, #tpu.memory_space<vmem_shared>>) target_semaphore(%run_scoped3A_53 : memref<!tpu.dma_semaphore, #tpu.memory_space<semaphore_mem>>)
      %dma_wait3A = arith.constant 0 : i32
      %dma_wait3A_57 = tpu.memref_slice %arg8[%mul3A_4, %dma_wait3A] : memref<80x128xf32, #tpu.memory_space<vmem_shared>> -> memref<5x128xf32, #tpu.memory_space<vmem_shared>>
      %dma_wait3A_58 = arith.constant 0 : i32
      %dma_wait3A_59 = tpu.memref_slice %arg3[%mul3A_2, %dma_wait3A_58] : memref<80x128xf32, #tpu.memory_space<hbm>> -> memref<5x128xf32, #tpu.memory_space<hbm>>
      tpu.wait_dma2 semaphore(%run_scoped3A_53 : memref<!tpu.dma_semaphore, #tpu.memory_space<semaphore_mem>>) src(%dma_wait3A_59 : memref<5x128xf32, #tpu.memory_space<hbm>>) dst(%dma_wait3A_57 : memref<5x128xf32, #tpu.memory_space<vmem_shared>>)
      tpu.yield
    }) : () -> ()
    %iota3A = tpu.iota {dimensions = array<i32: 0>} : vector<16xi32>
    %add3A_5 = arith.constant 0 : i32
    %add3A_6 = vector.broadcast %add3A_5 : i32 to vector<16xi32>
    %add3A_7 = arith.addi %iota3A, %add3A_6 : vector<16xi32>
    %swap3A = arith.constant 0 : i32
    %swap3A_8 = arith.index_cast %swap3A : i32 to index
    %swap3A_9 = arith.constant 0 : index
    %swap3A_10 = tpu.vector_load %arg7[%swap3A_8, %swap3A_9] {strides = array<i32>} : memref<1x80xi32, #tpu.memory_space<vmem>>, vector<16xi32>,
    tpu.vector_store %arg7[%swap3A_8, %swap3A_9], %add3A_7 {strides = array<i32>} : memref<1x80xi32, #tpu.memory_space<vmem>>, vector<16xi32>,
    %iota3A_11 = tpu.iota {dimensions = array<i32: 0>} : vector<16xi32>
    %add3A_12 = arith.constant 16 : i32
    %add3A_13 = vector.broadcast %add3A_12 : i32 to vector<16xi32>
    %add3A_14 = arith.addi %iota3A_11, %add3A_13 : vector<16xi32>
    %swap3A_15 = arith.constant 0 : i32
    %swap3A_16 = arith.index_cast %swap3A_15 : i32 to index
    %swap3A_17 = arith.constant 16 : index
    %swap3A_18 = tpu.vector_load %arg7[%swap3A_16, %swap3A_17] {strides = array<i32>} : memref<1x80xi32, #tpu.memory_space<vmem>>, vector<16xi32>,
    tpu.vector_store %arg7[%swap3A_16, %swap3A_17], %add3A_14 {strides = array<i32>} : memref<1x80xi32, #tpu.memory_space<vmem>>, vector<16xi32>,
    %iota3A_19 = tpu.iota {dimensions = array<i32: 0>} : vector<16xi32>
    %add3A_20 = arith.constant 32 : i32
    %add3A_21 = vector.broadcast %add3A_20 : i32 to vector<16xi32>
    %add3A_22 = arith.addi %iota3A_19, %add3A_21 : vector<16xi32>
    %swap3A_23 = arith.constant 0 : i32
    %swap3A_24 = arith.index_cast %swap3A_23 : i32 to index
    %swap3A_25 = arith.constant 32 : index
    %swap3A_26 = tpu.vector_load %arg7[%swap3A_24, %swap3A_25] {strides = array<i32>} : memref<1x80xi32, #tpu.memory_space<vmem>>, vector<16xi32>,
    tpu.vector_store %arg7[%swap3A_24, %swap3A_25], %add3A_22 {strides = array<i32>} : memref<1x80xi32, #tpu.memory_space<vmem>>, vector<16xi32>,
    %iota3A_27 = tpu.iota {dimensions = array<i32: 0>} : vector<16xi32>
    %add3A_28 = arith.constant 48 : i32
    %add3A_29 = vector.broadcast %add3A_28 : i32 to vector<16xi32>
    %add3A_30 = arith.addi %iota3A_27, %add3A_29 : vector<16xi32>
    %swap3A_31 = arith.constant 0 : i32
    %swap3A_32 = arith.index_cast %swap3A_31 : i32 to index
    %swap3A_33 = arith.constant 48 : index
    %swap3A_34 = tpu.vector_load %arg7[%swap3A_32, %swap3A_33] {strides = array<i32>} : memref<1x80xi32, #tpu.memory_space<vmem>>, vector<16xi32>,
    tpu.vector_store %arg7[%swap3A_32, %swap3A_33], %add3A_30 {strides = array<i32>} : memref<1x80xi32, #tpu.memory_space<vmem>>, vector<16xi32>,
    %iota3A_35 = tpu.iota {dimensions = array<i32: 0>} : vector<16xi32>
    %add3A_36 = arith.constant 64 : i32
    %add3A_37 = vector.broadcast %add3A_36 : i32 to vector<16xi32>
    %add3A_38 = arith.addi %iota3A_35, %add3A_37 : vector<16xi32>
    %swap3A_39 = arith.constant 0 : i32
    %swap3A_40 = arith.index_cast %swap3A_39 : i32 to index
    %swap3A_41 = arith.constant 64 : index
    %swap3A_42 = tpu.vector_load %arg7[%swap3A_40, %swap3A_41] {strides = array<i32>} : memref<1x80xi32, #tpu.memory_space<vmem>>, vector<16xi32>,
    tpu.vector_store %arg7[%swap3A_40, %swap3A_41], %add3A_38 {strides = array<i32>} : memref<1x80xi32, #tpu.memory_space<vmem>>, vector<16xi32>,
    %scan3A = arith.constant 0 : i32
    %scan3A_43 = arith.constant 0 : i32
    %scan3A_44 = arith.constant 640 : i32
    %scan3A_45 = arith.addi %scan3A_43, %scan3A_44 : i32
    %scan3A_46 = arith.constant 1 : i32
    scf.for %scan3A_53 = %scan3A_43 to %scan3A_45 step %scan3A_46  : i32 {
      %mul3A_54 = arith.constant 16 : i32
      %mul3A_55 = arith.muli %scan3A_53, %mul3A_54 : i32
      %get3A = arith.index_cast %mul3A_55 : i32 to index
      %get3A_56 = tpu.vector_load %arg5[%get3A] {strides = array<i32>} : memref<10240xi32, #tpu.memory_space<vmem>>, vector<16xi32>,
      %shift_right_arithmetic3A = arith.constant 7 : i32
      %shift_right_arithmetic3A_57 = vector.broadcast %shift_right_arithmetic3A : i32 to vector<16xi32>
      %shift_right_arithmetic3A_58 = arith.shrsi %get3A_56, %shift_right_arithmetic3A_57 : vector<16xi32>
      %and3A = arith.constant 127 : i32
      %and3A_59 = vector.broadcast %and3A : i32 to vector<16xi32>
      %and3A_60 = arith.andi %get3A_56, %and3A_59 : vector<16xi32>
      %broadcast_in_dim3A = arith.constant 1.000000e+00 : f32
      %broadcast_in_dim3A_61 = vector.broadcast %broadcast_in_dim3A : f32 to vector<16xf32>
      tpu.vector_store_idx %arg6[%shift_right_arithmetic3A_58, %and3A_60], %broadcast_in_dim3A_61 {add = true} : memref<80x128xf32, #tpu.memory_space<vmem>>[vector<16xi32>, vector<16xi32>], vector<16xf32>,
    }
    %scan3A_47 = arith.constant 640 : i32
    %barrier3A = arith.constant 0 : index
    tpu.barrier barrier_id(%barrier3A)
    %run_scoped3A = arith.constant 0 : i32
    "tpu.region"() ({
      %run_scoped3A_53 = tpu.sem_alloc : memref<!tpu.dma_semaphore, #tpu.memory_space<semaphore_mem>>
      %dma_start3A = arith.constant 0 : i32
      %dma_start3A_54 = tpu.memref_slice %arg7[%run_scoped3A, %dma_start3A] : memref<1x80xi32, #tpu.memory_space<vmem>> -> memref<1x80xi32, #tpu.memory_space<vmem>>
      %dma_start3A_55 = tpu.memref_squeeze %dma_start3A_54 : memref<1x80xi32, #tpu.memory_space<vmem>> -> memref<80xi32, #tpu.memory_space<vmem>>
      %dma_start3A_56 = arith.constant 0 : i32
      %dma_start3A_57 = arith.constant 0 : i32
      %dma_start3A_58 = tpu.memref_slice %arg8[%dma_start3A_56, %dma_start3A_57] : memref<80x128xf32, #tpu.memory_space<vmem_shared>> -> memref<80x128xf32, #tpu.memory_space<vmem_shared>>
      tpu.enqueue_indirect_dma source(%arg6 : memref<80x128xf32, #tpu.memory_space<vmem>>) target(%dma_start3A_58 : memref<80x128xf32, #tpu.memory_space<vmem_shared>>) offsets(%dma_start3A_55 : memref<80xi32, #tpu.memory_space<vmem>>) semaphore(%run_scoped3A_53 : memref<!tpu.dma_semaphore, #tpu.memory_space<semaphore_mem>>) {add = true}
      %dma_wait3A = arith.constant 0 : i32
      %dma_wait3A_59 = tpu.memref_slice %arg7[%run_scoped3A, %dma_wait3A] : memref<1x80xi32, #tpu.memory_space<vmem>> -> memref<1x80xi32, #tpu.memory_space<vmem>>
      %dma_wait3A_60 = tpu.memref_squeeze %dma_wait3A_59 : memref<1x80xi32, #tpu.memory_space<vmem>> -> memref<80xi32, #tpu.memory_space<vmem>>
      %dma_wait3A_61 = arith.constant 0 : i32
      %dma_wait3A_62 = arith.constant 0 : i32
      %dma_wait3A_63 = tpu.memref_slice %arg8[%dma_wait3A_61, %dma_wait3A_62] : memref<80x128xf32, #tpu.memory_space<vmem_shared>> -> memref<80x128xf32, #tpu.memory_space<vmem_shared>>
      tpu.wait_indirect_dma semaphore(%run_scoped3A_53 : memref<!tpu.dma_semaphore, #tpu.memory_space<semaphore_mem>>) src(%arg6 : memref<80x128xf32, #tpu.memory_space<vmem>>) dst(%dma_wait3A_63 : memref<80x128xf32, #tpu.memory_space<vmem_shared>>)
      tpu.yield
    }) : () -> ()
    %barrier3A_48 = arith.constant 0 : index
    tpu.barrier barrier_id(%barrier3A_48)
    %mul3A_49 = arith.constant 5 : i32
    %mul3A_50 = arith.muli %arg1, %mul3A_49 : i32
    %mul3A_51 = arith.constant 5 : i32
    %mul3A_52 = arith.muli %arg1, %mul3A_51 : i32
    "tpu.region"() ({
      %run_scoped3A_53 = tpu.sem_alloc : memref<!tpu.dma_semaphore, #tpu.memory_space<semaphore_mem>>
      %dma_start3A = arith.constant 0 : i32
      %dma_start3A_54 = tpu.memref_slice %arg4[%arg0, %mul3A_52, %dma_start3A] : memref<2x80x128xf32, #tpu.memory_space<hbm>> -> memref<1x5x128xf32, #tpu.memory_space<hbm>>
      %dma_start3A_55 = tpu.memref_squeeze %dma_start3A_54 : memref<1x5x128xf32, #tpu.memory_space<hbm>> -> memref<5x128xf32, #tpu.memory_space<hbm>>
      %dma_start3A_56 = arith.constant 0 : i32
      %dma_start3A_57 = tpu.memref_slice %arg8[%mul3A_50, %dma_start3A_56] : memref<80x128xf32, #tpu.memory_space<vmem_shared>> -> memref<5x128xf32, #tpu.memory_space<vmem_shared>>
      tpu.enqueue_dma source(%dma_start3A_57 : memref<5x128xf32, #tpu.memory_space<vmem_shared>>) target(%dma_start3A_55 : memref<5x128xf32, #tpu.memory_space<hbm>>) target_semaphore(%run_scoped3A_53 : memref<!tpu.dma_semaphore, #tpu.memory_space<semaphore_mem>>)
      %dma_wait3A = arith.constant 0 : i32
      %dma_wait3A_58 = tpu.memref_slice %arg4[%arg0, %mul3A_52, %dma_wait3A] : memref<2x80x128xf32, #tpu.memory_space<hbm>> -> memref<1x5x128xf32, #tpu.memory_space<hbm>>
      %dma_wait3A_59 = tpu.memref_squeeze %dma_wait3A_58 : memref<1x5x128xf32, #tpu.memory_space<hbm>> -> memref<5x128xf32, #tpu.memory_space<hbm>>
      %dma_wait3A_60 = arith.constant 0 : i32
      %dma_wait3A_61 = tpu.memref_slice %arg8[%mul3A_50, %dma_wait3A_60] : memref<80x128xf32, #tpu.memory_space<vmem_shared>> -> memref<5x128xf32, #tpu.memory_space<vmem_shared>>
      tpu.wait_dma2 semaphore(%run_scoped3A_53 : memref<!tpu.dma_semaphore, #tpu.memory_space<semaphore_mem>>) src(%dma_wait3A_61 : memref<5x128xf32, #tpu.memory_space<vmem_shared>>) dst(%dma_wait3A_59 : memref<5x128xf32, #tpu.memory_space<hbm>>)
      tpu.yield
    }) : () -> ()
    return
  }
}

#map = affine_map<(d0, d1) -> (0, 0, 0)>
#map1 = affine_map<(d0, d1) -> (0, 0)>
module attributes {stable_mosaic.version = 14 : i64} {
  func.func @_scatter_split(%arg0: i32, %arg1: i32, %arg2: memref<16x160x128xi32, #tpu.memory_space<hbm>>, %arg3: memref<16x160x128xi32, #tpu.memory_space<hbm>>, %arg4: memref<2x10000x64xf32, #tpu.memory_space<hbm>>, %arg5: memref<10240x64xf32, #tpu.memory_space<hbm>>, %arg6: memref<2x10240x64xf32, #tpu.memory_space<hbm>>, %arg7: memref<160x128xi32, #tpu.memory_space<vmem>>, %arg8: memref<160x128xi32, #tpu.memory_space<vmem>>, %arg9: memref<5x128x64xf32, #tpu.memory_space<vmem>>, %arg10: memref<10240x64xf32, #tpu.memory_space<vmem_shared>>, %arg11: memref<!tpu.dma_semaphore, #tpu.memory_space<semaphore_mem>>, %arg12: memref<!tpu.dma_semaphore, #tpu.memory_space<semaphore_mem>>) attributes {dimension_semantics = [#tpu.dimension_semantics<core_parallel>, #tpu.dimension_semantics<subcore_parallel>], iteration_bounds = array<i64: 2, 16>, scalar_prefetch = 0 : i64, scratch_operands = 6 : i64, tpu.core_type = #tpu.core_type<sc_vector_subcore>, window_params = [{transform_indices = #map}, {transform_indices = #map}, {transform_indices = #map}, {transform_indices = #map1}, {transform_indices = #map}]} {
    %mul3A = arith.constant 640 : i32
    %mul3A_0 = arith.muli %arg1, %mul3A : i32
    %mul3A_1 = arith.constant 640 : i32
    %mul3A_2 = arith.muli %arg1, %mul3A_1 : i32
    "tpu.region"() ({
      %run_scoped3A = tpu.sem_alloc : memref<!tpu.dma_semaphore, #tpu.memory_space<semaphore_mem>>
      %dma_start3A = arith.constant 0 : i32
      %dma_start3A_13 = tpu.memref_slice %arg10[%mul3A_2, %dma_start3A] : memref<10240x64xf32, #tpu.memory_space<vmem_shared>> -> memref<640x64xf32, #tpu.memory_space<vmem_shared>>
      %dma_start3A_14 = arith.constant 0 : i32
      %dma_start3A_15 = tpu.memref_slice %arg5[%mul3A_0, %dma_start3A_14] : memref<10240x64xf32, #tpu.memory_space<hbm>> -> memref<640x64xf32, #tpu.memory_space<hbm>>
      tpu.enqueue_dma source(%dma_start3A_15 : memref<640x64xf32, #tpu.memory_space<hbm>>) target(%dma_start3A_13 : memref<640x64xf32, #tpu.memory_space<vmem_shared>>) target_semaphore(%run_scoped3A : memref<!tpu.dma_semaphore, #tpu.memory_space<semaphore_mem>>)
      %dma_wait3A = arith.constant 0 : i32
      %dma_wait3A_16 = tpu.memref_slice %arg10[%mul3A_2, %dma_wait3A] : memref<10240x64xf32, #tpu.memory_space<vmem_shared>> -> memref<640x64xf32, #tpu.memory_space<vmem_shared>>
      %dma_wait3A_17 = arith.constant 0 : i32
      %dma_wait3A_18 = tpu.memref_slice %arg5[%mul3A_0, %dma_wait3A_17] : memref<10240x64xf32, #tpu.memory_space<hbm>> -> memref<640x64xf32, #tpu.memory_space<hbm>>
      tpu.wait_dma2 semaphore(%run_scoped3A : memref<!tpu.dma_semaphore, #tpu.memory_space<semaphore_mem>>) src(%dma_wait3A_18 : memref<640x64xf32, #tpu.memory_space<hbm>>) dst(%dma_wait3A_16 : memref<640x64xf32, #tpu.memory_space<vmem_shared>>)
      tpu.yield
    }) : () -> ()
    "tpu.region"() ({
      %run_scoped3A = tpu.sem_alloc : memref<!tpu.dma_semaphore, #tpu.memory_space<semaphore_mem>>
      %dma_start3A = arith.constant 0 : i32
      %dma_start3A_13 = arith.constant 0 : i32
      %dma_start3A_14 = tpu.memref_slice %arg2[%arg1, %dma_start3A, %dma_start3A_13] : memref<16x160x128xi32, #tpu.memory_space<hbm>> -> memref<1x160x128xi32, #tpu.memory_space<hbm>>
      %dma_start3A_15 = tpu.memref_squeeze %dma_start3A_14 : memref<1x160x128xi32, #tpu.memory_space<hbm>> -> memref<160x128xi32, #tpu.memory_space<hbm>>
      %dma_start3A_16 = arith.constant 0 : i32
      %dma_start3A_17 = arith.constant 0 : i32
      %dma_start3A_18 = tpu.memref_slice %arg2[%arg1, %dma_start3A_16, %dma_start3A_17] : memref<16x160x128xi32, #tpu.memory_space<hbm>> -> memref<1x160x128xi32, #tpu.memory_space<hbm>>
      %dma_start3A_19 = tpu.memref_squeeze %dma_start3A_18 : memref<1x160x128xi32, #tpu.memory_space<hbm>> -> memref<160x128xi32, #tpu.memory_space<hbm>>
      tpu.enqueue_dma source(%dma_start3A_19 : memref<160x128xi32, #tpu.memory_space<hbm>>) target(%arg7 : memref<160x128xi32, #tpu.memory_space<vmem>>) target_semaphore(%run_scoped3A : memref<!tpu.dma_semaphore, #tpu.memory_space<semaphore_mem>>)
      %dma_wait3A = arith.constant 0 : i32
      %dma_wait3A_20 = arith.constant 0 : i32
      %dma_wait3A_21 = tpu.memref_slice %arg2[%arg1, %dma_wait3A, %dma_wait3A_20] : memref<16x160x128xi32, #tpu.memory_space<hbm>> -> memref<1x160x128xi32, #tpu.memory_space<hbm>>
      %dma_wait3A_22 = tpu.memref_squeeze %dma_wait3A_21 : memref<1x160x128xi32, #tpu.memory_space<hbm>> -> memref<160x128xi32, #tpu.memory_space<hbm>>
      %dma_wait3A_23 = arith.constant 0 : i32
      %dma_wait3A_24 = arith.constant 0 : i32
      %dma_wait3A_25 = tpu.memref_slice %arg2[%arg1, %dma_wait3A_23, %dma_wait3A_24] : memref<16x160x128xi32, #tpu.memory_space<hbm>> -> memref<1x160x128xi32, #tpu.memory_space<hbm>>
      %dma_wait3A_26 = tpu.memref_squeeze %dma_wait3A_25 : memref<1x160x128xi32, #tpu.memory_space<hbm>> -> memref<160x128xi32, #tpu.memory_space<hbm>>
      tpu.wait_dma2 semaphore(%run_scoped3A : memref<!tpu.dma_semaphore, #tpu.memory_space<semaphore_mem>>) src(%dma_wait3A_26 : memref<160x128xi32, #tpu.memory_space<hbm>>) dst(%arg7 : memref<160x128xi32, #tpu.memory_space<vmem>>)
      tpu.yield
    }) : () -> ()
    "tpu.region"() ({
      %run_scoped3A = tpu.sem_alloc : memref<!tpu.dma_semaphore, #tpu.memory_space<semaphore_mem>>
      %dma_start3A = arith.constant 0 : i32
      %dma_start3A_13 = arith.constant 0 : i32
      %dma_start3A_14 = tpu.memref_slice %arg3[%arg1, %dma_start3A, %dma_start3A_13] : memref<16x160x128xi32, #tpu.memory_space<hbm>> -> memref<1x160x128xi32, #tpu.memory_space<hbm>>
      %dma_start3A_15 = tpu.memref_squeeze %dma_start3A_14 : memref<1x160x128xi32, #tpu.memory_space<hbm>> -> memref<160x128xi32, #tpu.memory_space<hbm>>
      %dma_start3A_16 = arith.constant 0 : i32
      %dma_start3A_17 = arith.constant 0 : i32
      %dma_start3A_18 = tpu.memref_slice %arg3[%arg1, %dma_start3A_16, %dma_start3A_17] : memref<16x160x128xi32, #tpu.memory_space<hbm>> -> memref<1x160x128xi32, #tpu.memory_space<hbm>>
      %dma_start3A_19 = tpu.memref_squeeze %dma_start3A_18 : memref<1x160x128xi32, #tpu.memory_space<hbm>> -> memref<160x128xi32, #tpu.memory_space<hbm>>
      tpu.enqueue_dma source(%dma_start3A_19 : memref<160x128xi32, #tpu.memory_space<hbm>>) target(%arg8 : memref<160x128xi32, #tpu.memory_space<vmem>>) target_semaphore(%run_scoped3A : memref<!tpu.dma_semaphore, #tpu.memory_space<semaphore_mem>>)
      %dma_wait3A = arith.constant 0 : i32
      %dma_wait3A_20 = arith.constant 0 : i32
      %dma_wait3A_21 = tpu.memref_slice %arg3[%arg1, %dma_wait3A, %dma_wait3A_20] : memref<16x160x128xi32, #tpu.memory_space<hbm>> -> memref<1x160x128xi32, #tpu.memory_space<hbm>>
      %dma_wait3A_22 = tpu.memref_squeeze %dma_wait3A_21 : memref<1x160x128xi32, #tpu.memory_space<hbm>> -> memref<160x128xi32, #tpu.memory_space<hbm>>
      %dma_wait3A_23 = arith.constant 0 : i32
      %dma_wait3A_24 = arith.constant 0 : i32
      %dma_wait3A_25 = tpu.memref_slice %arg3[%arg1, %dma_wait3A_23, %dma_wait3A_24] : memref<16x160x128xi32, #tpu.memory_space<hbm>> -> memref<1x160x128xi32, #tpu.memory_space<hbm>>
      %dma_wait3A_26 = tpu.memref_squeeze %dma_wait3A_25 : memref<1x160x128xi32, #tpu.memory_space<hbm>> -> memref<160x128xi32, #tpu.memory_space<hbm>>
      tpu.wait_dma2 semaphore(%run_scoped3A : memref<!tpu.dma_semaphore, #tpu.memory_space<semaphore_mem>>) src(%dma_wait3A_26 : memref<160x128xi32, #tpu.memory_space<hbm>>) dst(%arg8 : memref<160x128xi32, #tpu.memory_space<vmem>>)
      tpu.yield
    }) : () -> ()
    %barrier3A = arith.constant 0 : index
    tpu.barrier barrier_id(%barrier3A)
    %scan3A = arith.constant 0 : i32
    %scan3A_3 = arith.constant 0 : i32
    %scan3A_4 = arith.constant 32 : i32
    %scan3A_5 = arith.addi %scan3A_3, %scan3A_4 : i32
    %scan3A_6 = arith.constant 1 : i32
    scf.for %scan3A_13 = %scan3A_3 to %scan3A_5 step %scan3A_6  : i32 {
      %mul3A_14 = arith.constant 5 : i32
      %mul3A_15 = arith.muli %scan3A_13, %mul3A_14 : i32
      %add3A = arith.constant 0 : i32
      %add3A_16 = arith.addi %mul3A_15, %add3A : i32
      %dma_start3A = arith.constant 0 : i32
      %dma_start3A_17 = arith.constant 0 : i32
      %dma_start3A_18 = arith.constant 0 : i32
      %dma_start3A_19 = tpu.memref_slice %arg9[%dma_start3A, %dma_start3A_17, %dma_start3A_18] : memref<5x128x64xf32, #tpu.memory_space<vmem>> -> memref<1x128x64xf32, #tpu.memory_space<vmem>>
      %dma_start3A_20 = tpu.memref_squeeze %dma_start3A_19 : memref<1x128x64xf32, #tpu.memory_space<vmem>> -> memref<128x64xf32, #tpu.memory_space<vmem>>
      %dma_start3A_21 = arith.constant 0 : i32
      %dma_start3A_22 = tpu.memref_slice %arg7[%add3A_16, %dma_start3A_21] : memref<160x128xi32, #tpu.memory_space<vmem>> -> memref<1x128xi32, #tpu.memory_space<vmem>>
      %dma_start3A_23 = tpu.memref_squeeze %dma_start3A_22 : memref<1x128xi32, #tpu.memory_space<vmem>> -> memref<128xi32, #tpu.memory_space<vmem>>
      %dma_start3A_24 = arith.constant 0 : i32
      %dma_start3A_25 = arith.constant 0 : i32
      %dma_start3A_26 = tpu.memref_slice %arg4[%arg0, %dma_start3A_24, %dma_start3A_25] : memref<2x10000x64xf32, #tpu.memory_space<hbm>> -> memref<1x10000x64xf32, #tpu.memory_space<hbm>>
      %dma_start3A_27 = tpu.memref_squeeze %dma_start3A_26 : memref<1x10000x64xf32, #tpu.memory_space<hbm>> -> memref<10000x64xf32, #tpu.memory_space<hbm>>
      %dma_start3A_28 = arith.constant 0 : i32
      %dma_start3A_29 = arith.constant 0 : i32
      %dma_start3A_30 = tpu.memref_slice %dma_start3A_27[%dma_start3A_28, %dma_start3A_29] : memref<10000x64xf32, #tpu.memory_space<hbm>> -> memref<10000x64xf32, #tpu.memory_space<hbm>>
      tpu.enqueue_indirect_dma source(%dma_start3A_30 : memref<10000x64xf32, #tpu.memory_space<hbm>>) target(%dma_start3A_20 : memref<128x64xf32, #tpu.memory_space<vmem>>) offsets(%dma_start3A_23 : memref<128xi32, #tpu.memory_space<vmem>>) semaphore(%arg11 : memref<!tpu.dma_semaphore, #tpu.memory_space<semaphore_mem>>)
      %mul3A_31 = arith.constant 5 : i32
      %mul3A_32 = arith.muli %scan3A_13, %mul3A_31 : i32
      %add3A_33 = arith.constant 1 : i32
      %add3A_34 = arith.addi %mul3A_32, %add3A_33 : i32
      %dma_start3A_35 = arith.constant 1 : i32
      %dma_start3A_36 = arith.constant 0 : i32
      %dma_start3A_37 = arith.constant 0 : i32
      %dma_start3A_38 = tpu.memref_slice %arg9[%dma_start3A_35, %dma_start3A_36, %dma_start3A_37] : memref<5x128x64xf32, #tpu.memory_space<vmem>> -> memref<1x128x64xf32, #tpu.memory_space<vmem>>
      %dma_start3A_39 = tpu.memref_squeeze %dma_start3A_38 : memref<1x128x64xf32, #tpu.memory_space<vmem>> -> memref<128x64xf32, #tpu.memory_space<vmem>>
      %dma_start3A_40 = arith.constant 0 : i32
      %dma_start3A_41 = tpu.memref_slice %arg7[%add3A_34, %dma_start3A_40] : memref<160x128xi32, #tpu.memory_space<vmem>> -> memref<1x128xi32, #tpu.memory_space<vmem>>
      %dma_start3A_42 = tpu.memref_squeeze %dma_start3A_41 : memref<1x128xi32, #tpu.memory_space<vmem>> -> memref<128xi32, #tpu.memory_space<vmem>>
      %dma_start3A_43 = arith.constant 0 : i32
      %dma_start3A_44 = arith.constant 0 : i32
      %dma_start3A_45 = tpu.memref_slice %arg4[%arg0, %dma_start3A_43, %dma_start3A_44] : memref<2x10000x64xf32, #tpu.memory_space<hbm>> -> memref<1x10000x64xf32, #tpu.memory_space<hbm>>
      %dma_start3A_46 = tpu.memref_squeeze %dma_start3A_45 : memref<1x10000x64xf32, #tpu.memory_space<hbm>> -> memref<10000x64xf32, #tpu.memory_space<hbm>>
      %dma_start3A_47 = arith.constant 0 : i32
      %dma_start3A_48 = arith.constant 0 : i32
      %dma_start3A_49 = tpu.memref_slice %dma_start3A_46[%dma_start3A_47, %dma_start3A_48] : memref<10000x64xf32, #tpu.memory_space<hbm>> -> memref<10000x64xf32, #tpu.memory_space<hbm>>
      tpu.enqueue_indirect_dma source(%dma_start3A_49 : memref<10000x64xf32, #tpu.memory_space<hbm>>) target(%dma_start3A_39 : memref<128x64xf32, #tpu.memory_space<vmem>>) offsets(%dma_start3A_42 : memref<128xi32, #tpu.memory_space<vmem>>) semaphore(%arg11 : memref<!tpu.dma_semaphore, #tpu.memory_space<semaphore_mem>>)
      %mul3A_50 = arith.constant 5 : i32
      %mul3A_51 = arith.muli %scan3A_13, %mul3A_50 : i32
      %add3A_52 = arith.constant 2 : i32
      %add3A_53 = arith.addi %mul3A_51, %add3A_52 : i32
      %dma_start3A_54 = arith.constant 2 : i32
      %dma_start3A_55 = arith.constant 0 : i32
      %dma_start3A_56 = arith.constant 0 : i32
      %dma_start3A_57 = tpu.memref_slice %arg9[%dma_start3A_54, %dma_start3A_55, %dma_start3A_56] : memref<5x128x64xf32, #tpu.memory_space<vmem>> -> memref<1x128x64xf32, #tpu.memory_space<vmem>>
      %dma_start3A_58 = tpu.memref_squeeze %dma_start3A_57 : memref<1x128x64xf32, #tpu.memory_space<vmem>> -> memref<128x64xf32, #tpu.memory_space<vmem>>
      %dma_start3A_59 = arith.constant 0 : i32
      %dma_start3A_60 = tpu.memref_slice %arg7[%add3A_53, %dma_start3A_59] : memref<160x128xi32, #tpu.memory_space<vmem>> -> memref<1x128xi32, #tpu.memory_space<vmem>>
      %dma_start3A_61 = tpu.memref_squeeze %dma_start3A_60 : memref<1x128xi32, #tpu.memory_space<vmem>> -> memref<128xi32, #tpu.memory_space<vmem>>
      %dma_start3A_62 = arith.constant 0 : i32
      %dma_start3A_63 = arith.constant 0 : i32
      %dma_start3A_64 = tpu.memref_slice %arg4[%arg0, %dma_start3A_62, %dma_start3A_63] : memref<2x10000x64xf32, #tpu.memory_space<hbm>> -> memref<1x10000x64xf32, #tpu.memory_space<hbm>>
      %dma_start3A_65 = tpu.memref_squeeze %dma_start3A_64 : memref<1x10000x64xf32, #tpu.memory_space<hbm>> -> memref<10000x64xf32, #tpu.memory_space<hbm>>
      %dma_start3A_66 = arith.constant 0 : i32
      %dma_start3A_67 = arith.constant 0 : i32
      %dma_start3A_68 = tpu.memref_slice %dma_start3A_65[%dma_start3A_66, %dma_start3A_67] : memref<10000x64xf32, #tpu.memory_space<hbm>> -> memref<10000x64xf32, #tpu.memory_space<hbm>>
      tpu.enqueue_indirect_dma source(%dma_start3A_68 : memref<10000x64xf32, #tpu.memory_space<hbm>>) target(%dma_start3A_58 : memref<128x64xf32, #tpu.memory_space<vmem>>) offsets(%dma_start3A_61 : memref<128xi32, #tpu.memory_space<vmem>>) semaphore(%arg11 : memref<!tpu.dma_semaphore, #tpu.memory_space<semaphore_mem>>)
      %mul3A_69 = arith.constant 5 : i32
      %mul3A_70 = arith.muli %scan3A_13, %mul3A_69 : i32
      %add3A_71 = arith.constant 3 : i32
      %add3A_72 = arith.addi %mul3A_70, %add3A_71 : i32
      %dma_start3A_73 = arith.constant 3 : i32
      %dma_start3A_74 = arith.constant 0 : i32
      %dma_start3A_75 = arith.constant 0 : i32
      %dma_start3A_76 = tpu.memref_slice %arg9[%dma_start3A_73, %dma_start3A_74, %dma_start3A_75] : memref<5x128x64xf32, #tpu.memory_space<vmem>> -> memref<1x128x64xf32, #tpu.memory_space<vmem>>
      %dma_start3A_77 = tpu.memref_squeeze %dma_start3A_76 : memref<1x128x64xf32, #tpu.memory_space<vmem>> -> memref<128x64xf32, #tpu.memory_space<vmem>>
      %dma_start3A_78 = arith.constant 0 : i32
      %dma_start3A_79 = tpu.memref_slice %arg7[%add3A_72, %dma_start3A_78] : memref<160x128xi32, #tpu.memory_space<vmem>> -> memref<1x128xi32, #tpu.memory_space<vmem>>
      %dma_start3A_80 = tpu.memref_squeeze %dma_start3A_79 : memref<1x128xi32, #tpu.memory_space<vmem>> -> memref<128xi32, #tpu.memory_space<vmem>>
      %dma_start3A_81 = arith.constant 0 : i32
      %dma_start3A_82 = arith.constant 0 : i32
      %dma_start3A_83 = tpu.memref_slice %arg4[%arg0, %dma_start3A_81, %dma_start3A_82] : memref<2x10000x64xf32, #tpu.memory_space<hbm>> -> memref<1x10000x64xf32, #tpu.memory_space<hbm>>
      %dma_start3A_84 = tpu.memref_squeeze %dma_start3A_83 : memref<1x10000x64xf32, #tpu.memory_space<hbm>> -> memref<10000x64xf32, #tpu.memory_space<hbm>>
      %dma_start3A_85 = arith.constant 0 : i32
      %dma_start3A_86 = arith.constant 0 : i32
      %dma_start3A_87 = tpu.memref_slice %dma_start3A_84[%dma_start3A_85, %dma_start3A_86] : memref<10000x64xf32, #tpu.memory_space<hbm>> -> memref<10000x64xf32, #tpu.memory_space<hbm>>
      tpu.enqueue_indirect_dma source(%dma_start3A_87 : memref<10000x64xf32, #tpu.memory_space<hbm>>) target(%dma_start3A_77 : memref<128x64xf32, #tpu.memory_space<vmem>>) offsets(%dma_start3A_80 : memref<128xi32, #tpu.memory_space<vmem>>) semaphore(%arg11 : memref<!tpu.dma_semaphore, #tpu.memory_space<semaphore_mem>>)
      %mul3A_88 = arith.constant 5 : i32
      %mul3A_89 = arith.muli %scan3A_13, %mul3A_88 : i32
      %add3A_90 = arith.constant 4 : i32
      %add3A_91 = arith.addi %mul3A_89, %add3A_90 : i32
      %dma_start3A_92 = arith.constant 4 : i32
      %dma_start3A_93 = arith.constant 0 : i32
      %dma_start3A_94 = arith.constant 0 : i32
      %dma_start3A_95 = tpu.memref_slice %arg9[%dma_start3A_92, %dma_start3A_93, %dma_start3A_94] : memref<5x128x64xf32, #tpu.memory_space<vmem>> -> memref<1x128x64xf32, #tpu.memory_space<vmem>>
      %dma_start3A_96 = tpu.memref_squeeze %dma_start3A_95 : memref<1x128x64xf32, #tpu.memory_space<vmem>> -> memref<128x64xf32, #tpu.memory_space<vmem>>
      %dma_start3A_97 = arith.constant 0 : i32
      %dma_start3A_98 = tpu.memref_slice %arg7[%add3A_91, %dma_start3A_97] : memref<160x128xi32, #tpu.memory_space<vmem>> -> memref<1x128xi32, #tpu.memory_space<vmem>>
      %dma_start3A_99 = tpu.memref_squeeze %dma_start3A_98 : memref<1x128xi32, #tpu.memory_space<vmem>> -> memref<128xi32, #tpu.memory_space<vmem>>
      %dma_start3A_100 = arith.constant 0 : i32
      %dma_start3A_101 = arith.constant 0 : i32
      %dma_start3A_102 = tpu.memref_slice %arg4[%arg0, %dma_start3A_100, %dma_start3A_101] : memref<2x10000x64xf32, #tpu.memory_space<hbm>> -> memref<1x10000x64xf32, #tpu.memory_space<hbm>>
      %dma_start3A_103 = tpu.memref_squeeze %dma_start3A_102 : memref<1x10000x64xf32, #tpu.memory_space<hbm>> -> memref<10000x64xf32, #tpu.memory_space<hbm>>
      %dma_start3A_104 = arith.constant 0 : i32
      %dma_start3A_105 = arith.constant 0 : i32
      %dma_start3A_106 = tpu.memref_slice %dma_start3A_103[%dma_start3A_104, %dma_start3A_105] : memref<10000x64xf32, #tpu.memory_space<hbm>> -> memref<10000x64xf32, #tpu.memory_space<hbm>>
      tpu.enqueue_indirect_dma source(%dma_start3A_106 : memref<10000x64xf32, #tpu.memory_space<hbm>>) target(%dma_start3A_96 : memref<128x64xf32, #tpu.memory_space<vmem>>) offsets(%dma_start3A_99 : memref<128xi32, #tpu.memory_space<vmem>>) semaphore(%arg11 : memref<!tpu.dma_semaphore, #tpu.memory_space<semaphore_mem>>)
      %dma_wait3A = arith.constant 0 : i32
      %dma_wait3A_107 = arith.constant 0 : i32
      %dma_wait3A_108 = arith.constant 0 : i32
      %dma_wait3A_109 = tpu.memref_slice %arg9[%dma_wait3A, %dma_wait3A_107, %dma_wait3A_108] : memref<5x128x64xf32, #tpu.memory_space<vmem>> -> memref<1x128x64xf32, #tpu.memory_space<vmem>>
      %dma_wait3A_110 = tpu.memref_squeeze %dma_wait3A_109 : memref<1x128x64xf32, #tpu.memory_space<vmem>> -> memref<128x64xf32, #tpu.memory_space<vmem>>
      %dma_wait3A_111 = arith.constant 0 : i32
      %dma_wait3A_112 = tpu.memref_slice %arg7[%add3A_16, %dma_wait3A_111] : memref<160x128xi32, #tpu.memory_space<vmem>> -> memref<1x128xi32, #tpu.memory_space<vmem>>
      %dma_wait3A_113 = tpu.memref_squeeze %dma_wait3A_112 : memref<1x128xi32, #tpu.memory_space<vmem>> -> memref<128xi32, #tpu.memory_space<vmem>>
      %dma_wait3A_114 = arith.constant 0 : i32
      %dma_wait3A_115 = arith.constant 0 : i32
      %dma_wait3A_116 = tpu.memref_slice %arg4[%arg0, %dma_wait3A_114, %dma_wait3A_115] : memref<2x10000x64xf32, #tpu.memory_space<hbm>> -> memref<1x10000x64xf32, #tpu.memory_space<hbm>>
      %dma_wait3A_117 = tpu.memref_squeeze %dma_wait3A_116 : memref<1x10000x64xf32, #tpu.memory_space<hbm>> -> memref<10000x64xf32, #tpu.memory_space<hbm>>
      %dma_wait3A_118 = arith.constant 0 : i32
      %dma_wait3A_119 = arith.constant 0 : i32
      %dma_wait3A_120 = tpu.memref_slice %dma_wait3A_117[%dma_wait3A_118, %dma_wait3A_119] : memref<10000x64xf32, #tpu.memory_space<hbm>> -> memref<10000x64xf32, #tpu.memory_space<hbm>>
      tpu.wait_indirect_dma semaphore(%arg11 : memref<!tpu.dma_semaphore, #tpu.memory_space<semaphore_mem>>) src(%dma_wait3A_120 : memref<10000x64xf32, #tpu.memory_space<hbm>>) dst(%dma_wait3A_110 : memref<128x64xf32, #tpu.memory_space<vmem>>)
      %mul3A_121 = arith.constant 5 : i32
      %mul3A_122 = arith.muli %scan3A_13, %mul3A_121 : i32
      %add3A_123 = arith.constant 0 : i32
      %add3A_124 = arith.addi %mul3A_122, %add3A_123 : i32
      %dma_start3A_125 = arith.constant 0 : i32
      %dma_start3A_126 = arith.constant 0 : i32
      %dma_start3A_127 = arith.constant 0 : i32
      %dma_start3A_128 = tpu.memref_slice %arg9[%dma_start3A_125, %dma_start3A_126, %dma_start3A_127] : memref<5x128x64xf32, #tpu.memory_space<vmem>> -> memref<1x128x64xf32, #tpu.memory_space<vmem>>
      %dma_start3A_129 = tpu.memref_squeeze %dma_start3A_128 : memref<1x128x64xf32, #tpu.memory_space<vmem>> -> memref<128x64xf32, #tpu.memory_space<vmem>>
      %dma_start3A_130 = arith.constant 0 : i32
      %dma_start3A_131 = tpu.memref_slice %arg8[%add3A_124, %dma_start3A_130] : memref<160x128xi32, #tpu.memory_space<vmem>> -> memref<1x128xi32, #tpu.memory_space<vmem>>
      %dma_start3A_132 = tpu.memref_squeeze %dma_start3A_131 : memref<1x128xi32, #tpu.memory_space<vmem>> -> memref<128xi32, #tpu.memory_space<vmem>>
      %dma_start3A_133 = arith.constant 0 : i32
      %dma_start3A_134 = arith.constant 0 : i32
      %dma_start3A_135 = tpu.memref_slice %arg10[%dma_start3A_133, %dma_start3A_134] : memref<10240x64xf32, #tpu.memory_space<vmem_shared>> -> memref<10240x64xf32, #tpu.memory_space<vmem_shared>>
      tpu.enqueue_indirect_dma source(%dma_start3A_129 : memref<128x64xf32, #tpu.memory_space<vmem>>) target(%dma_start3A_135 : memref<10240x64xf32, #tpu.memory_space<vmem_shared>>) offsets(%dma_start3A_132 : memref<128xi32, #tpu.memory_space<vmem>>) semaphore(%arg12 : memref<!tpu.dma_semaphore, #tpu.memory_space<semaphore_mem>>) {add = true}
      %dma_wait3A_136 = arith.constant 1 : i32
      %dma_wait3A_137 = arith.constant 0 : i32
      %dma_wait3A_138 = arith.constant 0 : i32
      %dma_wait3A_139 = tpu.memref_slice %arg9[%dma_wait3A_136, %dma_wait3A_137, %dma_wait3A_138] : memref<5x128x64xf32, #tpu.memory_space<vmem>> -> memref<1x128x64xf32, #tpu.memory_space<vmem>>
      %dma_wait3A_140 = tpu.memref_squeeze %dma_wait3A_139 : memref<1x128x64xf32, #tpu.memory_space<vmem>> -> memref<128x64xf32, #tpu.memory_space<vmem>>
      %dma_wait3A_141 = arith.constant 0 : i32
      %dma_wait3A_142 = tpu.memref_slice %arg7[%add3A_34, %dma_wait3A_141] : memref<160x128xi32, #tpu.memory_space<vmem>> -> memref<1x128xi32, #tpu.memory_space<vmem>>
      %dma_wait3A_143 = tpu.memref_squeeze %dma_wait3A_142 : memref<1x128xi32, #tpu.memory_space<vmem>> -> memref<128xi32, #tpu.memory_space<vmem>>
      %dma_wait3A_144 = arith.constant 0 : i32
      %dma_wait3A_145 = arith.constant 0 : i32
      %dma_wait3A_146 = tpu.memref_slice %arg4[%arg0, %dma_wait3A_144, %dma_wait3A_145] : memref<2x10000x64xf32, #tpu.memory_space<hbm>> -> memref<1x10000x64xf32, #tpu.memory_space<hbm>>
      %dma_wait3A_147 = tpu.memref_squeeze %dma_wait3A_146 : memref<1x10000x64xf32, #tpu.memory_space<hbm>> -> memref<10000x64xf32, #tpu.memory_space<hbm>>
      %dma_wait3A_148 = arith.constant 0 : i32
      %dma_wait3A_149 = arith.constant 0 : i32
      %dma_wait3A_150 = tpu.memref_slice %dma_wait3A_147[%dma_wait3A_148, %dma_wait3A_149] : memref<10000x64xf32, #tpu.memory_space<hbm>> -> memref<10000x64xf32, #tpu.memory_space<hbm>>
      tpu.wait_indirect_dma semaphore(%arg11 : memref<!tpu.dma_semaphore, #tpu.memory_space<semaphore_mem>>) src(%dma_wait3A_150 : memref<10000x64xf32, #tpu.memory_space<hbm>>) dst(%dma_wait3A_140 : memref<128x64xf32, #tpu.memory_space<vmem>>)
      %mul3A_151 = arith.constant 5 : i32
      %mul3A_152 = arith.muli %scan3A_13, %mul3A_151 : i32
      %add3A_153 = arith.constant 1 : i32
      %add3A_154 = arith.addi %mul3A_152, %add3A_153 : i32
      %dma_start3A_155 = arith.constant 1 : i32
      %dma_start3A_156 = arith.constant 0 : i32
      %dma_start3A_157 = arith.constant 0 : i32
      %dma_start3A_158 = tpu.memref_slice %arg9[%dma_start3A_155, %dma_start3A_156, %dma_start3A_157] : memref<5x128x64xf32, #tpu.memory_space<vmem>> -> memref<1x128x64xf32, #tpu.memory_space<vmem>>
      %dma_start3A_159 = tpu.memref_squeeze %dma_start3A_158 : memref<1x128x64xf32, #tpu.memory_space<vmem>> -> memref<128x64xf32, #tpu.memory_space<vmem>>
      %dma_start3A_160 = arith.constant 0 : i32
      %dma_start3A_161 = tpu.memref_slice %arg8[%add3A_154, %dma_start3A_160] : memref<160x128xi32, #tpu.memory_space<vmem>> -> memref<1x128xi32, #tpu.memory_space<vmem>>
      %dma_start3A_162 = tpu.memref_squeeze %dma_start3A_161 : memref<1x128xi32, #tpu.memory_space<vmem>> -> memref<128xi32, #tpu.memory_space<vmem>>
      %dma_start3A_163 = arith.constant 0 : i32
      %dma_start3A_164 = arith.constant 0 : i32
      %dma_start3A_165 = tpu.memref_slice %arg10[%dma_start3A_163, %dma_start3A_164] : memref<10240x64xf32, #tpu.memory_space<vmem_shared>> -> memref<10240x64xf32, #tpu.memory_space<vmem_shared>>
      tpu.enqueue_indirect_dma source(%dma_start3A_159 : memref<128x64xf32, #tpu.memory_space<vmem>>) target(%dma_start3A_165 : memref<10240x64xf32, #tpu.memory_space<vmem_shared>>) offsets(%dma_start3A_162 : memref<128xi32, #tpu.memory_space<vmem>>) semaphore(%arg12 : memref<!tpu.dma_semaphore, #tpu.memory_space<semaphore_mem>>) {add = true}
      %dma_wait3A_166 = arith.constant 2 : i32
      %dma_wait3A_167 = arith.constant 0 : i32
      %dma_wait3A_168 = arith.constant 0 : i32
      %dma_wait3A_169 = tpu.memref_slice %arg9[%dma_wait3A_166, %dma_wait3A_167, %dma_wait3A_168] : memref<5x128x64xf32, #tpu.memory_space<vmem>> -> memref<1x128x64xf32, #tpu.memory_space<vmem>>
      %dma_wait3A_170 = tpu.memref_squeeze %dma_wait3A_169 : memref<1x128x64xf32, #tpu.memory_space<vmem>> -> memref<128x64xf32, #tpu.memory_space<vmem>>
      %dma_wait3A_171 = arith.constant 0 : i32
      %dma_wait3A_172 = tpu.memref_slice %arg7[%add3A_53, %dma_wait3A_171] : memref<160x128xi32, #tpu.memory_space<vmem>> -> memref<1x128xi32, #tpu.memory_space<vmem>>
      %dma_wait3A_173 = tpu.memref_squeeze %dma_wait3A_172 : memref<1x128xi32, #tpu.memory_space<vmem>> -> memref<128xi32, #tpu.memory_space<vmem>>
      %dma_wait3A_174 = arith.constant 0 : i32
      %dma_wait3A_175 = arith.constant 0 : i32
      %dma_wait3A_176 = tpu.memref_slice %arg4[%arg0, %dma_wait3A_174, %dma_wait3A_175] : memref<2x10000x64xf32, #tpu.memory_space<hbm>> -> memref<1x10000x64xf32, #tpu.memory_space<hbm>>
      %dma_wait3A_177 = tpu.memref_squeeze %dma_wait3A_176 : memref<1x10000x64xf32, #tpu.memory_space<hbm>> -> memref<10000x64xf32, #tpu.memory_space<hbm>>
      %dma_wait3A_178 = arith.constant 0 : i32
      %dma_wait3A_179 = arith.constant 0 : i32
      %dma_wait3A_180 = tpu.memref_slice %dma_wait3A_177[%dma_wait3A_178, %dma_wait3A_179] : memref<10000x64xf32, #tpu.memory_space<hbm>> -> memref<10000x64xf32, #tpu.memory_space<hbm>>
      tpu.wait_indirect_dma semaphore(%arg11 : memref<!tpu.dma_semaphore, #tpu.memory_space<semaphore_mem>>) src(%dma_wait3A_180 : memref<10000x64xf32, #tpu.memory_space<hbm>>) dst(%dma_wait3A_170 : memref<128x64xf32, #tpu.memory_space<vmem>>)
      %mul3A_181 = arith.constant 5 : i32
      %mul3A_182 = arith.muli %scan3A_13, %mul3A_181 : i32
      %add3A_183 = arith.constant 2 : i32
      %add3A_184 = arith.addi %mul3A_182, %add3A_183 : i32
      %dma_start3A_185 = arith.constant 2 : i32
      %dma_start3A_186 = arith.constant 0 : i32
      %dma_start3A_187 = arith.constant 0 : i32
      %dma_start3A_188 = tpu.memref_slice %arg9[%dma_start3A_185, %dma_start3A_186, %dma_start3A_187] : memref<5x128x64xf32, #tpu.memory_space<vmem>> -> memref<1x128x64xf32, #tpu.memory_space<vmem>>
      %dma_start3A_189 = tpu.memref_squeeze %dma_start3A_188 : memref<1x128x64xf32, #tpu.memory_space<vmem>> -> memref<128x64xf32, #tpu.memory_space<vmem>>
      %dma_start3A_190 = arith.constant 0 : i32
      %dma_start3A_191 = tpu.memref_slice %arg8[%add3A_184, %dma_start3A_190] : memref<160x128xi32, #tpu.memory_space<vmem>> -> memref<1x128xi32, #tpu.memory_space<vmem>>
      %dma_start3A_192 = tpu.memref_squeeze %dma_start3A_191 : memref<1x128xi32, #tpu.memory_space<vmem>> -> memref<128xi32, #tpu.memory_space<vmem>>
      %dma_start3A_193 = arith.constant 0 : i32
      %dma_start3A_194 = arith.constant 0 : i32
      %dma_start3A_195 = tpu.memref_slice %arg10[%dma_start3A_193, %dma_start3A_194] : memref<10240x64xf32, #tpu.memory_space<vmem_shared>> -> memref<10240x64xf32, #tpu.memory_space<vmem_shared>>
      tpu.enqueue_indirect_dma source(%dma_start3A_189 : memref<128x64xf32, #tpu.memory_space<vmem>>) target(%dma_start3A_195 : memref<10240x64xf32, #tpu.memory_space<vmem_shared>>) offsets(%dma_start3A_192 : memref<128xi32, #tpu.memory_space<vmem>>) semaphore(%arg12 : memref<!tpu.dma_semaphore, #tpu.memory_space<semaphore_mem>>) {add = true}
      %dma_wait3A_196 = arith.constant 3 : i32
      %dma_wait3A_197 = arith.constant 0 : i32
      %dma_wait3A_198 = arith.constant 0 : i32
      %dma_wait3A_199 = tpu.memref_slice %arg9[%dma_wait3A_196, %dma_wait3A_197, %dma_wait3A_198] : memref<5x128x64xf32, #tpu.memory_space<vmem>> -> memref<1x128x64xf32, #tpu.memory_space<vmem>>
      %dma_wait3A_200 = tpu.memref_squeeze %dma_wait3A_199 : memref<1x128x64xf32, #tpu.memory_space<vmem>> -> memref<128x64xf32, #tpu.memory_space<vmem>>
      %dma_wait3A_201 = arith.constant 0 : i32
      %dma_wait3A_202 = tpu.memref_slice %arg7[%add3A_72, %dma_wait3A_201] : memref<160x128xi32, #tpu.memory_space<vmem>> -> memref<1x128xi32, #tpu.memory_space<vmem>>
      %dma_wait3A_203 = tpu.memref_squeeze %dma_wait3A_202 : memref<1x128xi32, #tpu.memory_space<vmem>> -> memref<128xi32, #tpu.memory_space<vmem>>
      %dma_wait3A_204 = arith.constant 0 : i32
      %dma_wait3A_205 = arith.constant 0 : i32
      %dma_wait3A_206 = tpu.memref_slice %arg4[%arg0, %dma_wait3A_204, %dma_wait3A_205] : memref<2x10000x64xf32, #tpu.memory_space<hbm>> -> memref<1x10000x64xf32, #tpu.memory_space<hbm>>
      %dma_wait3A_207 = tpu.memref_squeeze %dma_wait3A_206 : memref<1x10000x64xf32, #tpu.memory_space<hbm>> -> memref<10000x64xf32, #tpu.memory_space<hbm>>
      %dma_wait3A_208 = arith.constant 0 : i32
      %dma_wait3A_209 = arith.constant 0 : i32
      %dma_wait3A_210 = tpu.memref_slice %dma_wait3A_207[%dma_wait3A_208, %dma_wait3A_209] : memref<10000x64xf32, #tpu.memory_space<hbm>> -> memref<10000x64xf32, #tpu.memory_space<hbm>>
      tpu.wait_indirect_dma semaphore(%arg11 : memref<!tpu.dma_semaphore, #tpu.memory_space<semaphore_mem>>) src(%dma_wait3A_210 : memref<10000x64xf32, #tpu.memory_space<hbm>>) dst(%dma_wait3A_200 : memref<128x64xf32, #tpu.memory_space<vmem>>)
      %mul3A_211 = arith.constant 5 : i32
      %mul3A_212 = arith.muli %scan3A_13, %mul3A_211 : i32
      %add3A_213 = arith.constant 3 : i32
      %add3A_214 = arith.addi %mul3A_212, %add3A_213 : i32
      %dma_start3A_215 = arith.constant 3 : i32
      %dma_start3A_216 = arith.constant 0 : i32
      %dma_start3A_217 = arith.constant 0 : i32
      %dma_start3A_218 = tpu.memref_slice %arg9[%dma_start3A_215, %dma_start3A_216, %dma_start3A_217] : memref<5x128x64xf32, #tpu.memory_space<vmem>> -> memref<1x128x64xf32, #tpu.memory_space<vmem>>
      %dma_start3A_219 = tpu.memref_squeeze %dma_start3A_218 : memref<1x128x64xf32, #tpu.memory_space<vmem>> -> memref<128x64xf32, #tpu.memory_space<vmem>>
      %dma_start3A_220 = arith.constant 0 : i32
      %dma_start3A_221 = tpu.memref_slice %arg8[%add3A_214, %dma_start3A_220] : memref<160x128xi32, #tpu.memory_space<vmem>> -> memref<1x128xi32, #tpu.memory_space<vmem>>
      %dma_start3A_222 = tpu.memref_squeeze %dma_start3A_221 : memref<1x128xi32, #tpu.memory_space<vmem>> -> memref<128xi32, #tpu.memory_space<vmem>>
      %dma_start3A_223 = arith.constant 0 : i32
      %dma_start3A_224 = arith.constant 0 : i32
      %dma_start3A_225 = tpu.memref_slice %arg10[%dma_start3A_223, %dma_start3A_224] : memref<10240x64xf32, #tpu.memory_space<vmem_shared>> -> memref<10240x64xf32, #tpu.memory_space<vmem_shared>>
      tpu.enqueue_indirect_dma source(%dma_start3A_219 : memref<128x64xf32, #tpu.memory_space<vmem>>) target(%dma_start3A_225 : memref<10240x64xf32, #tpu.memory_space<vmem_shared>>) offsets(%dma_start3A_222 : memref<128xi32, #tpu.memory_space<vmem>>) semaphore(%arg12 : memref<!tpu.dma_semaphore, #tpu.memory_space<semaphore_mem>>) {add = true}
      %dma_wait3A_226 = arith.constant 4 : i32
      %dma_wait3A_227 = arith.constant 0 : i32
      %dma_wait3A_228 = arith.constant 0 : i32
      %dma_wait3A_229 = tpu.memref_slice %arg9[%dma_wait3A_226, %dma_wait3A_227, %dma_wait3A_228] : memref<5x128x64xf32, #tpu.memory_space<vmem>> -> memref<1x128x64xf32, #tpu.memory_space<vmem>>
      %dma_wait3A_230 = tpu.memref_squeeze %dma_wait3A_229 : memref<1x128x64xf32, #tpu.memory_space<vmem>> -> memref<128x64xf32, #tpu.memory_space<vmem>>
      %dma_wait3A_231 = arith.constant 0 : i32
      %dma_wait3A_232 = tpu.memref_slice %arg7[%add3A_91, %dma_wait3A_231] : memref<160x128xi32, #tpu.memory_space<vmem>> -> memref<1x128xi32, #tpu.memory_space<vmem>>
      %dma_wait3A_233 = tpu.memref_squeeze %dma_wait3A_232 : memref<1x128xi32, #tpu.memory_space<vmem>> -> memref<128xi32, #tpu.memory_space<vmem>>
      %dma_wait3A_234 = arith.constant 0 : i32
      %dma_wait3A_235 = arith.constant 0 : i32
      %dma_wait3A_236 = tpu.memref_slice %arg4[%arg0, %dma_wait3A_234, %dma_wait3A_235] : memref<2x10000x64xf32, #tpu.memory_space<hbm>> -> memref<1x10000x64xf32, #tpu.memory_space<hbm>>
      %dma_wait3A_237 = tpu.memref_squeeze %dma_wait3A_236 : memref<1x10000x64xf32, #tpu.memory_space<hbm>> -> memref<10000x64xf32, #tpu.memory_space<hbm>>
      %dma_wait3A_238 = arith.constant 0 : i32
      %dma_wait3A_239 = arith.constant 0 : i32
      %dma_wait3A_240 = tpu.memref_slice %dma_wait3A_237[%dma_wait3A_238, %dma_wait3A_239] : memref<10000x64xf32, #tpu.memory_space<hbm>> -> memref<10000x64xf32, #tpu.memory_space<hbm>>
      tpu.wait_indirect_dma semaphore(%arg11 : memref<!tpu.dma_semaphore, #tpu.memory_space<semaphore_mem>>) src(%dma_wait3A_240 : memref<10000x64xf32, #tpu.memory_space<hbm>>) dst(%dma_wait3A_230 : memref<128x64xf32, #tpu.memory_space<vmem>>)
      %mul3A_241 = arith.constant 5 : i32
      %mul3A_242 = arith.muli %scan3A_13, %mul3A_241 : i32
      %add3A_243 = arith.constant 4 : i32
      %add3A_244 = arith.addi %mul3A_242, %add3A_243 : i32
      %dma_start3A_245 = arith.constant 4 : i32
      %dma_start3A_246 = arith.constant 0 : i32
      %dma_start3A_247 = arith.constant 0 : i32
      %dma_start3A_248 = tpu.memref_slice %arg9[%dma_start3A_245, %dma_start3A_246, %dma_start3A_247] : memref<5x128x64xf32, #tpu.memory_space<vmem>> -> memref<1x128x64xf32, #tpu.memory_space<vmem>>
      %dma_start3A_249 = tpu.memref_squeeze %dma_start3A_248 : memref<1x128x64xf32, #tpu.memory_space<vmem>> -> memref<128x64xf32, #tpu.memory_space<vmem>>
      %dma_start3A_250 = arith.constant 0 : i32
      %dma_start3A_251 = tpu.memref_slice %arg8[%add3A_244, %dma_start3A_250] : memref<160x128xi32, #tpu.memory_space<vmem>> -> memref<1x128xi32, #tpu.memory_space<vmem>>
      %dma_start3A_252 = tpu.memref_squeeze %dma_start3A_251 : memref<1x128xi32, #tpu.memory_space<vmem>> -> memref<128xi32, #tpu.memory_space<vmem>>
      %dma_start3A_253 = arith.constant 0 : i32
      %dma_start3A_254 = arith.constant 0 : i32
      %dma_start3A_255 = tpu.memref_slice %arg10[%dma_start3A_253, %dma_start3A_254] : memref<10240x64xf32, #tpu.memory_space<vmem_shared>> -> memref<10240x64xf32, #tpu.memory_space<vmem_shared>>
      tpu.enqueue_indirect_dma source(%dma_start3A_249 : memref<128x64xf32, #tpu.memory_space<vmem>>) target(%dma_start3A_255 : memref<10240x64xf32, #tpu.memory_space<vmem_shared>>) offsets(%dma_start3A_252 : memref<128xi32, #tpu.memory_space<vmem>>) semaphore(%arg12 : memref<!tpu.dma_semaphore, #tpu.memory_space<semaphore_mem>>) {add = true}
      %dma_wait3A_256 = arith.constant 0 : i32
      %dma_wait3A_257 = arith.constant 0 : i32
      %dma_wait3A_258 = arith.constant 0 : i32
      %dma_wait3A_259 = tpu.memref_slice %arg9[%dma_wait3A_256, %dma_wait3A_257, %dma_wait3A_258] : memref<5x128x64xf32, #tpu.memory_space<vmem>> -> memref<1x128x64xf32, #tpu.memory_space<vmem>>
      %dma_wait3A_260 = tpu.memref_squeeze %dma_wait3A_259 : memref<1x128x64xf32, #tpu.memory_space<vmem>> -> memref<128x64xf32, #tpu.memory_space<vmem>>
      %dma_wait3A_261 = arith.constant 0 : i32
      %dma_wait3A_262 = tpu.memref_slice %arg8[%add3A_124, %dma_wait3A_261] : memref<160x128xi32, #tpu.memory_space<vmem>> -> memref<1x128xi32, #tpu.memory_space<vmem>>
      %dma_wait3A_263 = tpu.memref_squeeze %dma_wait3A_262 : memref<1x128xi32, #tpu.memory_space<vmem>> -> memref<128xi32, #tpu.memory_space<vmem>>
      %dma_wait3A_264 = arith.constant 0 : i32
      %dma_wait3A_265 = arith.constant 0 : i32
      %dma_wait3A_266 = tpu.memref_slice %arg10[%dma_wait3A_264, %dma_wait3A_265] : memref<10240x64xf32, #tpu.memory_space<vmem_shared>> -> memref<10240x64xf32, #tpu.memory_space<vmem_shared>>
      tpu.wait_indirect_dma semaphore(%arg12 : memref<!tpu.dma_semaphore, #tpu.memory_space<semaphore_mem>>) src(%dma_wait3A_260 : memref<128x64xf32, #tpu.memory_space<vmem>>) dst(%dma_wait3A_266 : memref<10240x64xf32, #tpu.memory_space<vmem_shared>>)
      %dma_wait3A_267 = arith.constant 1 : i32
      %dma_wait3A_268 = arith.constant 0 : i32
      %dma_wait3A_269 = arith.constant 0 : i32
      %dma_wait3A_270 = tpu.memref_slice %arg9[%dma_wait3A_267, %dma_wait3A_268, %dma_wait3A_269] : memref<5x128x64xf32, #tpu.memory_space<vmem>> -> memref<1x128x64xf32, #tpu.memory_space<vmem>>
      %dma_wait3A_271 = tpu.memref_squeeze %dma_wait3A_270 : memref<1x128x64xf32, #tpu.memory_space<vmem>> -> memref<128x64xf32, #tpu.memory_space<vmem>>
      %dma_wait3A_272 = arith.constant 0 : i32
      %dma_wait3A_273 = tpu.memref_slice %arg8[%add3A_154, %dma_wait3A_272] : memref<160x128xi32, #tpu.memory_space<vmem>> -> memref<1x128xi32, #tpu.memory_space<vmem>>
      %dma_wait3A_274 = tpu.memref_squeeze %dma_wait3A_273 : memref<1x128xi32, #tpu.memory_space<vmem>> -> memref<128xi32, #tpu.memory_space<vmem>>
      %dma_wait3A_275 = arith.constant 0 : i32
      %dma_wait3A_276 = arith.constant 0 : i32
      %dma_wait3A_277 = tpu.memref_slice %arg10[%dma_wait3A_275, %dma_wait3A_276] : memref<10240x64xf32, #tpu.memory_space<vmem_shared>> -> memref<10240x64xf32, #tpu.memory_space<vmem_shared>>
      tpu.wait_indirect_dma semaphore(%arg12 : memref<!tpu.dma_semaphore, #tpu.memory_space<semaphore_mem>>) src(%dma_wait3A_271 : memref<128x64xf32, #tpu.memory_space<vmem>>) dst(%dma_wait3A_277 : memref<10240x64xf32, #tpu.memory_space<vmem_shared>>)
      %dma_wait3A_278 = arith.constant 2 : i32
      %dma_wait3A_279 = arith.constant 0 : i32
      %dma_wait3A_280 = arith.constant 0 : i32
      %dma_wait3A_281 = tpu.memref_slice %arg9[%dma_wait3A_278, %dma_wait3A_279, %dma_wait3A_280] : memref<5x128x64xf32, #tpu.memory_space<vmem>> -> memref<1x128x64xf32, #tpu.memory_space<vmem>>
      %dma_wait3A_282 = tpu.memref_squeeze %dma_wait3A_281 : memref<1x128x64xf32, #tpu.memory_space<vmem>> -> memref<128x64xf32, #tpu.memory_space<vmem>>
      %dma_wait3A_283 = arith.constant 0 : i32
      %dma_wait3A_284 = tpu.memref_slice %arg8[%add3A_184, %dma_wait3A_283] : memref<160x128xi32, #tpu.memory_space<vmem>> -> memref<1x128xi32, #tpu.memory_space<vmem>>
      %dma_wait3A_285 = tpu.memref_squeeze %dma_wait3A_284 : memref<1x128xi32, #tpu.memory_space<vmem>> -> memref<128xi32, #tpu.memory_space<vmem>>
      %dma_wait3A_286 = arith.constant 0 : i32
      %dma_wait3A_287 = arith.constant 0 : i32
      %dma_wait3A_288 = tpu.memref_slice %arg10[%dma_wait3A_286, %dma_wait3A_287] : memref<10240x64xf32, #tpu.memory_space<vmem_shared>> -> memref<10240x64xf32, #tpu.memory_space<vmem_shared>>
      tpu.wait_indirect_dma semaphore(%arg12 : memref<!tpu.dma_semaphore, #tpu.memory_space<semaphore_mem>>) src(%dma_wait3A_282 : memref<128x64xf32, #tpu.memory_space<vmem>>) dst(%dma_wait3A_288 : memref<10240x64xf32, #tpu.memory_space<vmem_shared>>)
      %dma_wait3A_289 = arith.constant 3 : i32
      %dma_wait3A_290 = arith.constant 0 : i32
      %dma_wait3A_291 = arith.constant 0 : i32
      %dma_wait3A_292 = tpu.memref_slice %arg9[%dma_wait3A_289, %dma_wait3A_290, %dma_wait3A_291] : memref<5x128x64xf32, #tpu.memory_space<vmem>> -> memref<1x128x64xf32, #tpu.memory_space<vmem>>
      %dma_wait3A_293 = tpu.memref_squeeze %dma_wait3A_292 : memref<1x128x64xf32, #tpu.memory_space<vmem>> -> memref<128x64xf32, #tpu.memory_space<vmem>>
      %dma_wait3A_294 = arith.constant 0 : i32
      %dma_wait3A_295 = tpu.memref_slice %arg8[%add3A_214, %dma_wait3A_294] : memref<160x128xi32, #tpu.memory_space<vmem>> -> memref<1x128xi32, #tpu.memory_space<vmem>>
      %dma_wait3A_296 = tpu.memref_squeeze %dma_wait3A_295 : memref<1x128xi32, #tpu.memory_space<vmem>> -> memref<128xi32, #tpu.memory_space<vmem>>
      %dma_wait3A_297 = arith.constant 0 : i32
      %dma_wait3A_298 = arith.constant 0 : i32
      %dma_wait3A_299 = tpu.memref_slice %arg10[%dma_wait3A_297, %dma_wait3A_298] : memref<10240x64xf32, #tpu.memory_space<vmem_shared>> -> memref<10240x64xf32, #tpu.memory_space<vmem_shared>>
      tpu.wait_indirect_dma semaphore(%arg12 : memref<!tpu.dma_semaphore, #tpu.memory_space<semaphore_mem>>) src(%dma_wait3A_293 : memref<128x64xf32, #tpu.memory_space<vmem>>) dst(%dma_wait3A_299 : memref<10240x64xf32, #tpu.memory_space<vmem_shared>>)
      %dma_wait3A_300 = arith.constant 4 : i32
      %dma_wait3A_301 = arith.constant 0 : i32
      %dma_wait3A_302 = arith.constant 0 : i32
      %dma_wait3A_303 = tpu.memref_slice %arg9[%dma_wait3A_300, %dma_wait3A_301, %dma_wait3A_302] : memref<5x128x64xf32, #tpu.memory_space<vmem>> -> memref<1x128x64xf32, #tpu.memory_space<vmem>>
      %dma_wait3A_304 = tpu.memref_squeeze %dma_wait3A_303 : memref<1x128x64xf32, #tpu.memory_space<vmem>> -> memref<128x64xf32, #tpu.memory_space<vmem>>
      %dma_wait3A_305 = arith.constant 0 : i32
      %dma_wait3A_306 = tpu.memref_slice %arg8[%add3A_244, %dma_wait3A_305] : memref<160x128xi32, #tpu.memory_space<vmem>> -> memref<1x128xi32, #tpu.memory_space<vmem>>
      %dma_wait3A_307 = tpu.memref_squeeze %dma_wait3A_306 : memref<1x128xi32, #tpu.memory_space<vmem>> -> memref<128xi32, #tpu.memory_space<vmem>>
      %dma_wait3A_308 = arith.constant 0 : i32
      %dma_wait3A_309 = arith.constant 0 : i32
      %dma_wait3A_310 = tpu.memref_slice %arg10[%dma_wait3A_308, %dma_wait3A_309] : memref<10240x64xf32, #tpu.memory_space<vmem_shared>> -> memref<10240x64xf32, #tpu.memory_space<vmem_shared>>
      tpu.wait_indirect_dma semaphore(%arg12 : memref<!tpu.dma_semaphore, #tpu.memory_space<semaphore_mem>>) src(%dma_wait3A_304 : memref<128x64xf32, #tpu.memory_space<vmem>>) dst(%dma_wait3A_310 : memref<10240x64xf32, #tpu.memory_space<vmem_shared>>)
    }
    %scan3A_7 = arith.constant 32 : i32
    %barrier3A_8 = arith.constant 0 : index
    tpu.barrier barrier_id(%barrier3A_8)
    %mul3A_9 = arith.constant 640 : i32
    %mul3A_10 = arith.muli %arg1, %mul3A_9 : i32
    %mul3A_11 = arith.constant 640 : i32
    %mul3A_12 = arith.muli %arg1, %mul3A_11 : i32
    "tpu.region"() ({
      %run_scoped3A = tpu.sem_alloc : memref<!tpu.dma_semaphore, #tpu.memory_space<semaphore_mem>>
      %dma_start3A = arith.constant 0 : i32
      %dma_start3A_13 = tpu.memref_slice %arg6[%arg0, %mul3A_12, %dma_start3A] : memref<2x10240x64xf32, #tpu.memory_space<hbm>> -> memref<1x640x64xf32, #tpu.memory_space<hbm>>
      %dma_start3A_14 = tpu.memref_squeeze %dma_start3A_13 : memref<1x640x64xf32, #tpu.memory_space<hbm>> -> memref<640x64xf32, #tpu.memory_space<hbm>>
      %dma_start3A_15 = arith.constant 0 : i32
      %dma_start3A_16 = tpu.memref_slice %arg10[%mul3A_10, %dma_start3A_15] : memref<10240x64xf32, #tpu.memory_space<vmem_shared>> -> memref<640x64xf32, #tpu.memory_space<vmem_shared>>
      tpu.enqueue_dma source(%dma_start3A_16 : memref<640x64xf32, #tpu.memory_space<vmem_shared>>) target(%dma_start3A_14 : memref<640x64xf32, #tpu.memory_space<hbm>>) target_semaphore(%run_scoped3A : memref<!tpu.dma_semaphore, #tpu.memory_space<semaphore_mem>>)
      %dma_wait3A = arith.constant 0 : i32
      %dma_wait3A_17 = tpu.memref_slice %arg6[%arg0, %mul3A_12, %dma_wait3A] : memref<2x10240x64xf32, #tpu.memory_space<hbm>> -> memref<1x640x64xf32, #tpu.memory_space<hbm>>
      %dma_wait3A_18 = tpu.memref_squeeze %dma_wait3A_17 : memref<1x640x64xf32, #tpu.memory_space<hbm>> -> memref<640x64xf32, #tpu.memory_space<hbm>>
      %dma_wait3A_19 = arith.constant 0 : i32
      %dma_wait3A_20 = tpu.memref_slice %arg10[%mul3A_10, %dma_wait3A_19] : memref<10240x64xf32, #tpu.memory_space<vmem_shared>> -> memref<640x64xf32, #tpu.memory_space<vmem_shared>>
      tpu.wait_dma2 semaphore(%run_scoped3A : memref<!tpu.dma_semaphore, #tpu.memory_space<semaphore_mem>>) src(%dma_wait3A_20 : memref<640x64xf32, #tpu.memory_space<vmem_shared>>) dst(%dma_wait3A_18 : memref<640x64xf32, #tpu.memory_space<hbm>>)
      tpu.yield
    }) : () -> ()
    return
  }
}

#map = affine_map<(d0, d1) -> (0, 0)>
#map1 = affine_map<(d0, d1) -> (0, 0, 0)>
#map2 = affine_map<(d0, d1) -> (0, 0, 0, 0)>
module attributes {stable_mosaic.version = 14 : i64} {
  func.func @_pre4_reg(%arg0: i32, %arg1: i32, %arg2: memref<16x20480xi32, #tpu.memory_space<hbm>>, %arg3: memref<16x20480xi32, #tpu.memory_space<hbm>>, %arg4: memref<2x10000x2xf32, #tpu.memory_space<hbm>>, %arg5: memref<2x80x128xf32, #tpu.memory_space<hbm>>, %arg6: memref<2x2x80x128xf32, #tpu.memory_space<hbm>>, %arg7: memref<5120xi32, #tpu.memory_space<vmem>>, %arg8: memref<5120xi32, #tpu.memory_space<vmem>>, %arg9: memref<10000x2xf32, #tpu.memory_space<vmem>>, %arg10: memref<2x80x128xf32, #tpu.memory_space<vmem>>, %arg11: memref<1x80xi32, #tpu.memory_space<vmem>>, %arg12: memref<2x80x128xf32, #tpu.memory_space<vmem_shared>>) attributes {dimension_semantics = [#tpu.dimension_semantics<core_parallel>, #tpu.dimension_semantics<subcore_parallel>], iteration_bounds = array<i64: 2, 16>, scalar_prefetch = 0 : i64, scratch_operands = 6 : i64, tpu.core_type = #tpu.core_type<sc_vector_subcore>, window_params = [{transform_indices = #map}, {transform_indices = #map}, {transform_indices = #map1}, {transform_indices = #map1}, {transform_indices = #map2}]} {
    "tpu.region"() ({
      %run_scoped3A_89 = tpu.sem_alloc : memref<!tpu.dma_semaphore, #tpu.memory_space<semaphore_mem>>
      %dma_start3A = arith.constant 0 : i32
      %dma_start3A_90 = arith.constant 0 : i32
      %dma_start3A_91 = tpu.memref_slice %arg4[%arg0, %dma_start3A, %dma_start3A_90] : memref<2x10000x2xf32, #tpu.memory_space<hbm>> -> memref<1x10000x2xf32, #tpu.memory_space<hbm>>
      %dma_start3A_92 = tpu.memref_squeeze %dma_start3A_91 : memref<1x10000x2xf32, #tpu.memory_space<hbm>> -> memref<10000x2xf32, #tpu.memory_space<hbm>>
      %dma_start3A_93 = arith.constant 0 : i32
      %dma_start3A_94 = arith.constant 0 : i32
      %dma_start3A_95 = tpu.memref_slice %arg4[%arg0, %dma_start3A_93, %dma_start3A_94] : memref<2x10000x2xf32, #tpu.memory_space<hbm>> -> memref<1x10000x2xf32, #tpu.memory_space<hbm>>
      %dma_start3A_96 = tpu.memref_squeeze %dma_start3A_95 : memref<1x10000x2xf32, #tpu.memory_space<hbm>> -> memref<10000x2xf32, #tpu.memory_space<hbm>>
      tpu.enqueue_dma source(%dma_start3A_96 : memref<10000x2xf32, #tpu.memory_space<hbm>>) target(%arg9 : memref<10000x2xf32, #tpu.memory_space<vmem>>) target_semaphore(%run_scoped3A_89 : memref<!tpu.dma_semaphore, #tpu.memory_space<semaphore_mem>>)
      %dma_wait3A = arith.constant 0 : i32
      %dma_wait3A_97 = arith.constant 0 : i32
      %dma_wait3A_98 = tpu.memref_slice %arg4[%arg0, %dma_wait3A, %dma_wait3A_97] : memref<2x10000x2xf32, #tpu.memory_space<hbm>> -> memref<1x10000x2xf32, #tpu.memory_space<hbm>>
      %dma_wait3A_99 = tpu.memref_squeeze %dma_wait3A_98 : memref<1x10000x2xf32, #tpu.memory_space<hbm>> -> memref<10000x2xf32, #tpu.memory_space<hbm>>
      %dma_wait3A_100 = arith.constant 0 : i32
      %dma_wait3A_101 = arith.constant 0 : i32
      %dma_wait3A_102 = tpu.memref_slice %arg4[%arg0, %dma_wait3A_100, %dma_wait3A_101] : memref<2x10000x2xf32, #tpu.memory_space<hbm>> -> memref<1x10000x2xf32, #tpu.memory_space<hbm>>
      %dma_wait3A_103 = tpu.memref_squeeze %dma_wait3A_102 : memref<1x10000x2xf32, #tpu.memory_space<hbm>> -> memref<10000x2xf32, #tpu.memory_space<hbm>>
      tpu.wait_dma2 semaphore(%run_scoped3A_89 : memref<!tpu.dma_semaphore, #tpu.memory_space<semaphore_mem>>) src(%dma_wait3A_103 : memref<10000x2xf32, #tpu.memory_space<hbm>>) dst(%arg9 : memref<10000x2xf32, #tpu.memory_space<vmem>>)
      tpu.yield
    }) : () -> ()
    "tpu.region"() ({
      %run_scoped3A_89 = tpu.sem_alloc : memref<!tpu.dma_semaphore, #tpu.memory_space<semaphore_mem>>
      tpu.enqueue_dma source(%arg5 : memref<2x80x128xf32, #tpu.memory_space<hbm>>) target(%arg10 : memref<2x80x128xf32, #tpu.memory_space<vmem>>) target_semaphore(%run_scoped3A_89 : memref<!tpu.dma_semaphore, #tpu.memory_space<semaphore_mem>>)
      tpu.wait_dma2 semaphore(%run_scoped3A_89 : memref<!tpu.dma_semaphore, #tpu.memory_space<semaphore_mem>>) src(%arg5 : memref<2x80x128xf32, #tpu.memory_space<hbm>>) dst(%arg10 : memref<2x80x128xf32, #tpu.memory_space<vmem>>)
      tpu.yield
    }) : () -> ()
    %mul3A = arith.constant 5 : i32
    %mul3A_0 = arith.muli %arg1, %mul3A : i32
    %mul3A_1 = arith.constant 5 : i32
    %mul3A_2 = arith.muli %arg1, %mul3A_1 : i32
    %run_scoped3A = arith.constant 0 : i32
    %run_scoped3A_3 = arith.constant 0 : i32
    "tpu.region"() ({
      %run_scoped3A_89 = tpu.sem_alloc : memref<!tpu.dma_semaphore, #tpu.memory_space<semaphore_mem>>
      %dma_start3A = arith.constant 0 : i32
      %dma_start3A_90 = tpu.memref_slice %arg12[%run_scoped3A_3, %mul3A_2, %dma_start3A] : memref<2x80x128xf32, #tpu.memory_space<vmem_shared>> -> memref<1x5x128xf32, #tpu.memory_space<vmem_shared>>
      %dma_start3A_91 = tpu.memref_squeeze %dma_start3A_90 : memref<1x5x128xf32, #tpu.memory_space<vmem_shared>> -> memref<5x128xf32, #tpu.memory_space<vmem_shared>>
      %dma_start3A_92 = arith.constant 0 : i32
      %dma_start3A_93 = tpu.memref_slice %arg5[%run_scoped3A, %mul3A_0, %dma_start3A_92] : memref<2x80x128xf32, #tpu.memory_space<hbm>> -> memref<1x5x128xf32, #tpu.memory_space<hbm>>
      %dma_start3A_94 = tpu.memref_squeeze %dma_start3A_93 : memref<1x5x128xf32, #tpu.memory_space<hbm>> -> memref<5x128xf32, #tpu.memory_space<hbm>>
      tpu.enqueue_dma source(%dma_start3A_94 : memref<5x128xf32, #tpu.memory_space<hbm>>) target(%dma_start3A_91 : memref<5x128xf32, #tpu.memory_space<vmem_shared>>) target_semaphore(%run_scoped3A_89 : memref<!tpu.dma_semaphore, #tpu.memory_space<semaphore_mem>>)
      %dma_wait3A = arith.constant 0 : i32
      %dma_wait3A_95 = tpu.memref_slice %arg12[%run_scoped3A_3, %mul3A_2, %dma_wait3A] : memref<2x80x128xf32, #tpu.memory_space<vmem_shared>> -> memref<1x5x128xf32, #tpu.memory_space<vmem_shared>>
      %dma_wait3A_96 = tpu.memref_squeeze %dma_wait3A_95 : memref<1x5x128xf32, #tpu.memory_space<vmem_shared>> -> memref<5x128xf32, #tpu.memory_space<vmem_shared>>
      %dma_wait3A_97 = arith.constant 0 : i32
      %dma_wait3A_98 = tpu.memref_slice %arg5[%run_scoped3A, %mul3A_0, %dma_wait3A_97] : memref<2x80x128xf32, #tpu.memory_space<hbm>> -> memref<1x5x128xf32, #tpu.memory_space<hbm>>
      %dma_wait3A_99 = tpu.memref_squeeze %dma_wait3A_98 : memref<1x5x128xf32, #tpu.memory_space<hbm>> -> memref<5x128xf32, #tpu.memory_space<hbm>>
      tpu.wait_dma2 semaphore(%run_scoped3A_89 : memref<!tpu.dma_semaphore, #tpu.memory_space<semaphore_mem>>) src(%dma_wait3A_99 : memref<5x128xf32, #tpu.memory_space<hbm>>) dst(%dma_wait3A_96 : memref<5x128xf32, #tpu.memory_space<vmem_shared>>)
      tpu.yield
    }) : () -> ()
    %mul3A_4 = arith.constant 5 : i32
    %mul3A_5 = arith.muli %arg1, %mul3A_4 : i32
    %mul3A_6 = arith.constant 5 : i32
    %mul3A_7 = arith.muli %arg1, %mul3A_6 : i32
    %run_scoped3A_8 = arith.constant 1 : i32
    %run_scoped3A_9 = arith.constant 1 : i32
    "tpu.region"() ({
      %run_scoped3A_89 = tpu.sem_alloc : memref<!tpu.dma_semaphore, #tpu.memory_space<semaphore_mem>>
      %dma_start3A = arith.constant 0 : i32
      %dma_start3A_90 = tpu.memref_slice %arg12[%run_scoped3A_9, %mul3A_7, %dma_start3A] : memref<2x80x128xf32, #tpu.memory_space<vmem_shared>> -> memref<1x5x128xf32, #tpu.memory_space<vmem_shared>>
      %dma_start3A_91 = tpu.memref_squeeze %dma_start3A_90 : memref<1x5x128xf32, #tpu.memory_space<vmem_shared>> -> memref<5x128xf32, #tpu.memory_space<vmem_shared>>
      %dma_start3A_92 = arith.constant 0 : i32
      %dma_start3A_93 = tpu.memref_slice %arg5[%run_scoped3A_8, %mul3A_5, %dma_start3A_92] : memref<2x80x128xf32, #tpu.memory_space<hbm>> -> memref<1x5x128xf32, #tpu.memory_space<hbm>>
      %dma_start3A_94 = tpu.memref_squeeze %dma_start3A_93 : memref<1x5x128xf32, #tpu.memory_space<hbm>> -> memref<5x128xf32, #tpu.memory_space<hbm>>
      tpu.enqueue_dma source(%dma_start3A_94 : memref<5x128xf32, #tpu.memory_space<hbm>>) target(%dma_start3A_91 : memref<5x128xf32, #tpu.memory_space<vmem_shared>>) target_semaphore(%run_scoped3A_89 : memref<!tpu.dma_semaphore, #tpu.memory_space<semaphore_mem>>)
      %dma_wait3A = arith.constant 0 : i32
      %dma_wait3A_95 = tpu.memref_slice %arg12[%run_scoped3A_9, %mul3A_7, %dma_wait3A] : memref<2x80x128xf32, #tpu.memory_space<vmem_shared>> -> memref<1x5x128xf32, #tpu.memory_space<vmem_shared>>
      %dma_wait3A_96 = tpu.memref_squeeze %dma_wait3A_95 : memref<1x5x128xf32, #tpu.memory_space<vmem_shared>> -> memref<5x128xf32, #tpu.memory_space<vmem_shared>>
      %dma_wait3A_97 = arith.constant 0 : i32
      %dma_wait3A_98 = tpu.memref_slice %arg5[%run_scoped3A_8, %mul3A_5, %dma_wait3A_97] : memref<2x80x128xf32, #tpu.memory_space<hbm>> -> memref<1x5x128xf32, #tpu.memory_space<hbm>>
      %dma_wait3A_99 = tpu.memref_squeeze %dma_wait3A_98 : memref<1x5x128xf32, #tpu.memory_space<hbm>> -> memref<5x128xf32, #tpu.memory_space<hbm>>
      tpu.wait_dma2 semaphore(%run_scoped3A_89 : memref<!tpu.dma_semaphore, #tpu.memory_space<semaphore_mem>>) src(%dma_wait3A_99 : memref<5x128xf32, #tpu.memory_space<hbm>>) dst(%dma_wait3A_96 : memref<5x128xf32, #tpu.memory_space<vmem_shared>>)
      tpu.yield
    }) : () -> ()
    %iota3A = tpu.iota {dimensions = array<i32: 0>} : vector<16xi32>
    %add3A = arith.constant 0 : i32
    %add3A_10 = vector.broadcast %add3A : i32 to vector<16xi32>
    %add3A_11 = arith.addi %iota3A, %add3A_10 : vector<16xi32>
    %swap3A = arith.constant 0 : i32
    %swap3A_12 = arith.index_cast %swap3A : i32 to index
    %swap3A_13 = arith.constant 0 : index
    %swap3A_14 = tpu.vector_load %arg11[%swap3A_12, %swap3A_13] {strides = array<i32>} : memref<1x80xi32, #tpu.memory_space<vmem>>, vector<16xi32>,
    tpu.vector_store %arg11[%swap3A_12, %swap3A_13], %add3A_11 {strides = array<i32>} : memref<1x80xi32, #tpu.memory_space<vmem>>, vector<16xi32>,
    %iota3A_15 = tpu.iota {dimensions = array<i32: 0>} : vector<16xi32>
    %add3A_16 = arith.constant 16 : i32
    %add3A_17 = vector.broadcast %add3A_16 : i32 to vector<16xi32>
    %add3A_18 = arith.addi %iota3A_15, %add3A_17 : vector<16xi32>
    %swap3A_19 = arith.constant 0 : i32
    %swap3A_20 = arith.index_cast %swap3A_19 : i32 to index
    %swap3A_21 = arith.constant 16 : index
    %swap3A_22 = tpu.vector_load %arg11[%swap3A_20, %swap3A_21] {strides = array<i32>} : memref<1x80xi32, #tpu.memory_space<vmem>>, vector<16xi32>,
    tpu.vector_store %arg11[%swap3A_20, %swap3A_21], %add3A_18 {strides = array<i32>} : memref<1x80xi32, #tpu.memory_space<vmem>>, vector<16xi32>,
    %iota3A_23 = tpu.iota {dimensions = array<i32: 0>} : vector<16xi32>
    %add3A_24 = arith.constant 32 : i32
    %add3A_25 = vector.broadcast %add3A_24 : i32 to vector<16xi32>
    %add3A_26 = arith.addi %iota3A_23, %add3A_25 : vector<16xi32>
    %swap3A_27 = arith.constant 0 : i32
    %swap3A_28 = arith.index_cast %swap3A_27 : i32 to index
    %swap3A_29 = arith.constant 32 : index
    %swap3A_30 = tpu.vector_load %arg11[%swap3A_28, %swap3A_29] {strides = array<i32>} : memref<1x80xi32, #tpu.memory_space<vmem>>, vector<16xi32>,
    tpu.vector_store %arg11[%swap3A_28, %swap3A_29], %add3A_26 {strides = array<i32>} : memref<1x80xi32, #tpu.memory_space<vmem>>, vector<16xi32>,
    %iota3A_31 = tpu.iota {dimensions = array<i32: 0>} : vector<16xi32>
    %add3A_32 = arith.constant 48 : i32
    %add3A_33 = vector.broadcast %add3A_32 : i32 to vector<16xi32>
    %add3A_34 = arith.addi %iota3A_31, %add3A_33 : vector<16xi32>
    %swap3A_35 = arith.constant 0 : i32
    %swap3A_36 = arith.index_cast %swap3A_35 : i32 to index
    %swap3A_37 = arith.constant 48 : index
    %swap3A_38 = tpu.vector_load %arg11[%swap3A_36, %swap3A_37] {strides = array<i32>} : memref<1x80xi32, #tpu.memory_space<vmem>>, vector<16xi32>,
    tpu.vector_store %arg11[%swap3A_36, %swap3A_37], %add3A_34 {strides = array<i32>} : memref<1x80xi32, #tpu.memory_space<vmem>>, vector<16xi32>,
    %iota3A_39 = tpu.iota {dimensions = array<i32: 0>} : vector<16xi32>
    %add3A_40 = arith.constant 64 : i32
    %add3A_41 = vector.broadcast %add3A_40 : i32 to vector<16xi32>
    %add3A_42 = arith.addi %iota3A_39, %add3A_41 : vector<16xi32>
    %swap3A_43 = arith.constant 0 : i32
    %swap3A_44 = arith.index_cast %swap3A_43 : i32 to index
    %swap3A_45 = arith.constant 64 : index
    %swap3A_46 = tpu.vector_load %arg11[%swap3A_44, %swap3A_45] {strides = array<i32>} : memref<1x80xi32, #tpu.memory_space<vmem>>, vector<16xi32>,
    tpu.vector_store %arg11[%swap3A_44, %swap3A_45], %add3A_42 {strides = array<i32>} : memref<1x80xi32, #tpu.memory_space<vmem>>, vector<16xi32>,
    "tpu.region"() ({
      %run_scoped3A_89 = tpu.sem_alloc : memref<!tpu.dma_semaphore, #tpu.memory_space<semaphore_mem>>
      %dma_start3A = arith.constant 0 : i32
      %dma_start3A_90 = tpu.memref_slice %arg2[%arg1, %dma_start3A] : memref<16x20480xi32, #tpu.memory_space<hbm>> -> memref<1x5120xi32, #tpu.memory_space<hbm>>
      %dma_start3A_91 = tpu.memref_squeeze %dma_start3A_90 : memref<1x5120xi32, #tpu.memory_space<hbm>> -> memref<5120xi32, #tpu.memory_space<hbm>>
      %dma_start3A_92 = arith.constant 0 : i32
      %dma_start3A_93 = tpu.memref_slice %arg2[%arg1, %dma_start3A_92] : memref<16x20480xi32, #tpu.memory_space<hbm>> -> memref<1x5120xi32, #tpu.memory_space<hbm>>
      %dma_start3A_94 = tpu.memref_squeeze %dma_start3A_93 : memref<1x5120xi32, #tpu.memory_space<hbm>> -> memref<5120xi32, #tpu.memory_space<hbm>>
      tpu.enqueue_dma source(%dma_start3A_94 : memref<5120xi32, #tpu.memory_space<hbm>>) target(%arg7 : memref<5120xi32, #tpu.memory_space<vmem>>) target_semaphore(%run_scoped3A_89 : memref<!tpu.dma_semaphore, #tpu.memory_space<semaphore_mem>>)
      %dma_wait3A = arith.constant 0 : i32
      %dma_wait3A_95 = tpu.memref_slice %arg2[%arg1, %dma_wait3A] : memref<16x20480xi32, #tpu.memory_space<hbm>> -> memref<1x5120xi32, #tpu.memory_space<hbm>>
      %dma_wait3A_96 = tpu.memref_squeeze %dma_wait3A_95 : memref<1x5120xi32, #tpu.memory_space<hbm>> -> memref<5120xi32, #tpu.memory_space<hbm>>
      %dma_wait3A_97 = arith.constant 0 : i32
      %dma_wait3A_98 = tpu.memref_slice %arg2[%arg1, %dma_wait3A_97] : memref<16x20480xi32, #tpu.memory_space<hbm>> -> memref<1x5120xi32, #tpu.memory_space<hbm>>
      %dma_wait3A_99 = tpu.memref_squeeze %dma_wait3A_98 : memref<1x5120xi32, #tpu.memory_space<hbm>> -> memref<5120xi32, #tpu.memory_space<hbm>>
      tpu.wait_dma2 semaphore(%run_scoped3A_89 : memref<!tpu.dma_semaphore, #tpu.memory_space<semaphore_mem>>) src(%dma_wait3A_99 : memref<5120xi32, #tpu.memory_space<hbm>>) dst(%arg7 : memref<5120xi32, #tpu.memory_space<vmem>>)
      tpu.yield
    }) : () -> ()
    "tpu.region"() ({
      %run_scoped3A_89 = tpu.sem_alloc : memref<!tpu.dma_semaphore, #tpu.memory_space<semaphore_mem>>
      %dma_start3A = arith.constant 0 : i32
      %dma_start3A_90 = tpu.memref_slice %arg3[%arg1, %dma_start3A] : memref<16x20480xi32, #tpu.memory_space<hbm>> -> memref<1x5120xi32, #tpu.memory_space<hbm>>
      %dma_start3A_91 = tpu.memref_squeeze %dma_start3A_90 : memref<1x5120xi32, #tpu.memory_space<hbm>> -> memref<5120xi32, #tpu.memory_space<hbm>>
      %dma_start3A_92 = arith.constant 0 : i32
      %dma_start3A_93 = tpu.memref_slice %arg3[%arg1, %dma_start3A_92] : memref<16x20480xi32, #tpu.memory_space<hbm>> -> memref<1x5120xi32, #tpu.memory_space<hbm>>
      %dma_start3A_94 = tpu.memref_squeeze %dma_start3A_93 : memref<1x5120xi32, #tpu.memory_space<hbm>> -> memref<5120xi32, #tpu.memory_space<hbm>>
      tpu.enqueue_dma source(%dma_start3A_94 : memref<5120xi32, #tpu.memory_space<hbm>>) target(%arg8 : memref<5120xi32, #tpu.memory_space<vmem>>) target_semaphore(%run_scoped3A_89 : memref<!tpu.dma_semaphore, #tpu.memory_space<semaphore_mem>>)
      %dma_wait3A = arith.constant 0 : i32
      %dma_wait3A_95 = tpu.memref_slice %arg3[%arg1, %dma_wait3A] : memref<16x20480xi32, #tpu.memory_space<hbm>> -> memref<1x5120xi32, #tpu.memory_space<hbm>>
      %dma_wait3A_96 = tpu.memref_squeeze %dma_wait3A_95 : memref<1x5120xi32, #tpu.memory_space<hbm>> -> memref<5120xi32, #tpu.memory_space<hbm>>
      %dma_wait3A_97 = arith.constant 0 : i32
      %dma_wait3A_98 = tpu.memref_slice %arg3[%arg1, %dma_wait3A_97] : memref<16x20480xi32, #tpu.memory_space<hbm>> -> memref<1x5120xi32, #tpu.memory_space<hbm>>
      %dma_wait3A_99 = tpu.memref_squeeze %dma_wait3A_98 : memref<1x5120xi32, #tpu.memory_space<hbm>> -> memref<5120xi32, #tpu.memory_space<hbm>>
      tpu.wait_dma2 semaphore(%run_scoped3A_89 : memref<!tpu.dma_semaphore, #tpu.memory_space<semaphore_mem>>) src(%dma_wait3A_99 : memref<5120xi32, #tpu.memory_space<hbm>>) dst(%arg8 : memref<5120xi32, #tpu.memory_space<vmem>>)
      tpu.yield
    }) : () -> ()
    %scan3A = arith.constant 0 : i32
    %scan3A_47 = arith.constant 0 : i32
    %scan3A_48 = arith.constant 320 : i32
    %scan3A_49 = arith.addi %scan3A_47, %scan3A_48 : i32
    %scan3A_50 = arith.constant 1 : i32
    scf.for %scan3A_89 = %scan3A_47 to %scan3A_49 step %scan3A_50  : i32 {
      %mul3A_90 = arith.constant 16 : i32
      %mul3A_91 = arith.muli %scan3A_89, %mul3A_90 : i32
      %get3A = arith.index_cast %mul3A_91 : i32 to index
      %get3A_92 = tpu.vector_load %arg7[%get3A] {strides = array<i32>} : memref<5120xi32, #tpu.memory_space<vmem>>, vector<16xi32>,
      %mul3A_93 = arith.constant 16 : i32
      %mul3A_94 = arith.muli %scan3A_89, %mul3A_93 : i32
      %get3A_95 = arith.index_cast %mul3A_94 : i32 to index
      %get3A_96 = tpu.vector_load %arg8[%get3A_95] {strides = array<i32>} : memref<5120xi32, #tpu.memory_space<vmem>>, vector<16xi32>,
      %shift_right_arithmetic3A = arith.constant 7 : i32
      %shift_right_arithmetic3A_97 = vector.broadcast %shift_right_arithmetic3A : i32 to vector<16xi32>
      %shift_right_arithmetic3A_98 = arith.shrsi %get3A_96, %shift_right_arithmetic3A_97 : vector<16xi32>
      %and3A = arith.constant 127 : i32
      %and3A_99 = vector.broadcast %and3A : i32 to vector<16xi32>
      %and3A_100 = arith.andi %get3A_96, %and3A_99 : vector<16xi32>
      %broadcast_in_dim3A = arith.constant 0 : i32
      %broadcast_in_dim3A_101 = vector.broadcast %broadcast_in_dim3A : i32 to vector<16xi32>
      %gather3A = tpu.vector_load_idx %arg9[%get3A_92, %broadcast_in_dim3A_101] : memref<10000x2xf32, #tpu.memory_space<vmem>>[vector<16xi32>, vector<16xi32>], vector<16xf32>,
      %scatter3A = arith.constant 0 : i32
      %scatter3A_102 = arith.constant 0 : i32
      %scatter3A_103 = arith.constant 0 : i32
      %scatter3A_104 = tpu.memref_slice %arg10[%scatter3A, %scatter3A_102, %scatter3A_103] : memref<2x80x128xf32, #tpu.memory_space<vmem>> -> memref<1x80x128xf32, #tpu.memory_space<vmem>>
      %scatter3A_105 = tpu.memref_squeeze %scatter3A_104 : memref<1x80x128xf32, #tpu.memory_space<vmem>> -> memref<80x128xf32, #tpu.memory_space<vmem>>
      tpu.vector_store_idx %scatter3A_105[%shift_right_arithmetic3A_98, %and3A_100], %gather3A {add = true} : memref<80x128xf32, #tpu.memory_space<vmem>>[vector<16xi32>, vector<16xi32>], vector<16xf32>,
      %broadcast_in_dim3A_106 = arith.constant 1 : i32
      %broadcast_in_dim3A_107 = vector.broadcast %broadcast_in_dim3A_106 : i32 to vector<16xi32>
      %gather3A_108 = tpu.vector_load_idx %arg9[%get3A_92, %broadcast_in_dim3A_107] : memref<10000x2xf32, #tpu.memory_space<vmem>>[vector<16xi32>, vector<16xi32>], vector<16xf32>,
      %scatter3A_109 = arith.constant 1 : i32
      %scatter3A_110 = arith.constant 0 : i32
      %scatter3A_111 = arith.constant 0 : i32
      %scatter3A_112 = tpu.memref_slice %arg10[%scatter3A_109, %scatter3A_110, %scatter3A_111] : memref<2x80x128xf32, #tpu.memory_space<vmem>> -> memref<1x80x128xf32, #tpu.memory_space<vmem>>
      %scatter3A_113 = tpu.memref_squeeze %scatter3A_112 : memref<1x80x128xf32, #tpu.memory_space<vmem>> -> memref<80x128xf32, #tpu.memory_space<vmem>>
      tpu.vector_store_idx %scatter3A_113[%shift_right_arithmetic3A_98, %and3A_100], %gather3A_108 {add = true} : memref<80x128xf32, #tpu.memory_space<vmem>>[vector<16xi32>, vector<16xi32>], vector<16xf32>,
    }
    %scan3A_51 = arith.constant 320 : i32
    "tpu.region"() ({
      %run_scoped3A_89 = tpu.sem_alloc : memref<!tpu.dma_semaphore, #tpu.memory_space<semaphore_mem>>
      %dma_start3A = arith.constant 5120 : i32
      %dma_start3A_90 = tpu.memref_slice %arg2[%arg1, %dma_start3A] : memref<16x20480xi32, #tpu.memory_space<hbm>> -> memref<1x5120xi32, #tpu.memory_space<hbm>>
      %dma_start3A_91 = tpu.memref_squeeze %dma_start3A_90 : memref<1x5120xi32, #tpu.memory_space<hbm>> -> memref<5120xi32, #tpu.memory_space<hbm>>
      %dma_start3A_92 = arith.constant 5120 : i32
      %dma_start3A_93 = tpu.memref_slice %arg2[%arg1, %dma_start3A_92] : memref<16x20480xi32, #tpu.memory_space<hbm>> -> memref<1x5120xi32, #tpu.memory_space<hbm>>
      %dma_start3A_94 = tpu.memref_squeeze %dma_start3A_93 : memref<1x5120xi32, #tpu.memory_space<hbm>> -> memref<5120xi32, #tpu.memory_space<hbm>>
      tpu.enqueue_dma source(%dma_start3A_94 : memref<5120xi32, #tpu.memory_space<hbm>>) target(%arg7 : memref<5120xi32, #tpu.memory_space<vmem>>) target_semaphore(%run_scoped3A_89 : memref<!tpu.dma_semaphore, #tpu.memory_space<semaphore_mem>>)
      %dma_wait3A = arith.constant 5120 : i32
      %dma_wait3A_95 = tpu.memref_slice %arg2[%arg1, %dma_wait3A] : memref<16x20480xi32, #tpu.memory_space<hbm>> -> memref<1x5120xi32, #tpu.memory_space<hbm>>
      %dma_wait3A_96 = tpu.memref_squeeze %dma_wait3A_95 : memref<1x5120xi32, #tpu.memory_space<hbm>> -> memref<5120xi32, #tpu.memory_space<hbm>>
      %dma_wait3A_97 = arith.constant 5120 : i32
      %dma_wait3A_98 = tpu.memref_slice %arg2[%arg1, %dma_wait3A_97] : memref<16x20480xi32, #tpu.memory_space<hbm>> -> memref<1x5120xi32, #tpu.memory_space<hbm>>
      %dma_wait3A_99 = tpu.memref_squeeze %dma_wait3A_98 : memref<1x5120xi32, #tpu.memory_space<hbm>> -> memref<5120xi32, #tpu.memory_space<hbm>>
      tpu.wait_dma2 semaphore(%run_scoped3A_89 : memref<!tpu.dma_semaphore, #tpu.memory_space<semaphore_mem>>) src(%dma_wait3A_99 : memref<5120xi32, #tpu.memory_space<hbm>>) dst(%arg7 : memref<5120xi32, #tpu.memory_space<vmem>>)
      tpu.yield
    }) : () -> ()
    "tpu.region"() ({
      %run_scoped3A_89 = tpu.sem_alloc : memref<!tpu.dma_semaphore, #tpu.memory_space<semaphore_mem>>
      %dma_start3A = arith.constant 5120 : i32
      %dma_start3A_90 = tpu.memref_slice %arg3[%arg1, %dma_start3A] : memref<16x20480xi32, #tpu.memory_space<hbm>> -> memref<1x5120xi32, #tpu.memory_space<hbm>>
      %dma_start3A_91 = tpu.memref_squeeze %dma_start3A_90 : memref<1x5120xi32, #tpu.memory_space<hbm>> -> memref<5120xi32, #tpu.memory_space<hbm>>
      %dma_start3A_92 = arith.constant 5120 : i32
      %dma_start3A_93 = tpu.memref_slice %arg3[%arg1, %dma_start3A_92] : memref<16x20480xi32, #tpu.memory_space<hbm>> -> memref<1x5120xi32, #tpu.memory_space<hbm>>
      %dma_start3A_94 = tpu.memref_squeeze %dma_start3A_93 : memref<1x5120xi32, #tpu.memory_space<hbm>> -> memref<5120xi32, #tpu.memory_space<hbm>>
      tpu.enqueue_dma source(%dma_start3A_94 : memref<5120xi32, #tpu.memory_space<hbm>>) target(%arg8 : memref<5120xi32, #tpu.memory_space<vmem>>) target_semaphore(%run_scoped3A_89 : memref<!tpu.dma_semaphore, #tpu.memory_space<semaphore_mem>>)
      %dma_wait3A = arith.constant 5120 : i32
      %dma_wait3A_95 = tpu.memref_slice %arg3[%arg1, %dma_wait3A] : memref<16x20480xi32, #tpu.memory_space<hbm>> -> memref<1x5120xi32, #tpu.memory_space<hbm>>
      %dma_wait3A_96 = tpu.memref_squeeze %dma_wait3A_95 : memref<1x5120xi32, #tpu.memory_space<hbm>> -> memref<5120xi32, #tpu.memory_space<hbm>>
      %dma_wait3A_97 = arith.constant 5120 : i32
      %dma_wait3A_98 = tpu.memref_slice %arg3[%arg1, %dma_wait3A_97] : memref<16x20480xi32, #tpu.memory_space<hbm>> -> memref<1x5120xi32, #tpu.memory_space<hbm>>
      %dma_wait3A_99 = tpu.memref_squeeze %dma_wait3A_98 : memref<1x5120xi32, #tpu.memory_space<hbm>> -> memref<5120xi32, #tpu.memory_space<hbm>>
      tpu.wait_dma2 semaphore(%run_scoped3A_89 : memref<!tpu.dma_semaphore, #tpu.memory_space<semaphore_mem>>) src(%dma_wait3A_99 : memref<5120xi32, #tpu.memory_space<hbm>>) dst(%arg8 : memref<5120xi32, #tpu.memory_space<vmem>>)
      tpu.yield
    }) : () -> ()
    %scan3A_52 = arith.constant 0 : i32
    %scan3A_53 = arith.constant 0 : i32
    %scan3A_54 = arith.constant 320 : i32
    %scan3A_55 = arith.addi %scan3A_53, %scan3A_54 : i32
    %scan3A_56 = arith.constant 1 : i32
    scf.for %scan3A_89 = %scan3A_53 to %scan3A_55 step %scan3A_56  : i32 {
      %mul3A_90 = arith.constant 16 : i32
      %mul3A_91 = arith.muli %scan3A_89, %mul3A_90 : i32
      %get3A = arith.index_cast %mul3A_91 : i32 to index
      %get3A_92 = tpu.vector_load %arg7[%get3A] {strides = array<i32>} : memref<5120xi32, #tpu.memory_space<vmem>>, vector<16xi32>,
      %mul3A_93 = arith.constant 16 : i32
      %mul3A_94 = arith.muli %scan3A_89, %mul3A_93 : i32
      %get3A_95 = arith.index_cast %mul3A_94 : i32 to index
      %get3A_96 = tpu.vector_load %arg8[%get3A_95] {strides = array<i32>} : memref<5120xi32, #tpu.memory_space<vmem>>, vector<16xi32>,
      %shift_right_arithmetic3A = arith.constant 7 : i32
      %shift_right_arithmetic3A_97 = vector.broadcast %shift_right_arithmetic3A : i32 to vector<16xi32>
      %shift_right_arithmetic3A_98 = arith.shrsi %get3A_96, %shift_right_arithmetic3A_97 : vector<16xi32>
      %and3A = arith.constant 127 : i32
      %and3A_99 = vector.broadcast %and3A : i32 to vector<16xi32>
      %and3A_100 = arith.andi %get3A_96, %and3A_99 : vector<16xi32>
      %broadcast_in_dim3A = arith.constant 0 : i32
      %broadcast_in_dim3A_101 = vector.broadcast %broadcast_in_dim3A : i32 to vector<16xi32>
      %gather3A = tpu.vector_load_idx %arg9[%get3A_92, %broadcast_in_dim3A_101] : memref<10000x2xf32, #tpu.memory_space<vmem>>[vector<16xi32>, vector<16xi32>], vector<16xf32>,
      %scatter3A = arith.constant 0 : i32
      %scatter3A_102 = arith.constant 0 : i32
      %scatter3A_103 = arith.constant 0 : i32
      %scatter3A_104 = tpu.memref_slice %arg10[%scatter3A, %scatter3A_102, %scatter3A_103] : memref<2x80x128xf32, #tpu.memory_space<vmem>> -> memref<1x80x128xf32, #tpu.memory_space<vmem>>
      %scatter3A_105 = tpu.memref_squeeze %scatter3A_104 : memref<1x80x128xf32, #tpu.memory_space<vmem>> -> memref<80x128xf32, #tpu.memory_space<vmem>>
      tpu.vector_store_idx %scatter3A_105[%shift_right_arithmetic3A_98, %and3A_100], %gather3A {add = true} : memref<80x128xf32, #tpu.memory_space<vmem>>[vector<16xi32>, vector<16xi32>], vector<16xf32>,
      %broadcast_in_dim3A_106 = arith.constant 1 : i32
      %broadcast_in_dim3A_107 = vector.broadcast %broadcast_in_dim3A_106 : i32 to vector<16xi32>
      %gather3A_108 = tpu.vector_load_idx %arg9[%get3A_92, %broadcast_in_dim3A_107] : memref<10000x2xf32, #tpu.memory_space<vmem>>[vector<16xi32>, vector<16xi32>], vector<16xf32>,
      %scatter3A_109 = arith.constant 1 : i32
      %scatter3A_110 = arith.constant 0 : i32
      %scatter3A_111 = arith.constant 0 : i32
      %scatter3A_112 = tpu.memref_slice %arg10[%scatter3A_109, %scatter3A_110, %scatter3A_111] : memref<2x80x128xf32, #tpu.memory_space<vmem>> -> memref<1x80x128xf32, #tpu.memory_space<vmem>>
      %scatter3A_113 = tpu.memref_squeeze %scatter3A_112 : memref<1x80x128xf32, #tpu.memory_space<vmem>> -> memref<80x128xf32, #tpu.memory_space<vmem>>
      tpu.vector_store_idx %scatter3A_113[%shift_right_arithmetic3A_98, %and3A_100], %gather3A_108 {add = true} : memref<80x128xf32, #tpu.memory_space<vmem>>[vector<16xi32>, vector<16xi32>], vector<16xf32>,
    }
    %scan3A_57 = arith.constant 320 : i32
    "tpu.region"() ({
      %run_scoped3A_89 = tpu.sem_alloc : memref<!tpu.dma_semaphore, #tpu.memory_space<semaphore_mem>>
      %dma_start3A = arith.constant 10240 : i32
      %dma_start3A_90 = tpu.memref_slice %arg2[%arg1, %dma_start3A] : memref<16x20480xi32, #tpu.memory_space<hbm>> -> memref<1x5120xi32, #tpu.memory_space<hbm>>
      %dma_start3A_91 = tpu.memref_squeeze %dma_start3A_90 : memref<1x5120xi32, #tpu.memory_space<hbm>> -> memref<5120xi32, #tpu.memory_space<hbm>>
      %dma_start3A_92 = arith.constant 10240 : i32
      %dma_start3A_93 = tpu.memref_slice %arg2[%arg1, %dma_start3A_92] : memref<16x20480xi32, #tpu.memory_space<hbm>> -> memref<1x5120xi32, #tpu.memory_space<hbm>>
      %dma_start3A_94 = tpu.memref_squeeze %dma_start3A_93 : memref<1x5120xi32, #tpu.memory_space<hbm>> -> memref<5120xi32, #tpu.memory_space<hbm>>
      tpu.enqueue_dma source(%dma_start3A_94 : memref<5120xi32, #tpu.memory_space<hbm>>) target(%arg7 : memref<5120xi32, #tpu.memory_space<vmem>>) target_semaphore(%run_scoped3A_89 : memref<!tpu.dma_semaphore, #tpu.memory_space<semaphore_mem>>)
      %dma_wait3A = arith.constant 10240 : i32
      %dma_wait3A_95 = tpu.memref_slice %arg2[%arg1, %dma_wait3A] : memref<16x20480xi32, #tpu.memory_space<hbm>> -> memref<1x5120xi32, #tpu.memory_space<hbm>>
      %dma_wait3A_96 = tpu.memref_squeeze %dma_wait3A_95 : memref<1x5120xi32, #tpu.memory_space<hbm>> -> memref<5120xi32, #tpu.memory_space<hbm>>
      %dma_wait3A_97 = arith.constant 10240 : i32
      %dma_wait3A_98 = tpu.memref_slice %arg2[%arg1, %dma_wait3A_97] : memref<16x20480xi32, #tpu.memory_space<hbm>> -> memref<1x5120xi32, #tpu.memory_space<hbm>>
      %dma_wait3A_99 = tpu.memref_squeeze %dma_wait3A_98 : memref<1x5120xi32, #tpu.memory_space<hbm>> -> memref<5120xi32, #tpu.memory_space<hbm>>
      tpu.wait_dma2 semaphore(%run_scoped3A_89 : memref<!tpu.dma_semaphore, #tpu.memory_space<semaphore_mem>>) src(%dma_wait3A_99 : memref<5120xi32, #tpu.memory_space<hbm>>) dst(%arg7 : memref<5120xi32, #tpu.memory_space<vmem>>)
      tpu.yield
    }) : () -> ()
    "tpu.region"() ({
      %run_scoped3A_89 = tpu.sem_alloc : memref<!tpu.dma_semaphore, #tpu.memory_space<semaphore_mem>>
      %dma_start3A = arith.constant 10240 : i32
      %dma_start3A_90 = tpu.memref_slice %arg3[%arg1, %dma_start3A] : memref<16x20480xi32, #tpu.memory_space<hbm>> -> memref<1x5120xi32, #tpu.memory_space<hbm>>
      %dma_start3A_91 = tpu.memref_squeeze %dma_start3A_90 : memref<1x5120xi32, #tpu.memory_space<hbm>> -> memref<5120xi32, #tpu.memory_space<hbm>>
      %dma_start3A_92 = arith.constant 10240 : i32
      %dma_start3A_93 = tpu.memref_slice %arg3[%arg1, %dma_start3A_92] : memref<16x20480xi32, #tpu.memory_space<hbm>> -> memref<1x5120xi32, #tpu.memory_space<hbm>>
      %dma_start3A_94 = tpu.memref_squeeze %dma_start3A_93 : memref<1x5120xi32, #tpu.memory_space<hbm>> -> memref<5120xi32, #tpu.memory_space<hbm>>
      tpu.enqueue_dma source(%dma_start3A_94 : memref<5120xi32, #tpu.memory_space<hbm>>) target(%arg8 : memref<5120xi32, #tpu.memory_space<vmem>>) target_semaphore(%run_scoped3A_89 : memref<!tpu.dma_semaphore, #tpu.memory_space<semaphore_mem>>)
      %dma_wait3A = arith.constant 10240 : i32
      %dma_wait3A_95 = tpu.memref_slice %arg3[%arg1, %dma_wait3A] : memref<16x20480xi32, #tpu.memory_space<hbm>> -> memref<1x5120xi32, #tpu.memory_space<hbm>>
      %dma_wait3A_96 = tpu.memref_squeeze %dma_wait3A_95 : memref<1x5120xi32, #tpu.memory_space<hbm>> -> memref<5120xi32, #tpu.memory_space<hbm>>
      %dma_wait3A_97 = arith.constant 10240 : i32
      %dma_wait3A_98 = tpu.memref_slice %arg3[%arg1, %dma_wait3A_97] : memref<16x20480xi32, #tpu.memory_space<hbm>> -> memref<1x5120xi32, #tpu.memory_space<hbm>>
      %dma_wait3A_99 = tpu.memref_squeeze %dma_wait3A_98 : memref<1x5120xi32, #tpu.memory_space<hbm>> -> memref<5120xi32, #tpu.memory_space<hbm>>
      tpu.wait_dma2 semaphore(%run_scoped3A_89 : memref<!tpu.dma_semaphore, #tpu.memory_space<semaphore_mem>>) src(%dma_wait3A_99 : memref<5120xi32, #tpu.memory_space<hbm>>) dst(%arg8 : memref<5120xi32, #tpu.memory_space<vmem>>)
      tpu.yield
    }) : () -> ()
    %scan3A_58 = arith.constant 0 : i32
    %scan3A_59 = arith.constant 0 : i32
    %scan3A_60 = arith.constant 320 : i32
    %scan3A_61 = arith.addi %scan3A_59, %scan3A_60 : i32
    %scan3A_62 = arith.constant 1 : i32
    scf.for %scan3A_89 = %scan3A_59 to %scan3A_61 step %scan3A_62  : i32 {
      %mul3A_90 = arith.constant 16 : i32
      %mul3A_91 = arith.muli %scan3A_89, %mul3A_90 : i32
      %get3A = arith.index_cast %mul3A_91 : i32 to index
      %get3A_92 = tpu.vector_load %arg7[%get3A] {strides = array<i32>} : memref<5120xi32, #tpu.memory_space<vmem>>, vector<16xi32>,
      %mul3A_93 = arith.constant 16 : i32
      %mul3A_94 = arith.muli %scan3A_89, %mul3A_93 : i32
      %get3A_95 = arith.index_cast %mul3A_94 : i32 to index
      %get3A_96 = tpu.vector_load %arg8[%get3A_95] {strides = array<i32>} : memref<5120xi32, #tpu.memory_space<vmem>>, vector<16xi32>,
      %shift_right_arithmetic3A = arith.constant 7 : i32
      %shift_right_arithmetic3A_97 = vector.broadcast %shift_right_arithmetic3A : i32 to vector<16xi32>
      %shift_right_arithmetic3A_98 = arith.shrsi %get3A_96, %shift_right_arithmetic3A_97 : vector<16xi32>
      %and3A = arith.constant 127 : i32
      %and3A_99 = vector.broadcast %and3A : i32 to vector<16xi32>
      %and3A_100 = arith.andi %get3A_96, %and3A_99 : vector<16xi32>
      %broadcast_in_dim3A = arith.constant 0 : i32
      %broadcast_in_dim3A_101 = vector.broadcast %broadcast_in_dim3A : i32 to vector<16xi32>
      %gather3A = tpu.vector_load_idx %arg9[%get3A_92, %broadcast_in_dim3A_101] : memref<10000x2xf32, #tpu.memory_space<vmem>>[vector<16xi32>, vector<16xi32>], vector<16xf32>,
      %scatter3A = arith.constant 0 : i32
      %scatter3A_102 = arith.constant 0 : i32
      %scatter3A_103 = arith.constant 0 : i32
      %scatter3A_104 = tpu.memref_slice %arg10[%scatter3A, %scatter3A_102, %scatter3A_103] : memref<2x80x128xf32, #tpu.memory_space<vmem>> -> memref<1x80x128xf32, #tpu.memory_space<vmem>>
      %scatter3A_105 = tpu.memref_squeeze %scatter3A_104 : memref<1x80x128xf32, #tpu.memory_space<vmem>> -> memref<80x128xf32, #tpu.memory_space<vmem>>
      tpu.vector_store_idx %scatter3A_105[%shift_right_arithmetic3A_98, %and3A_100], %gather3A {add = true} : memref<80x128xf32, #tpu.memory_space<vmem>>[vector<16xi32>, vector<16xi32>], vector<16xf32>,
      %broadcast_in_dim3A_106 = arith.constant 1 : i32
      %broadcast_in_dim3A_107 = vector.broadcast %broadcast_in_dim3A_106 : i32 to vector<16xi32>
      %gather3A_108 = tpu.vector_load_idx %arg9[%get3A_92, %broadcast_in_dim3A_107] : memref<10000x2xf32, #tpu.memory_space<vmem>>[vector<16xi32>, vector<16xi32>], vector<16xf32>,
      %scatter3A_109 = arith.constant 1 : i32
      %scatter3A_110 = arith.constant 0 : i32
      %scatter3A_111 = arith.constant 0 : i32
      %scatter3A_112 = tpu.memref_slice %arg10[%scatter3A_109, %scatter3A_110, %scatter3A_111] : memref<2x80x128xf32, #tpu.memory_space<vmem>> -> memref<1x80x128xf32, #tpu.memory_space<vmem>>
      %scatter3A_113 = tpu.memref_squeeze %scatter3A_112 : memref<1x80x128xf32, #tpu.memory_space<vmem>> -> memref<80x128xf32, #tpu.memory_space<vmem>>
      tpu.vector_store_idx %scatter3A_113[%shift_right_arithmetic3A_98, %and3A_100], %gather3A_108 {add = true} : memref<80x128xf32, #tpu.memory_space<vmem>>[vector<16xi32>, vector<16xi32>], vector<16xf32>,
    }
    %scan3A_63 = arith.constant 320 : i32
    "tpu.region"() ({
      %run_scoped3A_89 = tpu.sem_alloc : memref<!tpu.dma_semaphore, #tpu.memory_space<semaphore_mem>>
      %dma_start3A = arith.constant 15360 : i32
      %dma_start3A_90 = tpu.memref_slice %arg2[%arg1, %dma_start3A] : memref<16x20480xi32, #tpu.memory_space<hbm>> -> memref<1x5120xi32, #tpu.memory_space<hbm>>
      %dma_start3A_91 = tpu.memref_squeeze %dma_start3A_90 : memref<1x5120xi32, #tpu.memory_space<hbm>> -> memref<5120xi32, #tpu.memory_space<hbm>>
      %dma_start3A_92 = arith.constant 15360 : i32
      %dma_start3A_93 = tpu.memref_slice %arg2[%arg1, %dma_start3A_92] : memref<16x20480xi32, #tpu.memory_space<hbm>> -> memref<1x5120xi32, #tpu.memory_space<hbm>>
      %dma_start3A_94 = tpu.memref_squeeze %dma_start3A_93 : memref<1x5120xi32, #tpu.memory_space<hbm>> -> memref<5120xi32, #tpu.memory_space<hbm>>
      tpu.enqueue_dma source(%dma_start3A_94 : memref<5120xi32, #tpu.memory_space<hbm>>) target(%arg7 : memref<5120xi32, #tpu.memory_space<vmem>>) target_semaphore(%run_scoped3A_89 : memref<!tpu.dma_semaphore, #tpu.memory_space<semaphore_mem>>)
      %dma_wait3A = arith.constant 15360 : i32
      %dma_wait3A_95 = tpu.memref_slice %arg2[%arg1, %dma_wait3A] : memref<16x20480xi32, #tpu.memory_space<hbm>> -> memref<1x5120xi32, #tpu.memory_space<hbm>>
      %dma_wait3A_96 = tpu.memref_squeeze %dma_wait3A_95 : memref<1x5120xi32, #tpu.memory_space<hbm>> -> memref<5120xi32, #tpu.memory_space<hbm>>
      %dma_wait3A_97 = arith.constant 15360 : i32
      %dma_wait3A_98 = tpu.memref_slice %arg2[%arg1, %dma_wait3A_97] : memref<16x20480xi32, #tpu.memory_space<hbm>> -> memref<1x5120xi32, #tpu.memory_space<hbm>>
      %dma_wait3A_99 = tpu.memref_squeeze %dma_wait3A_98 : memref<1x5120xi32, #tpu.memory_space<hbm>> -> memref<5120xi32, #tpu.memory_space<hbm>>
      tpu.wait_dma2 semaphore(%run_scoped3A_89 : memref<!tpu.dma_semaphore, #tpu.memory_space<semaphore_mem>>) src(%dma_wait3A_99 : memref<5120xi32, #tpu.memory_space<hbm>>) dst(%arg7 : memref<5120xi32, #tpu.memory_space<vmem>>)
      tpu.yield
    }) : () -> ()
    "tpu.region"() ({
      %run_scoped3A_89 = tpu.sem_alloc : memref<!tpu.dma_semaphore, #tpu.memory_space<semaphore_mem>>
      %dma_start3A = arith.constant 15360 : i32
      %dma_start3A_90 = tpu.memref_slice %arg3[%arg1, %dma_start3A] : memref<16x20480xi32, #tpu.memory_space<hbm>> -> memref<1x5120xi32, #tpu.memory_space<hbm>>
      %dma_start3A_91 = tpu.memref_squeeze %dma_start3A_90 : memref<1x5120xi32, #tpu.memory_space<hbm>> -> memref<5120xi32, #tpu.memory_space<hbm>>
      %dma_start3A_92 = arith.constant 15360 : i32
      %dma_start3A_93 = tpu.memref_slice %arg3[%arg1, %dma_start3A_92] : memref<16x20480xi32, #tpu.memory_space<hbm>> -> memref<1x5120xi32, #tpu.memory_space<hbm>>
      %dma_start3A_94 = tpu.memref_squeeze %dma_start3A_93 : memref<1x5120xi32, #tpu.memory_space<hbm>> -> memref<5120xi32, #tpu.memory_space<hbm>>
      tpu.enqueue_dma source(%dma_start3A_94 : memref<5120xi32, #tpu.memory_space<hbm>>) target(%arg8 : memref<5120xi32, #tpu.memory_space<vmem>>) target_semaphore(%run_scoped3A_89 : memref<!tpu.dma_semaphore, #tpu.memory_space<semaphore_mem>>)
      %dma_wait3A = arith.constant 15360 : i32
      %dma_wait3A_95 = tpu.memref_slice %arg3[%arg1, %dma_wait3A] : memref<16x20480xi32, #tpu.memory_space<hbm>> -> memref<1x5120xi32, #tpu.memory_space<hbm>>
      %dma_wait3A_96 = tpu.memref_squeeze %dma_wait3A_95 : memref<1x5120xi32, #tpu.memory_space<hbm>> -> memref<5120xi32, #tpu.memory_space<hbm>>
      %dma_wait3A_97 = arith.constant 15360 : i32
      %dma_wait3A_98 = tpu.memref_slice %arg3[%arg1, %dma_wait3A_97] : memref<16x20480xi32, #tpu.memory_space<hbm>> -> memref<1x5120xi32, #tpu.memory_space<hbm>>
      %dma_wait3A_99 = tpu.memref_squeeze %dma_wait3A_98 : memref<1x5120xi32, #tpu.memory_space<hbm>> -> memref<5120xi32, #tpu.memory_space<hbm>>
      tpu.wait_dma2 semaphore(%run_scoped3A_89 : memref<!tpu.dma_semaphore, #tpu.memory_space<semaphore_mem>>) src(%dma_wait3A_99 : memref<5120xi32, #tpu.memory_space<hbm>>) dst(%arg8 : memref<5120xi32, #tpu.memory_space<vmem>>)
      tpu.yield
    }) : () -> ()
    %scan3A_64 = arith.constant 0 : i32
    %scan3A_65 = arith.constant 0 : i32
    %scan3A_66 = arith.constant 320 : i32
    %scan3A_67 = arith.addi %scan3A_65, %scan3A_66 : i32
    %scan3A_68 = arith.constant 1 : i32
    scf.for %scan3A_89 = %scan3A_65 to %scan3A_67 step %scan3A_68  : i32 {
      %mul3A_90 = arith.constant 16 : i32
      %mul3A_91 = arith.muli %scan3A_89, %mul3A_90 : i32
      %get3A = arith.index_cast %mul3A_91 : i32 to index
      %get3A_92 = tpu.vector_load %arg7[%get3A] {strides = array<i32>} : memref<5120xi32, #tpu.memory_space<vmem>>, vector<16xi32>,
      %mul3A_93 = arith.constant 16 : i32
      %mul3A_94 = arith.muli %scan3A_89, %mul3A_93 : i32
      %get3A_95 = arith.index_cast %mul3A_94 : i32 to index
      %get3A_96 = tpu.vector_load %arg8[%get3A_95] {strides = array<i32>} : memref<5120xi32, #tpu.memory_space<vmem>>, vector<16xi32>,
      %shift_right_arithmetic3A = arith.constant 7 : i32
      %shift_right_arithmetic3A_97 = vector.broadcast %shift_right_arithmetic3A : i32 to vector<16xi32>
      %shift_right_arithmetic3A_98 = arith.shrsi %get3A_96, %shift_right_arithmetic3A_97 : vector<16xi32>
      %and3A = arith.constant 127 : i32
      %and3A_99 = vector.broadcast %and3A : i32 to vector<16xi32>
      %and3A_100 = arith.andi %get3A_96, %and3A_99 : vector<16xi32>
      %broadcast_in_dim3A = arith.constant 0 : i32
      %broadcast_in_dim3A_101 = vector.broadcast %broadcast_in_dim3A : i32 to vector<16xi32>
      %gather3A = tpu.vector_load_idx %arg9[%get3A_92, %broadcast_in_dim3A_101] : memref<10000x2xf32, #tpu.memory_space<vmem>>[vector<16xi32>, vector<16xi32>], vector<16xf32>,
      %scatter3A = arith.constant 0 : i32
      %scatter3A_102 = arith.constant 0 : i32
      %scatter3A_103 = arith.constant 0 : i32
      %scatter3A_104 = tpu.memref_slice %arg10[%scatter3A, %scatter3A_102, %scatter3A_103] : memref<2x80x128xf32, #tpu.memory_space<vmem>> -> memref<1x80x128xf32, #tpu.memory_space<vmem>>
      %scatter3A_105 = tpu.memref_squeeze %scatter3A_104 : memref<1x80x128xf32, #tpu.memory_space<vmem>> -> memref<80x128xf32, #tpu.memory_space<vmem>>
      tpu.vector_store_idx %scatter3A_105[%shift_right_arithmetic3A_98, %and3A_100], %gather3A {add = true} : memref<80x128xf32, #tpu.memory_space<vmem>>[vector<16xi32>, vector<16xi32>], vector<16xf32>,
      %broadcast_in_dim3A_106 = arith.constant 1 : i32
      %broadcast_in_dim3A_107 = vector.broadcast %broadcast_in_dim3A_106 : i32 to vector<16xi32>
      %gather3A_108 = tpu.vector_load_idx %arg9[%get3A_92, %broadcast_in_dim3A_107] : memref<10000x2xf32, #tpu.memory_space<vmem>>[vector<16xi32>, vector<16xi32>], vector<16xf32>,
      %scatter3A_109 = arith.constant 1 : i32
      %scatter3A_110 = arith.constant 0 : i32
      %scatter3A_111 = arith.constant 0 : i32
      %scatter3A_112 = tpu.memref_slice %arg10[%scatter3A_109, %scatter3A_110, %scatter3A_111] : memref<2x80x128xf32, #tpu.memory_space<vmem>> -> memref<1x80x128xf32, #tpu.memory_space<vmem>>
      %scatter3A_113 = tpu.memref_squeeze %scatter3A_112 : memref<1x80x128xf32, #tpu.memory_space<vmem>> -> memref<80x128xf32, #tpu.memory_space<vmem>>
      tpu.vector_store_idx %scatter3A_113[%shift_right_arithmetic3A_98, %and3A_100], %gather3A_108 {add = true} : memref<80x128xf32, #tpu.memory_space<vmem>>[vector<16xi32>, vector<16xi32>], vector<16xf32>,
    }
    %scan3A_69 = arith.constant 320 : i32
    %barrier3A = arith.constant 0 : index
    tpu.barrier barrier_id(%barrier3A)
    %run_scoped3A_70 = arith.constant 0 : i32
    %run_scoped3A_71 = arith.constant 0 : i32
    %run_scoped3A_72 = arith.constant 0 : i32
    "tpu.region"() ({
      %run_scoped3A_89 = tpu.sem_alloc : memref<!tpu.dma_semaphore, #tpu.memory_space<semaphore_mem>>
      %dma_start3A = arith.constant 0 : i32
      %dma_start3A_90 = arith.constant 0 : i32
      %dma_start3A_91 = tpu.memref_slice %arg10[%run_scoped3A_70, %dma_start3A, %dma_start3A_90] : memref<2x80x128xf32, #tpu.memory_space<vmem>> -> memref<1x80x128xf32, #tpu.memory_space<vmem>>
      %dma_start3A_92 = tpu.memref_squeeze %dma_start3A_91 : memref<1x80x128xf32, #tpu.memory_space<vmem>> -> memref<80x128xf32, #tpu.memory_space<vmem>>
      %dma_start3A_93 = arith.constant 0 : i32
      %dma_start3A_94 = tpu.memref_slice %arg11[%run_scoped3A_72, %dma_start3A_93] : memref<1x80xi32, #tpu.memory_space<vmem>> -> memref<1x80xi32, #tpu.memory_space<vmem>>
      %dma_start3A_95 = tpu.memref_squeeze %dma_start3A_94 : memref<1x80xi32, #tpu.memory_space<vmem>> -> memref<80xi32, #tpu.memory_space<vmem>>
      %dma_start3A_96 = arith.constant 0 : i32
      %dma_start3A_97 = arith.constant 0 : i32
      %dma_start3A_98 = tpu.memref_slice %arg12[%run_scoped3A_71, %dma_start3A_96, %dma_start3A_97] : memref<2x80x128xf32, #tpu.memory_space<vmem_shared>> -> memref<1x80x128xf32, #tpu.memory_space<vmem_shared>>
      %dma_start3A_99 = tpu.memref_squeeze %dma_start3A_98 : memref<1x80x128xf32, #tpu.memory_space<vmem_shared>> -> memref<80x128xf32, #tpu.memory_space<vmem_shared>>
      %dma_start3A_100 = arith.constant 0 : i32
      %dma_start3A_101 = arith.constant 0 : i32
      %dma_start3A_102 = tpu.memref_slice %dma_start3A_99[%dma_start3A_100, %dma_start3A_101] : memref<80x128xf32, #tpu.memory_space<vmem_shared>> -> memref<80x128xf32, #tpu.memory_space<vmem_shared>>
      tpu.enqueue_indirect_dma source(%dma_start3A_92 : memref<80x128xf32, #tpu.memory_space<vmem>>) target(%dma_start3A_102 : memref<80x128xf32, #tpu.memory_space<vmem_shared>>) offsets(%dma_start3A_95 : memref<80xi32, #tpu.memory_space<vmem>>) semaphore(%run_scoped3A_89 : memref<!tpu.dma_semaphore, #tpu.memory_space<semaphore_mem>>) {add = true}
      %dma_wait3A = arith.constant 0 : i32
      %dma_wait3A_103 = arith.constant 0 : i32
      %dma_wait3A_104 = tpu.memref_slice %arg10[%run_scoped3A_70, %dma_wait3A, %dma_wait3A_103] : memref<2x80x128xf32, #tpu.memory_space<vmem>> -> memref<1x80x128xf32, #tpu.memory_space<vmem>>
      %dma_wait3A_105 = tpu.memref_squeeze %dma_wait3A_104 : memref<1x80x128xf32, #tpu.memory_space<vmem>> -> memref<80x128xf32, #tpu.memory_space<vmem>>
      %dma_wait3A_106 = arith.constant 0 : i32
      %dma_wait3A_107 = tpu.memref_slice %arg11[%run_scoped3A_72, %dma_wait3A_106] : memref<1x80xi32, #tpu.memory_space<vmem>> -> memref<1x80xi32, #tpu.memory_space<vmem>>
      %dma_wait3A_108 = tpu.memref_squeeze %dma_wait3A_107 : memref<1x80xi32, #tpu.memory_space<vmem>> -> memref<80xi32, #tpu.memory_space<vmem>>
      %dma_wait3A_109 = arith.constant 0 : i32
      %dma_wait3A_110 = arith.constant 0 : i32
      %dma_wait3A_111 = tpu.memref_slice %arg12[%run_scoped3A_71, %dma_wait3A_109, %dma_wait3A_110] : memref<2x80x128xf32, #tpu.memory_space<vmem_shared>> -> memref<1x80x128xf32, #tpu.memory_space<vmem_shared>>
      %dma_wait3A_112 = tpu.memref_squeeze %dma_wait3A_111 : memref<1x80x128xf32, #tpu.memory_space<vmem_shared>> -> memref<80x128xf32, #tpu.memory_space<vmem_shared>>
      %dma_wait3A_113 = arith.constant 0 : i32
      %dma_wait3A_114 = arith.constant 0 : i32
      %dma_wait3A_115 = tpu.memref_slice %dma_wait3A_112[%dma_wait3A_113, %dma_wait3A_114] : memref<80x128xf32, #tpu.memory_space<vmem_shared>> -> memref<80x128xf32, #tpu.memory_space<vmem_shared>>
      tpu.wait_indirect_dma semaphore(%run_scoped3A_89 : memref<!tpu.dma_semaphore, #tpu.memory_space<semaphore_mem>>) src(%dma_wait3A_105 : memref<80x128xf32, #tpu.memory_space<vmem>>) dst(%dma_wait3A_115 : memref<80x128xf32, #tpu.memory_space<vmem_shared>>)
      tpu.yield
    }) : () -> ()
    %run_scoped3A_73 = arith.constant 1 : i32
    %run_scoped3A_74 = arith.constant 1 : i32
    %run_scoped3A_75 = arith.constant 0 : i32
    "tpu.region"() ({
      %run_scoped3A_89 = tpu.sem_alloc : memref<!tpu.dma_semaphore, #tpu.memory_space<semaphore_mem>>
      %dma_start3A = arith.constant 0 : i32
      %dma_start3A_90 = arith.constant 0 : i32
      %dma_start3A_91 = tpu.memref_slice %arg10[%run_scoped3A_73, %dma_start3A, %dma_start3A_90] : memref<2x80x128xf32, #tpu.memory_space<vmem>> -> memref<1x80x128xf32, #tpu.memory_space<vmem>>
      %dma_start3A_92 = tpu.memref_squeeze %dma_start3A_91 : memref<1x80x128xf32, #tpu.memory_space<vmem>> -> memref<80x128xf32, #tpu.memory_space<vmem>>
      %dma_start3A_93 = arith.constant 0 : i32
      %dma_start3A_94 = tpu.memref_slice %arg11[%run_scoped3A_75, %dma_start3A_93] : memref<1x80xi32, #tpu.memory_space<vmem>> -> memref<1x80xi32, #tpu.memory_space<vmem>>
      %dma_start3A_95 = tpu.memref_squeeze %dma_start3A_94 : memref<1x80xi32, #tpu.memory_space<vmem>> -> memref<80xi32, #tpu.memory_space<vmem>>
      %dma_start3A_96 = arith.constant 0 : i32
      %dma_start3A_97 = arith.constant 0 : i32
      %dma_start3A_98 = tpu.memref_slice %arg12[%run_scoped3A_74, %dma_start3A_96, %dma_start3A_97] : memref<2x80x128xf32, #tpu.memory_space<vmem_shared>> -> memref<1x80x128xf32, #tpu.memory_space<vmem_shared>>
      %dma_start3A_99 = tpu.memref_squeeze %dma_start3A_98 : memref<1x80x128xf32, #tpu.memory_space<vmem_shared>> -> memref<80x128xf32, #tpu.memory_space<vmem_shared>>
      %dma_start3A_100 = arith.constant 0 : i32
      %dma_start3A_101 = arith.constant 0 : i32
      %dma_start3A_102 = tpu.memref_slice %dma_start3A_99[%dma_start3A_100, %dma_start3A_101] : memref<80x128xf32, #tpu.memory_space<vmem_shared>> -> memref<80x128xf32, #tpu.memory_space<vmem_shared>>
      tpu.enqueue_indirect_dma source(%dma_start3A_92 : memref<80x128xf32, #tpu.memory_space<vmem>>) target(%dma_start3A_102 : memref<80x128xf32, #tpu.memory_space<vmem_shared>>) offsets(%dma_start3A_95 : memref<80xi32, #tpu.memory_space<vmem>>) semaphore(%run_scoped3A_89 : memref<!tpu.dma_semaphore, #tpu.memory_space<semaphore_mem>>) {add = true}
      %dma_wait3A = arith.constant 0 : i32
      %dma_wait3A_103 = arith.constant 0 : i32
      %dma_wait3A_104 = tpu.memref_slice %arg10[%run_scoped3A_73, %dma_wait3A, %dma_wait3A_103] : memref<2x80x128xf32, #tpu.memory_space<vmem>> -> memref<1x80x128xf32, #tpu.memory_space<vmem>>
      %dma_wait3A_105 = tpu.memref_squeeze %dma_wait3A_104 : memref<1x80x128xf32, #tpu.memory_space<vmem>> -> memref<80x128xf32, #tpu.memory_space<vmem>>
      %dma_wait3A_106 = arith.constant 0 : i32
      %dma_wait3A_107 = tpu.memref_slice %arg11[%run_scoped3A_75, %dma_wait3A_106] : memref<1x80xi32, #tpu.memory_space<vmem>> -> memref<1x80xi32, #tpu.memory_space<vmem>>
      %dma_wait3A_108 = tpu.memref_squeeze %dma_wait3A_107 : memref<1x80xi32, #tpu.memory_space<vmem>> -> memref<80xi32, #tpu.memory_space<vmem>>
      %dma_wait3A_109 = arith.constant 0 : i32
      %dma_wait3A_110 = arith.constant 0 : i32
      %dma_wait3A_111 = tpu.memref_slice %arg12[%run_scoped3A_74, %dma_wait3A_109, %dma_wait3A_110] : memref<2x80x128xf32, #tpu.memory_space<vmem_shared>> -> memref<1x80x128xf32, #tpu.memory_space<vmem_shared>>
      %dma_wait3A_112 = tpu.memref_squeeze %dma_wait3A_111 : memref<1x80x128xf32, #tpu.memory_space<vmem_shared>> -> memref<80x128xf32, #tpu.memory_space<vmem_shared>>
      %dma_wait3A_113 = arith.constant 0 : i32
      %dma_wait3A_114 = arith.constant 0 : i32
      %dma_wait3A_115 = tpu.memref_slice %dma_wait3A_112[%dma_wait3A_113, %dma_wait3A_114] : memref<80x128xf32, #tpu.memory_space<vmem_shared>> -> memref<80x128xf32, #tpu.memory_space<vmem_shared>>
      tpu.wait_indirect_dma semaphore(%run_scoped3A_89 : memref<!tpu.dma_semaphore, #tpu.memory_space<semaphore_mem>>) src(%dma_wait3A_105 : memref<80x128xf32, #tpu.memory_space<vmem>>) dst(%dma_wait3A_115 : memref<80x128xf32, #tpu.memory_space<vmem_shared>>)
      tpu.yield
    }) : () -> ()
    %barrier3A_76 = arith.constant 0 : index
    tpu.barrier barrier_id(%barrier3A_76)
    %mul3A_77 = arith.constant 5 : i32
    %mul3A_78 = arith.muli %arg1, %mul3A_77 : i32
    %mul3A_79 = arith.constant 5 : i32
    %mul3A_80 = arith.muli %arg1, %mul3A_79 : i32
    %run_scoped3A_81 = arith.constant 0 : i32
    %run_scoped3A_82 = arith.constant 0 : i32
    "tpu.region"() ({
      %run_scoped3A_89 = tpu.sem_alloc : memref<!tpu.dma_semaphore, #tpu.memory_space<semaphore_mem>>
      %dma_start3A = arith.constant 0 : i32
      %dma_start3A_90 = tpu.memref_slice %arg6[%arg0, %run_scoped3A_82, %mul3A_80, %dma_start3A] : memref<2x2x80x128xf32, #tpu.memory_space<hbm>> -> memref<1x1x5x128xf32, #tpu.memory_space<hbm>>
      %dma_start3A_91 = tpu.memref_squeeze %dma_start3A_90 : memref<1x1x5x128xf32, #tpu.memory_space<hbm>> -> memref<5x128xf32, #tpu.memory_space<hbm>>
      %dma_start3A_92 = arith.constant 0 : i32
      %dma_start3A_93 = tpu.memref_slice %arg12[%run_scoped3A_81, %mul3A_78, %dma_start3A_92] : memref<2x80x128xf32, #tpu.memory_space<vmem_shared>> -> memref<1x5x128xf32, #tpu.memory_space<vmem_shared>>
      %dma_start3A_94 = tpu.memref_squeeze %dma_start3A_93 : memref<1x5x128xf32, #tpu.memory_space<vmem_shared>> -> memref<5x128xf32, #tpu.memory_space<vmem_shared>>
      tpu.enqueue_dma source(%dma_start3A_94 : memref<5x128xf32, #tpu.memory_space<vmem_shared>>) target(%dma_start3A_91 : memref<5x128xf32, #tpu.memory_space<hbm>>) target_semaphore(%run_scoped3A_89 : memref<!tpu.dma_semaphore, #tpu.memory_space<semaphore_mem>>)
      %dma_wait3A = arith.constant 0 : i32
      %dma_wait3A_95 = tpu.memref_slice %arg6[%arg0, %run_scoped3A_82, %mul3A_80, %dma_wait3A] : memref<2x2x80x128xf32, #tpu.memory_space<hbm>> -> memref<1x1x5x128xf32, #tpu.memory_space<hbm>>
      %dma_wait3A_96 = tpu.memref_squeeze %dma_wait3A_95 : memref<1x1x5x128xf32, #tpu.memory_space<hbm>> -> memref<5x128xf32, #tpu.memory_space<hbm>>
      %dma_wait3A_97 = arith.constant 0 : i32
      %dma_wait3A_98 = tpu.memref_slice %arg12[%run_scoped3A_81, %mul3A_78, %dma_wait3A_97] : memref<2x80x128xf32, #tpu.memory_space<vmem_shared>> -> memref<1x5x128xf32, #tpu.memory_space<vmem_shared>>
      %dma_wait3A_99 = tpu.memref_squeeze %dma_wait3A_98 : memref<1x5x128xf32, #tpu.memory_space<vmem_shared>> -> memref<5x128xf32, #tpu.memory_space<vmem_shared>>
      tpu.wait_dma2 semaphore(%run_scoped3A_89 : memref<!tpu.dma_semaphore, #tpu.memory_space<semaphore_mem>>) src(%dma_wait3A_99 : memref<5x128xf32, #tpu.memory_space<vmem_shared>>) dst(%dma_wait3A_96 : memref<5x128xf32, #tpu.memory_space<hbm>>)
      tpu.yield
    }) : () -> ()
    %mul3A_83 = arith.constant 5 : i32
    %mul3A_84 = arith.muli %arg1, %mul3A_83 : i32
    %mul3A_85 = arith.constant 5 : i32
    %mul3A_86 = arith.muli %arg1, %mul3A_85 : i32
    %run_scoped3A_87 = arith.constant 1 : i32
    %run_scoped3A_88 = arith.constant 1 : i32
    "tpu.region"() ({
      %run_scoped3A_89 = tpu.sem_alloc : memref<!tpu.dma_semaphore, #tpu.memory_space<semaphore_mem>>
      %dma_start3A = arith.constant 0 : i32
      %dma_start3A_90 = tpu.memref_slice %arg6[%arg0, %run_scoped3A_88, %mul3A_86, %dma_start3A] : memref<2x2x80x128xf32, #tpu.memory_space<hbm>> -> memref<1x1x5x128xf32, #tpu.memory_space<hbm>>
      %dma_start3A_91 = tpu.memref_squeeze %dma_start3A_90 : memref<1x1x5x128xf32, #tpu.memory_space<hbm>> -> memref<5x128xf32, #tpu.memory_space<hbm>>
      %dma_start3A_92 = arith.constant 0 : i32
      %dma_start3A_93 = tpu.memref_slice %arg12[%run_scoped3A_87, %mul3A_84, %dma_start3A_92] : memref<2x80x128xf32, #tpu.memory_space<vmem_shared>> -> memref<1x5x128xf32, #tpu.memory_space<vmem_shared>>
      %dma_start3A_94 = tpu.memref_squeeze %dma_start3A_93 : memref<1x5x128xf32, #tpu.memory_space<vmem_shared>> -> memref<5x128xf32, #tpu.memory_space<vmem_shared>>
      tpu.enqueue_dma source(%dma_start3A_94 : memref<5x128xf32, #tpu.memory_space<vmem_shared>>) target(%dma_start3A_91 : memref<5x128xf32, #tpu.memory_space<hbm>>) target_semaphore(%run_scoped3A_89 : memref<!tpu.dma_semaphore, #tpu.memory_space<semaphore_mem>>)
      %dma_wait3A = arith.constant 0 : i32
      %dma_wait3A_95 = tpu.memref_slice %arg6[%arg0, %run_scoped3A_88, %mul3A_86, %dma_wait3A] : memref<2x2x80x128xf32, #tpu.memory_space<hbm>> -> memref<1x1x5x128xf32, #tpu.memory_space<hbm>>
      %dma_wait3A_96 = tpu.memref_squeeze %dma_wait3A_95 : memref<1x1x5x128xf32, #tpu.memory_space<hbm>> -> memref<5x128xf32, #tpu.memory_space<hbm>>
      %dma_wait3A_97 = arith.constant 0 : i32
      %dma_wait3A_98 = tpu.memref_slice %arg12[%run_scoped3A_87, %mul3A_84, %dma_wait3A_97] : memref<2x80x128xf32, #tpu.memory_space<vmem_shared>> -> memref<1x5x128xf32, #tpu.memory_space<vmem_shared>>
      %dma_wait3A_99 = tpu.memref_squeeze %dma_wait3A_98 : memref<1x5x128xf32, #tpu.memory_space<vmem_shared>> -> memref<5x128xf32, #tpu.memory_space<vmem_shared>>
      tpu.wait_dma2 semaphore(%run_scoped3A_89 : memref<!tpu.dma_semaphore, #tpu.memory_space<semaphore_mem>>) src(%dma_wait3A_99 : memref<5x128xf32, #tpu.memory_space<vmem_shared>>) dst(%dma_wait3A_96 : memref<5x128xf32, #tpu.memory_space<hbm>>)
      tpu.yield
    }) : () -> ()
    return
  }
}

module attributes {stable_mosaic.version = 14 : i64} {
  func.func @_front_body(%arg0: i32, %arg1: memref<2000x128xf32, #tpu.memory_space<vmem>>, %arg2: memref<1x128xf32, #tpu.memory_space<vmem>>, %arg3: memref<1x128xf32, #tpu.memory_space<vmem>>, %arg4: memref<128x4xf32, #tpu.memory_space<vmem>>, %arg5: memref<128x128xf32, #tpu.memory_space<vmem>>, %arg6: memref<2000x4xf32, #tpu.memory_space<vmem>>, %arg7: memref<2000x128xf32, #tpu.memory_space<vmem>>) attributes {dimension_semantics = [#tpu.dimension_semantics<arbitrary>], iteration_bounds = array<i64: 5>, scalar_prefetch = 0 : i64, scratch_operands = 0 : i64, tpu.core_type = #tpu.core_type<tc>, window_params = [{transform_indices = @transform_0, window_bounds = array<i64: 2000, 128>}, {pipeline_mode = #tpu.pipeline_mode<synchronous>, transform_indices = @transform_1, window_bounds = array<i64: 1, 128>}, {pipeline_mode = #tpu.pipeline_mode<synchronous>, transform_indices = @transform_2, window_bounds = array<i64: 1, 128>}, {pipeline_mode = #tpu.pipeline_mode<synchronous>, transform_indices = @transform_3, window_bounds = array<i64: 128, 4>}, {pipeline_mode = #tpu.pipeline_mode<synchronous>, transform_indices = @transform_4, window_bounds = array<i64: 128, 128>}, {transform_indices = @transform_5, window_bounds = array<i64: 2000, 4>}, {transform_indices = @transform_6, window_bounds = array<i64: 2000, 128>}]} {
    %get3A = arith.constant 0 : index
    %get3A_0 = arith.constant 0 : index
    %get3A_1 = vector.load %arg1[%get3A, %get3A_0] : memref<2000x128xf32, #tpu.memory_space<vmem>>, vector<2000x128xf32>
    %reduce_sum3A = arith.constant dense<0.000000e+00> : vector<2000xf32>
    %reduce_sum3A_2 = vector.multi_reduction <add>, %get3A_1, %reduce_sum3A [1] : vector<2000x128xf32> to vector<2000xf32>
    %broadcast_in_dim3A = vector.shape_cast %reduce_sum3A_2 : vector<2000xf32> to vector<2000x1xf32>
    %div3A = arith.constant 1.280000e+02 : f32
    %div3A_3 = vector.broadcast %div3A : f32 to vector<2000x1xf32>
    %div3A_4 = arith.divf %broadcast_in_dim3A, %div3A_3 : vector<2000x1xf32>
    %sub3A = vector.broadcast %div3A_4 : vector<2000x1xf32> to vector<2000x128xf32>
    %sub3A_5 = arith.subf %get3A_1, %sub3A : vector<2000x128xf32>
    %integer_pow3A = arith.mulf %sub3A_5, %sub3A_5 : vector<2000x128xf32>
    %reduce_sum3A_6 = arith.constant dense<0.000000e+00> : vector<2000xf32>
    %reduce_sum3A_7 = vector.multi_reduction <add>, %integer_pow3A, %reduce_sum3A_6 [1] : vector<2000x128xf32> to vector<2000xf32>
    %broadcast_in_dim3A_8 = vector.shape_cast %reduce_sum3A_7 : vector<2000xf32> to vector<2000x1xf32>
    %div3A_9 = arith.constant 1.280000e+02 : f32
    %div3A_10 = vector.broadcast %div3A_9 : f32 to vector<2000x1xf32>
    %div3A_11 = arith.divf %broadcast_in_dim3A_8, %div3A_10 : vector<2000x1xf32>
    %sub3A_12 = vector.broadcast %div3A_4 : vector<2000x1xf32> to vector<2000x128xf32>
    %sub3A_13 = arith.subf %get3A_1, %sub3A_12 : vector<2000x128xf32>
    %add3A = arith.constant 9.99999974E-6 : f32
    %add3A_14 = vector.broadcast %add3A : f32 to vector<2000x1xf32>
    %add3A_15 = arith.addf %div3A_11, %add3A_14 : vector<2000x1xf32>
    %sqrt3A = math.sqrt %add3A_15 : vector<2000x1xf32>
    %div3A_16 = vector.broadcast %sqrt3A : vector<2000x1xf32> to vector<2000x128xf32>
    %div3A_17 = arith.divf %sub3A_13, %div3A_16 : vector<2000x128xf32>
    %get3A_18 = arith.constant 0 : index
    %get3A_19 = arith.constant 0 : index
    %get3A_20 = vector.load %arg2[%get3A_18, %get3A_19] : memref<1x128xf32, #tpu.memory_space<vmem>>, vector<1x128xf32>
    %mul3A = vector.broadcast %get3A_20 : vector<1x128xf32> to vector<2000x128xf32>
    %mul3A_21 = arith.mulf %div3A_17, %mul3A : vector<2000x128xf32>
    %get3A_22 = arith.constant 0 : index
    %get3A_23 = arith.constant 0 : index
    %get3A_24 = vector.load %arg3[%get3A_22, %get3A_23] : memref<1x128xf32, #tpu.memory_space<vmem>>, vector<1x128xf32>
    %add3A_25 = vector.broadcast %get3A_24 : vector<1x128xf32> to vector<2000x128xf32>
    %add3A_26 = arith.addf %mul3A_21, %add3A_25 : vector<2000x128xf32>
    %get3A_27 = arith.constant 0 : index
    %get3A_28 = arith.constant 0 : index
    %get3A_29 = vector.load %arg4[%get3A_27, %get3A_28] : memref<128x4xf32, #tpu.memory_space<vmem>>, vector<128x4xf32>
    %dot_general3A = arith.constant dense<0.000000e+00> : vector<2000x4xf32>
    %dot_general3A_30 = tpu.matmul %add3A_26, %get3A_29, %dot_general3A {dimension_numbers = #tpu.dot_dimension_numbers<[1], [0], [0], [1], [0, 0, 1, 1], [], []>, transpose_lhs_hint = false} : vector<2000x128xf32>, vector<128x4xf32>, vector<2000x4xf32> -> vector<2000x4xf32>
    %swap3A = arith.constant 0 : index
    %swap3A_31 = arith.constant 0 : index
    %swap3A_32 = vector.load %arg6[%swap3A, %swap3A_31] : memref<2000x4xf32, #tpu.memory_space<vmem>>, vector<2000x4xf32>
    tpu.vector_store %arg6[%swap3A, %swap3A_31], %dot_general3A_30 {strides = array<i32>} : memref<2000x4xf32, #tpu.memory_space<vmem>>, vector<2000x4xf32>,
    %get3A_33 = arith.constant 0 : index
    %get3A_34 = arith.constant 0 : index
    %get3A_35 = vector.load %arg5[%get3A_33, %get3A_34] : memref<128x128xf32, #tpu.memory_space<vmem>>, vector<128x128xf32>
    %dot_general3A_36 = arith.constant dense<0.000000e+00> : vector<2000x128xf32>
    %dot_general3A_37 = tpu.matmul %add3A_26, %get3A_35, %dot_general3A_36 {dimension_numbers = #tpu.dot_dimension_numbers<[1], [0], [0], [1], [0, 0, 1, 1], [], []>, transpose_lhs_hint = false} : vector<2000x128xf32>, vector<128x128xf32>, vector<2000x128xf32> -> vector<2000x128xf32>
    %swap3A_38 = arith.constant 0 : index
    %swap3A_39 = arith.constant 0 : index
    %swap3A_40 = vector.load %arg7[%swap3A_38, %swap3A_39] : memref<2000x128xf32, #tpu.memory_space<vmem>>, vector<2000x128xf32>
    tpu.vector_store %arg7[%swap3A_38, %swap3A_39], %dot_general3A_37 {strides = array<i32>} : memref<2000x128xf32, #tpu.memory_space<vmem>>, vector<2000x128xf32>,
    return
  }
  func.func @transform_0(%arg0: i32) -> (i32, i32) {
    %c0_i32 = arith.constant 0 : i32
    %c0_i32_0 = arith.constant 0 : i32
    return %arg0, %c0_i32 : i32, i32
  }
  func.func @transform_1(%arg0: i32) -> (i32, i32) {
    %c0_i32 = arith.constant 0 : i32
    %c0_i32_0 = arith.constant 0 : i32
    %c0_i32_1 = arith.constant 0 : i32
    return %c0_i32, %c0_i32_0 : i32, i32
  }
  func.func @transform_2(%arg0: i32) -> (i32, i32) {
    %c0_i32 = arith.constant 0 : i32
    %c0_i32_0 = arith.constant 0 : i32
    %c0_i32_1 = arith.constant 0 : i32
    return %c0_i32, %c0_i32_0 : i32, i32
  }
  func.func @transform_3(%arg0: i32) -> (i32, i32) {
    %c0_i32 = arith.constant 0 : i32
    %c0_i32_0 = arith.constant 0 : i32
    %c0_i32_1 = arith.constant 0 : i32
    return %c0_i32, %c0_i32_0 : i32, i32
  }
  func.func @transform_4(%arg0: i32) -> (i32, i32) {
    %c0_i32 = arith.constant 0 : i32
    %c0_i32_0 = arith.constant 0 : i32
    %c0_i32_1 = arith.constant 0 : i32
    return %c0_i32, %c0_i32_0 : i32, i32
  }
  func.func @transform_5(%arg0: i32) -> (i32, i32) {
    %c0_i32 = arith.constant 0 : i32
    %c0_i32_0 = arith.constant 0 : i32
    return %arg0, %c0_i32 : i32, i32
  }
  func.func @transform_6(%arg0: i32) -> (i32, i32) {
    %c0_i32 = arith.constant 0 : i32
    %c0_i32_0 = arith.constant 0 : i32
    return %arg0, %c0_i32 : i32, i32
  }
}

module attributes {stable_mosaic.version = 14 : i64} {
  func.func @_scale_body(%arg0: i32, %arg1: memref<2000x1xf32, #tpu.memory_space<vmem>>, %arg2: memref<2000x128xf32, #tpu.memory_space<vmem>>, %arg3: memref<2x2000x64xf32, #tpu.memory_space<vmem>>) attributes {dimension_semantics = [#tpu.dimension_semantics<arbitrary>], iteration_bounds = array<i64: 5>, scalar_prefetch = 0 : i64, scratch_operands = 0 : i64, tpu.core_type = #tpu.core_type<tc>, window_params = [{transform_indices = @transform_0, window_bounds = array<i64: 2000, 1>}, {transform_indices = @transform_1, window_bounds = array<i64: 2000, 128>}, {transform_indices = @transform_2, window_bounds = array<i64: 2, 2000, 64>}]} {
    %get3A = arith.constant 0 : index
    %get3A_0 = arith.constant 0 : index
    %get3A_1 = vector.load %arg1[%get3A, %get3A_0] : memref<2000x1xf32, #tpu.memory_space<vmem>>, vector<2000x1xf32>
    %get3A_2 = arith.constant 0 : index
    %get3A_3 = arith.constant 0 : index
    %get3A_4 = vector.load %arg2[%get3A_2, %get3A_3] : memref<2000x128xf32, #tpu.memory_space<vmem>>, vector<2000x128xf32>
    %mul3A = vector.broadcast %get3A_1 : vector<2000x1xf32> to vector<2000x128xf32>
    %mul3A_5 = arith.mulf %mul3A, %get3A_4 : vector<2000x128xf32>
    %slice3A = vector.extract_strided_slice %mul3A_5 {offsets = [0, 0], sizes = [2000, 64], strides = [1, 1]} : vector<2000x128xf32> to vector<2000x64xf32>
    %swap3A = arith.constant 0 : index
    %swap3A_6 = arith.constant 0 : index
    %swap3A_7 = arith.constant 0 : index
    %swap3A_8 = vector.load %arg3[%swap3A, %swap3A_6, %swap3A_7] : memref<2x2000x64xf32, #tpu.memory_space<vmem>>, vector<1x2000x64xf32>
    %swap3A_9 = vector.shape_cast %swap3A_8 : vector<1x2000x64xf32> to vector<2000x64xf32>
    %swap3A_10 = vector.shape_cast %slice3A : vector<2000x64xf32> to vector<1x2000x64xf32>
    tpu.vector_store %arg3[%swap3A, %swap3A_6, %swap3A_7], %swap3A_10 {strides = array<i32>} : memref<2x2000x64xf32, #tpu.memory_space<vmem>>, vector<1x2000x64xf32>,
    %slice3A_11 = vector.extract_strided_slice %mul3A_5 {offsets = [0, 64], sizes = [2000, 64], strides = [1, 1]} : vector<2000x128xf32> to vector<2000x64xf32>
    %swap3A_12 = arith.constant 1 : index
    %swap3A_13 = arith.constant 0 : index
    %swap3A_14 = arith.constant 0 : index
    %swap3A_15 = vector.load %arg3[%swap3A_12, %swap3A_13, %swap3A_14] : memref<2x2000x64xf32, #tpu.memory_space<vmem>>, vector<1x2000x64xf32>
    %swap3A_16 = vector.shape_cast %swap3A_15 : vector<1x2000x64xf32> to vector<2000x64xf32>
    %swap3A_17 = vector.shape_cast %slice3A_11 : vector<2000x64xf32> to vector<1x2000x64xf32>
    tpu.vector_store %arg3[%swap3A_12, %swap3A_13, %swap3A_14], %swap3A_17 {strides = array<i32>} : memref<2x2000x64xf32, #tpu.memory_space<vmem>>, vector<1x2000x64xf32>,
    return
  }
  func.func @transform_0(%arg0: i32) -> (i32, i32) {
    %c0_i32 = arith.constant 0 : i32
    %c0_i32_0 = arith.constant 0 : i32
    return %arg0, %c0_i32 : i32, i32
  }
  func.func @transform_1(%arg0: i32) -> (i32, i32) {
    %c0_i32 = arith.constant 0 : i32
    %c0_i32_0 = arith.constant 0 : i32
    return %arg0, %c0_i32 : i32, i32
  }
  func.func @transform_2(%arg0: i32) -> (i32, i32, i32) {
    %c0_i32 = arith.constant 0 : i32
    %c0_i32_0 = arith.constant 0 : i32
    %c0_i32_1 = arith.constant 0 : i32
    return %c0_i32, %arg0, %c0_i32_0 : i32, i32, i32
  }
}

module attributes {stable_mosaic.version = 14 : i64} {
  func.func @_final_body(%arg0: i32, %arg1: memref<2000x64xf32, #tpu.memory_space<vmem>>, %arg2: memref<2000x64xf32, #tpu.memory_space<vmem>>, %arg3: memref<2000x128xf32, #tpu.memory_space<vmem>>, %arg4: memref<2000x1xf32, #tpu.memory_space<vmem>>, %arg5: memref<2000x1xf32, #tpu.memory_space<vmem>>, %arg6: memref<1x128xf32, #tpu.memory_space<vmem>>, %arg7: memref<1x128xf32, #tpu.memory_space<vmem>>, %arg8: memref<1x128xf32, #tpu.memory_space<vmem>>, %arg9: memref<2000x128xf32, #tpu.memory_space<vmem>>) attributes {dimension_semantics = [#tpu.dimension_semantics<arbitrary>], iteration_bounds = array<i64: 5>, scalar_prefetch = 0 : i64, scratch_operands = 0 : i64, tpu.core_type = #tpu.core_type<tc>, window_params = [{transform_indices = @transform_0, window_bounds = array<i64: 2000, 64>}, {transform_indices = @transform_1, window_bounds = array<i64: 2000, 64>}, {transform_indices = @transform_2, window_bounds = array<i64: 2000, 128>}, {transform_indices = @transform_3, window_bounds = array<i64: 2000, 1>}, {transform_indices = @transform_4, window_bounds = array<i64: 2000, 1>}, {pipeline_mode = #tpu.pipeline_mode<synchronous>, transform_indices = @transform_5, window_bounds = array<i64: 1, 128>}, {pipeline_mode = #tpu.pipeline_mode<synchronous>, transform_indices = @transform_6, window_bounds = array<i64: 1, 128>}, {pipeline_mode = #tpu.pipeline_mode<synchronous>, transform_indices = @transform_7, window_bounds = array<i64: 1, 128>}, {transform_indices = @transform_8, window_bounds = array<i64: 2000, 128>}]} {
    %get3A = arith.constant 0 : index
    %get3A_0 = arith.constant 0 : index
    %get3A_1 = vector.load %arg1[%get3A, %get3A_0] : memref<2000x64xf32, #tpu.memory_space<vmem>>, vector<2000x64xf32>
    %get3A_2 = arith.constant 0 : index
    %get3A_3 = arith.constant 0 : index
    %get3A_4 = vector.load %arg2[%get3A_2, %get3A_3] : memref<2000x64xf32, #tpu.memory_space<vmem>>, vector<2000x64xf32>
    %concatenate3A = tpu.concatenate %get3A_1, %get3A_4 in 1 : vector<2000x64xf32>, vector<2000x64xf32> -> vector<2000x128xf32>
    %get3A_5 = arith.constant 0 : index
    %get3A_6 = arith.constant 0 : index
    %get3A_7 = vector.load %arg4[%get3A_5, %get3A_6] : memref<2000x1xf32, #tpu.memory_space<vmem>>, vector<2000x1xf32>
    %mul3A = vector.broadcast %get3A_7 : vector<2000x1xf32> to vector<2000x128xf32>
    %mul3A_8 = arith.mulf %mul3A, %concatenate3A : vector<2000x128xf32>
    %get3A_9 = arith.constant 0 : index
    %get3A_10 = arith.constant 0 : index
    %get3A_11 = vector.load %arg5[%get3A_9, %get3A_10] : memref<2000x1xf32, #tpu.memory_space<vmem>>, vector<2000x1xf32>
    %get3A_12 = arith.constant 0 : index
    %get3A_13 = arith.constant 0 : index
    %get3A_14 = vector.load %arg3[%get3A_12, %get3A_13] : memref<2000x128xf32, #tpu.memory_space<vmem>>, vector<2000x128xf32>
    %mul3A_15 = vector.broadcast %get3A_11 : vector<2000x1xf32> to vector<2000x128xf32>
    %mul3A_16 = arith.mulf %mul3A_15, %get3A_14 : vector<2000x128xf32>
    %add3A = arith.addf %mul3A_8, %mul3A_16 : vector<2000x128xf32>
    %get3A_17 = arith.constant 0 : index
    %get3A_18 = arith.constant 0 : index
    %get3A_19 = vector.load %arg6[%get3A_17, %get3A_18] : memref<1x128xf32, #tpu.memory_space<vmem>>, vector<1x128xf32>
    %add3A_20 = vector.broadcast %get3A_19 : vector<1x128xf32> to vector<2000x128xf32>
    %add3A_21 = arith.addf %add3A, %add3A_20 : vector<2000x128xf32>
    %reduce_sum3A = arith.constant dense<0.000000e+00> : vector<2000xf32>
    %reduce_sum3A_22 = vector.multi_reduction <add>, %add3A_21, %reduce_sum3A [1] : vector<2000x128xf32> to vector<2000xf32>
    %broadcast_in_dim3A = vector.shape_cast %reduce_sum3A_22 : vector<2000xf32> to vector<2000x1xf32>
    %div3A = arith.constant 1.280000e+02 : f32
    %div3A_23 = vector.broadcast %div3A : f32 to vector<2000x1xf32>
    %div3A_24 = arith.divf %broadcast_in_dim3A, %div3A_23 : vector<2000x1xf32>
    %sub3A = vector.broadcast %div3A_24 : vector<2000x1xf32> to vector<2000x128xf32>
    %sub3A_25 = arith.subf %add3A_21, %sub3A : vector<2000x128xf32>
    %integer_pow3A = arith.mulf %sub3A_25, %sub3A_25 : vector<2000x128xf32>
    %reduce_sum3A_26 = arith.constant dense<0.000000e+00> : vector<2000xf32>
    %reduce_sum3A_27 = vector.multi_reduction <add>, %integer_pow3A, %reduce_sum3A_26 [1] : vector<2000x128xf32> to vector<2000xf32>
    %broadcast_in_dim3A_28 = vector.shape_cast %reduce_sum3A_27 : vector<2000xf32> to vector<2000x1xf32>
    %div3A_29 = arith.constant 1.280000e+02 : f32
    %div3A_30 = vector.broadcast %div3A_29 : f32 to vector<2000x1xf32>
    %div3A_31 = arith.divf %broadcast_in_dim3A_28, %div3A_30 : vector<2000x1xf32>
    %sub3A_32 = vector.broadcast %div3A_24 : vector<2000x1xf32> to vector<2000x128xf32>
    %sub3A_33 = arith.subf %add3A_21, %sub3A_32 : vector<2000x128xf32>
    %add3A_34 = arith.constant 9.99999974E-6 : f32
    %add3A_35 = vector.broadcast %add3A_34 : f32 to vector<2000x1xf32>
    %add3A_36 = arith.addf %div3A_31, %add3A_35 : vector<2000x1xf32>
    %sqrt3A = math.sqrt %add3A_36 : vector<2000x1xf32>
    %div3A_37 = vector.broadcast %sqrt3A : vector<2000x1xf32> to vector<2000x128xf32>
    %div3A_38 = arith.divf %sub3A_33, %div3A_37 : vector<2000x128xf32>
    %get3A_39 = arith.constant 0 : index
    %get3A_40 = arith.constant 0 : index
    %get3A_41 = vector.load %arg7[%get3A_39, %get3A_40] : memref<1x128xf32, #tpu.memory_space<vmem>>, vector<1x128xf32>
    %mul3A_42 = vector.broadcast %get3A_41 : vector<1x128xf32> to vector<2000x128xf32>
    %mul3A_43 = arith.mulf %div3A_38, %mul3A_42 : vector<2000x128xf32>
    %get3A_44 = arith.constant 0 : index
    %get3A_45 = arith.constant 0 : index
    %get3A_46 = vector.load %arg8[%get3A_44, %get3A_45] : memref<1x128xf32, #tpu.memory_space<vmem>>, vector<1x128xf32>
    %add3A_47 = vector.broadcast %get3A_46 : vector<1x128xf32> to vector<2000x128xf32>
    %add3A_48 = arith.addf %mul3A_43, %add3A_47 : vector<2000x128xf32>
    %swap3A = arith.constant 0 : index
    %swap3A_49 = arith.constant 0 : index
    %swap3A_50 = vector.load %arg9[%swap3A, %swap3A_49] : memref<2000x128xf32, #tpu.memory_space<vmem>>, vector<2000x128xf32>
    tpu.vector_store %arg9[%swap3A, %swap3A_49], %add3A_48 {strides = array<i32>} : memref<2000x128xf32, #tpu.memory_space<vmem>>, vector<2000x128xf32>,
    return
  }
  func.func @transform_0(%arg0: i32) -> (i32, i32) {
    %c0_i32 = arith.constant 0 : i32
    %c0_i32_0 = arith.constant 0 : i32
    return %arg0, %c0_i32 : i32, i32
  }
  func.func @transform_1(%arg0: i32) -> (i32, i32) {
    %c0_i32 = arith.constant 0 : i32
    %c0_i32_0 = arith.constant 0 : i32
    return %arg0, %c0_i32 : i32, i32
  }
  func.func @transform_2(%arg0: i32) -> (i32, i32) {
    %c0_i32 = arith.constant 0 : i32
    %c0_i32_0 = arith.constant 0 : i32
    return %arg0, %c0_i32 : i32, i32
  }
  func.func @transform_3(%arg0: i32) -> (i32, i32) {
    %c0_i32 = arith.constant 0 : i32
    %c0_i32_0 = arith.constant 0 : i32
    return %arg0, %c0_i32 : i32, i32
  }
  func.func @transform_4(%arg0: i32) -> (i32, i32) {
    %c0_i32 = arith.constant 0 : i32
    %c0_i32_0 = arith.constant 0 : i32
    return %arg0, %c0_i32 : i32, i32
  }
  func.func @transform_5(%arg0: i32) -> (i32, i32) {
    %c0_i32 = arith.constant 0 : i32
    %c0_i32_0 = arith.constant 0 : i32
    %c0_i32_1 = arith.constant 0 : i32
    return %c0_i32, %c0_i32_0 : i32, i32
  }
  func.func @transform_6(%arg0: i32) -> (i32, i32) {
    %c0_i32 = arith.constant 0 : i32
    %c0_i32_0 = arith.constant 0 : i32
    %c0_i32_1 = arith.constant 0 : i32
    return %c0_i32, %c0_i32_0 : i32, i32
  }
  func.func @transform_7(%arg0: i32) -> (i32, i32) {
    %c0_i32 = arith.constant 0 : i32
    %c0_i32_0 = arith.constant 0 : i32
    %c0_i32_1 = arith.constant 0 : i32
    return %c0_i32, %c0_i32_0 : i32, i32
  }
  func.func @transform_8(%arg0: i32) -> (i32, i32) {
    %c0_i32 = arith.constant 0 : i32
    %c0_i32_0 = arith.constant 0 : i32
    return %arg0, %c0_i32 : i32, i32
  }
}

</mosaic_0001>

<sc_bundles>
// kernel: kernel.14.cloned.1.call-start
scs
__scs_entry_jumppad:
0x0: {  	(pc) =	sbr.rel $0x88, $3  }
0x1: {  	(tag) =	ssettag $0x0;
	lr =	simm.s32 $0x1  }
0x2: {  	[smem:$0x3F95] =	sst lr;
	_ =	strace $0xD0000000  }
0x3: {  	_ = 	snop  }
0x4: {  	_ = 	snop  }
0x5: {  	_ = 	snop  }
0x6: {  	_ = 	snop  }
0x7: {  	_ = 	snop  }
__scs_overlays_trampoline_lowered:
0x8: {  	[smem:$0x3FA4] =	sst s0  }
0x9: {  	[smem:$0x3FA5] =	sst s1  }
0xa: {  	[smem:$0x3FA6] =	sst s2  }
0xb: {  	[smem:$0x3FA7] =	sst s3  }
0xc: {  	[smem:$0x3FA8] =	sst s4  }
0xd: {  	[smem:$0x3FA9] =	sst s5  }
0xe: {  	[smem:$0x3FAA] =	sst s6  }
0xf: {  	[smem:$0x3FAB] =	sst s7  }
0x10: {  	[smem:$0x3FAC] =	sst s8  }
0x11: {  	[smem:$0x3FAD] =	sst s9;
	s0 =	simm.s32 @!p0 $0x0  }
0x12: {  	s1 =	sld [smem:$0x3F93];
	s0 =	simm.s32 @p0 $0x1  }
0x13: {  	[smem:$0x3FAE] =	sst s0;
	s0 =	simm.s32 @!p1 $0x0  }
0x14: {  	s2 =	sld [smem:$0x3F92];
	s0 =	simm.s32 @p1 $0x1  }
0x15: {  	[smem:$0x3FAF] =	sst s0;
	s0 =	simm.s32 @!p2 $0x0  }
0x16: {  	s3 =	sld [smem:$0x3FDB];
	s0 =	simm.s32 @p2 $0x1  }
0x17: {  	s4 =	simm.s32 $0x1BF5;
	[smem:$0x3FB1] =	sst s0  }
0x18: {  	s0 =	sld [smem:$0x3F94];
	_ =	swait.ge [sflag:s4], $0x0  }
0x19: {  	s7 =	sld [smem:$0x3F95]  }
0x1a: {  	s8 =	sadd.s32 $0xFFFFE003, lr  }
0x1b: {  	s9 =	sadd.s32 $0xFFFFFEF7, lr;
	s5 =	simm.s32 $0xFFFFFFFF;
	p2 =	slt.u32 s8, $0xFFFFF086  }
0x1c: {  	p1 =	slt.u32 s9, $0xF7A;
	s5 =	simm.s32 @!p2 $0x0  }
0x1d: {  	s5 =	simm.s32 @p1 $0x1;
	p0 =	seq.s32 s7, s2  }
0x1e: {  	s7 =	smul.u32 @!p0 $0xF7A, s2;
	p2 =	seq.s32 @!p0 s5, $0x0  }
0x1f: {  	s9 =	smul.u32 $0xF7A, s1;
	s8 =	simm.s32 @!p0 $0x1BF5;
	p2 =	por !p2, p0  }
0x20: {  	[sflag:s8] =	ssyncset.s32 @!p0 $0xFFFFF086;
	s6 =	sadd.s32 @!p0 s3, s7;
	s7 =	simm.s32 @!p0 $0x108  }
0x21: {  	s3 =	sadd.s32 s3, s9;
	s6 =	sadd.s32 @!p0 $0x88, s6;
	s7 =	simm.s32 @p2 $0x1082  }
0x22: {  	[simem:s7], [sflag:s8] =	dma.local @!p0 [hbm:s6], $0xF7A  }
0x23: {  	s9 =	sor.u32 $0xD0000000, s2;
	s6 =	simm.s32 $0x108;
	_ =	swait.ge @!p0 [sflag:s8], $0x0  }
0x24: {  	s3 =	sadd.s32 $0x88, s3;
	s6 =	simm.s32 @!p1 $0x1082;
	[sflag:s4] =	ssyncset.s32 $0xFFFFF086  }
0x25: {  	[simem:s6], [sflag:s4] =	dma.local [hbm:s3], $0xF7A  }
0x26: {  	[smem:$0x3F95] =	sst s1;
	(tag) =	ssettag s2;
	_ =	strace s9  }
0x27: {  	s1 =	sld [smem:$0x3FA5]  }
0x28: {  	s2 =	sld [smem:$0x3FA6]  }
0x29: {  	s4 =	sld [smem:$0x3FA8]  }
0x2a: {  	p0 =	seq.s32 s5, $0x0;
	s5 =	sld [smem:$0x3FA9]  }
0x2b: {  	s6 =	sld [smem:$0x3FAA]  }
0x2c: {  	s7 =	sld [smem:$0x3FAB]  }
0x2d: {  	s3 =	simm.s32 $0x108;
	s8 =	sld [smem:$0x3FAC]  }
0x2e: {  	s3 =	simm.s32 @!p0 $0x1082;
	s9 =	sld [smem:$0x3FAD]  }
0x2f: {  	lr =	sadd.s32 s0, s3;
	s0 =	sld [smem:$0x3FA4]  }
0x30: {  	s3 =	sld [smem:$0x3FA7]  }
0x31: {  	[smem:$0x3FB0] =	sst s10  }
0x32: {  	s10 =	sld [smem:$0x3FAE];
	_ =	sdelay $0x3  }
0x33: {  	p0 =	seq.s32 s10, $0x1;
	s10 =	sld [smem:$0x3FB0];
	_ =	sdelay $0x3  }
0x34: {  	[smem:$0x3FB0] =	sst s10  }
0x35: {  	s10 =	sld [smem:$0x3FAF];
	_ =	sdelay $0x3  }
0x36: {  	p1 =	seq.s32 s10, $0x1;
	s10 =	sld [smem:$0x3FB0];
	_ =	sdelay $0x3  }
0x37: {  	[smem:$0x3FB0] =	sst s10  }
0x38: {  	s10 =	sld [smem:$0x3FB1]  }
0x39: {  	_ = 	snop;
	(pc) =	sbr.ind lr, $3  }
0x3a: {  	_ = 	snop  }
0x3b: {  	_ = 	snop  }
0x3c: {  	p2 =	seq.s32 s10, $0x1;
	s10 =	sld [smem:$0x3FB0]  }
0x3d: {  	_ =	shalt  }
0x3e: {  	_ =	shalt  }
0x3f: {  	_ =	shalt  }
0x40: {  	_ =	shalt  }
0x41: {  	_ =	shalt  }
0x42: {  	_ =	shalt  }
0x43: {  	_ =	shalt  }
0x44: {  	_ =	shalt  }
0x45: {  	_ =	shalt  }
0x46: {  	_ =	shalt  }
0x47: {  	_ =	shalt  }
0x48: {  	_ =	shalt  }
0x49: {  	_ =	shalt  }
0x4a: {  	_ =	shalt  }
0x4b: {  	_ =	shalt  }
0x4c: {  	_ =	shalt  }
0x4d: {  	_ =	shalt  }
0x4e: {  	_ =	shalt  }
0x4f: {  	_ =	shalt  }
0x50: {  	_ =	shalt  }
0x51: {  	_ =	shalt  }
0x52: {  	_ =	shalt  }
0x53: {  	_ =	shalt  }
0x54: {  	_ =	shalt  }
0x55: {  	_ =	shalt  }
0x56: {  	_ =	shalt  }
0x57: {  	_ =	shalt  }
0x58: {  	_ =	shalt  }
0x59: {  	_ =	shalt  }
0x5a: {  	_ =	shalt  }
0x5b: {  	_ =	shalt  }
0x5c: {  	_ =	shalt  }
0x5d: {  	_ =	shalt  }
0x5e: {  	_ =	shalt  }
0x5f: {  	_ =	shalt  }
0x60: {  	_ =	shalt  }
0x61: {  	_ =	shalt  }
0x62: {  	_ =	shalt  }
0x63: {  	_ =	shalt  }
0x64: {  	_ =	shalt  }
0x65: {  	_ =	shalt  }
0x66: {  	_ =	shalt  }
0x67: {  	_ =	shalt  }
0x68: {  	_ =	shalt  }
0x69: {  	_ =	shalt  }
0x6a: {  	_ =	shalt  }
0x6b: {  	_ =	shalt  }
0x6c: {  	_ =	shalt  }
0x6d: {  	_ =	shalt  }
0x6e: {  	_ =	shalt  }
0x6f: {  	_ =	shalt  }
0x70: {  	_ =	shalt  }
0x71: {  	_ =	shalt  }
0x72: {  	_ =	shalt  }
0x73: {  	_ =	shalt  }
0x74: {  	_ =	shalt  }
0x75: {  	_ =	shalt  }
0x76: {  	_ =	shalt  }
0x77: {  	_ =	shalt  }
0x78: {  	_ =	shalt  }
0x79: {  	_ =	shalt  }
0x7a: {  	_ =	shalt  }
0x7b: {  	_ =	shalt  }
0x7c: {  	_ =	shalt  }
0x7d: {  	_ =	shalt  }
0x7e: {  	_ =	shalt  }
0x7f: {  	_ =	shalt  }
0x80: {  	_ =	shalt  }
0x81: {  	_ =	shalt  }
0x82: {  	_ =	shalt  }
0x83: {  	_ =	shalt  }
0x84: {  	_ =	shalt  }
0x85: {  	_ =	shalt  }
0x86: {  	_ =	shalt  }
0x87: {  	_ =	shalt  }
.Lfunc_end0:
.L_simem_size_0:
called_computation.1_lowered:
.L_overlay_start_0:
0x88: {  	s2 =	sld [smem:$0x3FD9]  }
0x89: {  	s3 =	sld [smem:$0x3FFE];
	_ =	sdelay $0x1  }
0x8a: {  	s1 =	srdreg.scid  }
0x8b: {  	s0 =	sand.u32 $0x1, s1  }
0x8c: {  	s17 =	sshll.u32 s0, $0xA;
	s2 =	sadd.s32 s3, s2  }
0x8d: {  	s2 =	sadd.s32 s2, s17  }
0x8e: {  	[smem:$0x3FBC] =	sst s2  }
0x8f: {  	_ = 	snop  }
0x90: {  	s2 =	sld [smem:$0x3FD0];
	(tm) =	ssettm $0x1  }
0x91: {  	s18 =	sld [smem:$0x3FFB];
	_ =	sdelay $0x3  }
0x92: {  	_ =	strace s18  }
0x93: {  	s3 =	sld [smem:$0x3FFC];
	_ =	sdelay $0x3  }
0x94: {  	_ =	strace s3  }
0x95: {  	s3 =	sld [smem:$0x3FFD];
	_ =	sdelay $0x3  }
0x96: {  	_ =	strace s3  }
0x97: {  	_ =	strace $0x8FFFFFFF  }
0x98: {  	s19 =	sld [smem:$0x3FDB];
	_ =	sdelay $0x1  }
0x99: {  	s4 =	simm.s32 $_scs_section_size  }
0x9a: {  	s5 =	simm.s32 $_size__tile_overlayer_lowered;
	s6 =	simm.s32 $_tile_overlayer_lowered  }
0x9b: {  	s22 =	simm.s32 $0x1BFF;
	s21 =	sshll.u32 s6, $0x1;
	s3 =	sadd.s32 s4, s19  }
0x9c: {  	s7 =	simm.s32 $0x0;
	s20 =	sshll.u32 s5, $0x1;
	s5 =	sadd.s32 s21, s3  }
0x9d: {  	[timem:s7], [sflag:s22] =	dma.local [hbm:s5], s20  }
0x9e: {  	_ =	swait.ge [sflag:s22], s20  }
0x9f: {  	s4 =	ssub.s32 $0x0, s20;
	[sflag:s22] =	ssyncset.done $0x0  }
0xa0: {  	[sflag:s22] =	ssyncadd.s32 s4;
	_ =	sdelay $0x1  }
0xa1: {  	s23 =	simm.s32 $0x1B8B  }
0xa2: {  	_ =	swait.ge [sflag:s23], $0x1  }
0xa3: {  	[sflag:s23] =	ssyncset.done $0x0  }
0xa4: {  	s25 =	simm.s32 $0x1B8E;
	s24 =	sld [smem:$0x3FFE];
	[sflag:s23] =	ssyncadd.s32 $0xFFFFFFFF  }
0xa5: {  	s26 =	simm.s32 $execute0_lowered;
	[smem:$0x3FD2] =	sst s25  }
0xa6: {  	s5 =	sshll.u32 s26, $0x1;
	_ =	strace $0x80000049;
	[dreg:$0x1] =	wrdreg $0xFFFFFFFF  }
0xa7: {  	s28 =	simm.s32 $_size_execute0_lowered;
	s3 =	sadd.s32 s3, s5;
	[dreg:$0x0] =	wrdreg $0x0  }
0xa8: {  	s5 =	sshll.u32 s28, $0x1;
	[dreg:$0x2] =	wrdreg s3  }
0xa9: {  	[dreg:$0x3] =	wrdreg s5  }
0xaa: {  	[dreg:$0x4] =	wrdreg $0xC0  }
0xab: {  	_ =	task [dreg:s7], $0x5FFFF  }
0xac: {  	[dreg:$0x1] =	wrdreg $0xFFFFFFFF  }
0xad: {  	[dreg:$0x0] =	wrdreg $0x60  }
0xae: {  	[dreg:$0x2] =	wrdreg s24  }
0xaf: {  	[dreg:$0x3] =	wrdreg s2  }
0xb0: {  	[dreg:$0x4] =	wrdreg $0x1B0D00  }
0xb1: {  	[dreg:$0x5] =	wrdreg $0x9  }
0xb2: {  	_ =	task.clear_ibuf [dreg:s7], $0x6FFFF;
	_ =	strace $0x90000049  }
0xb3: {  	s29 =	simm.s32 $0x9;
	_ =	strace $0x8000004B  }
0xb4: {  	_ =	swait.ge [sflag:s29], $0x1  }
0xb5: {  	[sflag:s29] =	ssyncadd.s32 $0xFFFFFFFF  }
0xb6: {  	_ =	strace $0x9000004B  }
0xb7: {  	_ =	sfence  }
0xb8: {  	s30 =	sld [smem:$0x0];
	_ =	sdelay $0x2  }
0xb9: {  	s31 =	sshll.u32 s1, $0xD;
	s1 =	sshrl.u32 s1, $0x2  }
0xba: {  	s3 =	sand.u32 $0x4000, s31;
	s1 =	sadd.s32 s1, s30  }
0xbb: {  	s0 =	sor.u32 s3, s0;
	s1 =	sshll.u32 s1, $0x11  }
0xbc: {  	s0 =	sor.u32 s1, s0  }
0xbd: {  	s0 =	sadd.s32 $0x8F2B, s0  }
0xbe: {  	[sflag:s0] =	ssyncadd.remote.s32 $0x1  }
0xbf: {  	_ =	sfence.sel $0xFFFF  }
0xc0: {  	[dreg:$0x0] =	wrdreg $0xFFFFFFFF;
	(pc) =	sbr.abs _section_cstart, $3  }
0xc1: {  	[dreg:$0x1] =	wrdreg $0xFFFFFFFF  }
0xc2: {  	_ =	task.clear_ibuf [dreg:s7], $0x2FFFF;
	_ =	strace $0x9FFFFFFF  }
0xc3: {  	(tm) =	ssettm $0x7FFFFFFF  }
tec
execute0_lowered:
.L_overlay_start_1:
0x0: {  	(tag) =	ssettag $0x1  }
0x1: {  	s0 =	rddreg [dreg:$0x0]  }
0x2: {  	s1 =	rddreg [dreg:$0x1]  }
0x3: {  	s18 =	rddreg [dreg:$0x2];
	s2 =	srdreg.scid  }
0x4: {  	s9 =	stileid.u32;
	s3 =	simm.s32 $0x0;
	s28 =	simm.s32 $0x50  }
0x5: {  	s29 =	simm.s32 $0x1B080;
	s30 =	simm.s32 $0x0;
	s5 =	smul.u32 $0x280, s9  }
0x6: {  	s2 =	sand.u32 $0x1, s2;
	[smem:$0x7FF] =	sst s3;
	s22 =	smul.u32 $0x5000, s9  }
0x7: {  	s16 =	sadd.s32 $0xA600, s0;
	s4 =	smul.u32 $0x5000, s2;
	s6 =	ssub.s32 $0x2, s2  }
0x8: {  	_ =	strace $0x8000004A;
	s2 =	smul.u32 $0x2710, s2;
	s8 =	sshrl.u32 s6, $0x1  }
0x9: {  	s19 =	sshrl.u32 s5, $0x3;
	s23 =	sadd.s32 s5, s18;
	s24 =	sadd.s32 $0x2800, s5  }
0xa: {  	s4 =	sadd.s32 s5, s4;
	s21 =	ssub.s32 s6, s8;
	s1 =	sadd.s32 s1, s2  }
0xb: {  	[dreg:$0x5] =	wrdreg s23;
	s8 =	sadd.s32 s24, s18;
	s2 =	sshrl.u32 s22, $0x3  }
0xc: {  	s18 =	sadd.s32 $0x2800, s18;
	s22 =	simm.s32 $0x2800;
	s23 =	simm.s32 $0x1  }
0xd: {  	s7 =	sshrl.u32 s4, $0x3;
	s4 =	sadd.s32 $0x14600, s0;
	[dreg:$0x4] =	wrdreg s1  }
0xe: {  	s1 =	sshrl.u32 s24, $0x3;
	s10 =	sadd.s32 s16, s2;
	s25 =	sadd.s32 $0x280, s2  }
0xf: {  	s11 =	sadd.s32 s0, s2;
	s26 =	sadd.s32 $0x500, s2;
	s31 =	sadd.s32 $0x780, s2  }
0x10: {  	s21 =	smax.u32 s21, $0x1;
	s24 =	simm.s32 $0x16080;
	s20 =	sadd.s32 s7, s0  }
0x11: {  	s7 =	sadd.s32 s4, s19;
	s9 =	sadd.s32 s4, s1;
	s12 =	sadd.s32 s16, s25  }
0x12: {  	v0 =	vlaneseq.u32;
	s13 =	sadd.s32 s0, s25;
	s14 =	sadd.s32 s16, s26;
	s15 =	sadd.s32 s0, s26  }
0x13: {  	v1 =	vor.u32 $0x10, v0;
	s16 =	sadd.s32 s16, s31;
	s17 =	sadd.s32 s0, s31;
	s25 =	simm.s32 $0x1400  }
0x14: {  	v2 =	vor.u32 $0x20, v0;
	v3 =	vor.u32 $0x30, v0;
	v4 =	vor.u32 $0x40, v0;
	s26 =	simm.s32 $0x18880;
	s19 =	sadd.s32 $0x15000, s20;
	s20 =	sadd.s32 $0x15500, s20  }
.LBB2_1:
0x15: {  	s0 =	rddreg [dreg:$0x4]  }
0x16: {  	[tilespmem:s22], [sflag:$0x1] =	stream.linear.gather [hbm4b:s0+s3], $0x13880, $0x38;
	[tilespmem:$0x1B5D0] =	vst v63  }
0x17: {  	_ =	swait.ge [sflag:s23], $0x13880  }
0x18: {  	[sflag:s23] =	ssyncset.done $0x0  }
0x19: {  	[sflag:s23] =	ssyncadd.s32 $0xFFFEC780  }
0x1a: {  	[tilespmem:s24], [sflag:$0x1] =	stream.linear.gather [hbm4b:s4+s3], $0x5000, $0x38;
	[tilespmem:$0x1B5D0] =	vst v63  }
0x1b: {  	s5 =	stileid.u32;
	_ =	swait.ge [sflag:s23], $0x5000  }
0x1c: {  	s0 =	sshll.u32 s5, $0x6;
	[sflag:s23] =	ssyncset.done $0x0;
	s6 =	rddreg [dreg:$0x5]  }
0x1d: {  	s31 =	sor.u32 $0x1C01, s0;
	[sflag:s23] =	ssyncadd.s32 $0xFFFFB000;
	s0 =	sshrl.u32 s6, $0x3  }
0x1e: {  	[spmem:s0], [sflag:s31] =	dma.local [hbm:s7], $0x50  }
0x1f: {  	_ =	swait.ge [sflag:s23], $0x50  }
0x20: {  	[sflag:s23] =	ssyncset.done $0x0  }
0x21: {  	s1 =	sshrl.u32 s8, $0x3;
	[sflag:s23] =	ssyncadd.s32 $0xFFFFFFB0  }
0x22: {  	[spmem:s1], [sflag:s31] =	dma.local [hbm:s9], $0x50  }
0x23: {  	_ =	swait.ge [sflag:s23], $0x50  }
0x24: {  	[sflag:s23] =	ssyncset.done $0x0  }
0x25: {  	[sflag:s23] =	ssyncadd.s32 $0xFFFFFFB0  }
0x26: {  	[tilespmem:$0x1B080] =	vst v0  }
0x27: {  	[tilespmem:$0x1B090] =	vst v1  }
0x28: {  	[tilespmem:$0x1B0A0] =	vst v2  }
0x29: {  	[tilespmem:$0x1B0B0] =	vst v3  }
0x2a: {  	[tilespmem:$0x1B0C0] =	vst v4  }
0x2b: {  	[tilespmem:s3], [sflag:$0x1] =	stream.linear.gather [hbm4b:s10+s3], $0x1400, $0x38;
	[tilespmem:$0x1B5D0] =	vst v63  }
0x2c: {  	_ =	swait.ge [sflag:s23], $0x1400  }
0x2d: {  	[sflag:s23] =	ssyncset.done $0x0  }
0x2e: {  	[sflag:s23] =	ssyncadd.s32 $0xFFFFEC00  }
0x2f: {  	[tilespmem:s25], [sflag:$0x1] =	stream.linear.gather [hbm4b:s11+s3], $0x1400, $0x38;
	[tilespmem:$0x1B5D0] =	vst v63  }
0x30: {  	_ =	swait.ge [sflag:s23], $0x1400  }
0x31: {  	[sflag:s23] =	ssyncset.done $0x0  }
0x32: {  	s2 =	simm.s32 $0x0;
	[sflag:s23] =	ssyncadd.s32 $0xFFFFEC00  }
0x33: {  	v5 =	vld [tilespmem:s2+$0x0];
	_ =	sdelay $0x4  }
0x34: {  	v6 =	vshll.u32 v5, $0x3;
	_ =	sdelay $0x1  }
0x35: {  	v5 =	vld [tilespmem:s2+$0x1400];
	_ =	sdelay $0x2  }
0x36: {  	v7 =	vld.idx.msk [tilespmem:v6+s22+$0x0], $0xffff  }
0x37: {  	v6 =	vor.u32 $0x1, v6;
	_ =	sdelay $0x3  }
0x38: {  	[tilespmem:v5+s24+$0x0] =	vst.idx.add.f32.msk $0xffff, v7  }
0x39: {  	s5 =	simm.s32 $0x80;
	s2 =	simm.s32 $0x40;
	v6 =	vld.idx.msk [tilespmem:v6+s22+$0x0], $0xffff  }
.LBB2_2:
0x3a: {  	_ =	sdelay $0x2  }
0x3b: {  	p0 =	sne.s32 s5, $0x4FC0  }
0x3c: {  	s6 =	sshra.s32 s2, $0x2;
	s2 =	smov.u32 s5;
	s5 =	sadd.s32 $0x40, s5;
	[tilespmem:v5+s26+$0x0] =	vst.idx.add.f32.msk $0xffff, v6  }
0x3d: {  	v5 =	vld [tilespmem:s6+$0x0];
	_ =	sdelay $0x4  }
0x3e: {  	v6 =	vshll.u32 v5, $0x3;
	_ =	sdelay $0x2  }
0x3f: {  	v5 =	vld [tilespmem:s6+$0x1400];
	_ =	sdelay $0x1  }
0x40: {  	v7 =	vld.idx.msk [tilespmem:v6+s22+$0x0], $0xffff;
	_ =	sdelay $0x1  }
0x41: {  	v6 =	vor.u32 $0x1, v6  }
.Ltmp0:
0x42: {  	(pc) =	sbr.rel @p0 .LBB2_2-.Ltmp0, $3  }
0x43: {  	_ =	sdelay $0x1  }
0x44: {  	[tilespmem:v5+s24+$0x0] =	vst.idx.add.f32.msk $0xffff, v7  }
0x45: {  	v6 =	vld.idx.msk [tilespmem:v6+s22+$0x0], $0xffff  }
0x46: {  	_ =	sdelay $0x3  }
0x47: {  	s2 =	sshra.s32 s2, $0x2;
	[tilespmem:v5+s26+$0x0] =	vst.idx.add.f32.msk $0xffff, v6  }
0x48: {  	v5 =	vld [tilespmem:s2+$0x0];
	_ =	sdelay $0x4  }
0x49: {  	v5 =	vshll.u32 v5, $0x3;
	_ =	sdelay $0x1  }
0x4a: {  	v6 =	vld [tilespmem:s2+$0x1400];
	_ =	sdelay $0x2  }
0x4b: {  	v7 =	vld.idx.msk [tilespmem:v5+s22+$0x0], $0xffff  }
0x4c: {  	v5 =	vor.u32 $0x1, v5;
	_ =	sdelay $0x3  }
0x4d: {  	[tilespmem:v6+s24+$0x0] =	vst.idx.add.f32.msk $0xffff, v7  }
0x4e: {  	v5 =	vld.idx.msk [tilespmem:v5+s22+$0x0], $0xffff;
	_ =	sdelay $0x4  }
0x4f: {  	s5 =	simm.s32 $0x0;
	[tilespmem:v6+s26+$0x0] =	vst.idx.add.f32.msk $0xffff, v5  }
0x50: {  	[tilespmem:s5], [sflag:$0x1] =	stream.linear.gather [hbm4b:s12+s5], $0x1400, $0x38;
	[tilespmem:$0x1B5D0] =	vst v63  }
0x51: {  	_ =	swait.ge [sflag:s23], $0x1400  }
0x52: {  	[sflag:s23] =	ssyncset.done $0x0  }
0x53: {  	[sflag:s23] =	ssyncadd.s32 $0xFFFFEC00  }
0x54: {  	[tilespmem:s25], [sflag:$0x1] =	stream.linear.gather [hbm4b:s13+s5], $0x1400, $0x38;
	[tilespmem:$0x1B5D0] =	vst v63  }
0x55: {  	_ =	swait.ge [sflag:s23], $0x1400  }
0x56: {  	[sflag:s23] =	ssyncset.done $0x0  }
0x57: {  	s6 =	simm.s32 $0x0;
	[sflag:s23] =	ssyncadd.s32 $0xFFFFEC00  }
0x58: {  	v5 =	vld [tilespmem:s6+$0x0];
	_ =	sdelay $0x4  }
0x59: {  	v6 =	vshll.u32 v5, $0x3;
	_ =	sdelay $0x1  }
0x5a: {  	v5 =	vld [tilespmem:s6+$0x1400];
	_ =	sdelay $0x2  }
0x5b: {  	v7 =	vld.idx.msk [tilespmem:v6+s22+$0x0], $0xffff  }
0x5c: {  	v6 =	vor.u32 $0x1, v6;
	_ =	sdelay $0x3  }
0x5d: {  	[tilespmem:v5+s24+$0x0] =	vst.idx.add.f32.msk $0xffff, v7  }
0x5e: {  	s2 =	simm.s32 $0x40;
	s5 =	simm.s32 $0x80;
	v6 =	vld.idx.msk [tilespmem:v6+s22+$0x0], $0xffff  }
.LBB2_4:
0x5f: {  	_ =	sdelay $0x2  }
0x60: {  	p0 =	sne.s32 s5, $0x4FC0  }
0x61: {  	s6 =	sshra.s32 s2, $0x2;
	s2 =	smov.u32 s5;
	s5 =	sadd.s32 $0x40, s5;
	[tilespmem:v5+s26+$0x0] =	vst.idx.add.f32.msk $0xffff, v6  }
0x62: {  	v5 =	vld [tilespmem:s6+$0x0];
	_ =	sdelay $0x4  }
0x63: {  	v6 =	vshll.u32 v5, $0x3;
	_ =	sdelay $0x2  }
0x64: {  	v5 =	vld [tilespmem:s6+$0x1400];
	_ =	sdelay $0x1  }
0x65: {  	v7 =	vld.idx.msk [tilespmem:v6+s22+$0x0], $0xffff;
	_ =	sdelay $0x1  }
0x66: {  	v6 =	vor.u32 $0x1, v6  }
.Ltmp1:
0x67: {  	(pc) =	sbr.rel @p0 .LBB2_4-.Ltmp1, $3  }
0x68: {  	_ =	sdelay $0x1  }
0x69: {  	[tilespmem:v5+s24+$0x0] =	vst.idx.add.f32.msk $0xffff, v7  }
0x6a: {  	v6 =	vld.idx.msk [tilespmem:v6+s22+$0x0], $0xffff  }
0x6b: {  	_ =	sdelay $0x3  }
0x6c: {  	s2 =	sshra.s32 s2, $0x2;
	[tilespmem:v5+s26+$0x0] =	vst.idx.add.f32.msk $0xffff, v6  }
0x6d: {  	v5 =	vld [tilespmem:s2+$0x0];
	_ =	sdelay $0x4  }
0x6e: {  	v5 =	vshll.u32 v5, $0x3;
	_ =	sdelay $0x1  }
0x6f: {  	v6 =	vld [tilespmem:s2+$0x1400];
	_ =	sdelay $0x2  }
0x70: {  	v7 =	vld.idx.msk [tilespmem:v5+s22+$0x0], $0xffff  }
0x71: {  	v5 =	vor.u32 $0x1, v5;
	_ =	sdelay $0x3  }
0x72: {  	[tilespmem:v6+s24+$0x0] =	vst.idx.add.f32.msk $0xffff, v7  }
0x73: {  	v5 =	vld.idx.msk [tilespmem:v5+s22+$0x0], $0xffff;
	_ =	sdelay $0x4  }
0x74: {  	s5 =	simm.s32 $0x0;
	[tilespmem:v6+s26+$0x0] =	vst.idx.add.f32.msk $0xffff, v5  }
0x75: {  	[tilespmem:s5], [sflag:$0x1] =	stream.linear.gather [hbm4b:s14+s5], $0x1400, $0x38;
	[tilespmem:$0x1B5D0] =	vst v63  }
0x76: {  	_ =	swait.ge [sflag:s23], $0x1400  }
0x77: {  	[sflag:s23] =	ssyncset.done $0x0  }
0x78: {  	[sflag:s23] =	ssyncadd.s32 $0xFFFFEC00  }
0x79: {  	[tilespmem:s25], [sflag:$0x1] =	stream.linear.gather [hbm4b:s15+s5], $0x1400, $0x38;
	[tilespmem:$0x1B5D0] =	vst v63  }
0x7a: {  	_ =	swait.ge [sflag:s23], $0x1400  }
0x7b: {  	[sflag:s23] =	ssyncset.done $0x0  }
0x7c: {  	s6 =	simm.s32 $0x0;
	[sflag:s23] =	ssyncadd.s32 $0xFFFFEC00  }
0x7d: {  	v5 =	vld [tilespmem:s6+$0x0];
	_ =	sdelay $0x4  }
0x7e: {  	v6 =	vshll.u32 v5, $0x3;
	_ =	sdelay $0x1  }
0x7f: {  	v5 =	vld [tilespmem:s6+$0x1400];
	_ =	sdelay $0x2  }
0x80: {  	v7 =	vld.idx.msk [tilespmem:v6+s22+$0x0], $0xffff  }
0x81: {  	v6 =	vor.u32 $0x1, v6;
	_ =	sdelay $0x3  }
0x82: {  	[tilespmem:v5+s24+$0x0] =	vst.idx.add.f32.msk $0xffff, v7  }
0x83: {  	s2 =	simm.s32 $0x40;
	s5 =	simm.s32 $0x80;
	v6 =	vld.idx.msk [tilespmem:v6+s22+$0x0], $0xffff  }
.LBB2_6:
0x84: {  	_ =	sdelay $0x2  }
0x85: {  	p0 =	sne.s32 s5, $0x4FC0  }
0x86: {  	s6 =	sshra.s32 s2, $0x2;
	s2 =	smov.u32 s5;
	s5 =	sadd.s32 $0x40, s5;
	[tilespmem:v5+s26+$0x0] =	vst.idx.add.f32.msk $0xffff, v6  }
0x87: {  	v5 =	vld [tilespmem:s6+$0x0];
	_ =	sdelay $0x4  }
0x88: {  	v6 =	vshll.u32 v5, $0x3;
	_ =	sdelay $0x2  }
0x89: {  	v5 =	vld [tilespmem:s6+$0x1400];
	_ =	sdelay $0x1  }
0x8a: {  	v7 =	vld.idx.msk [tilespmem:v6+s22+$0x0], $0xffff;
	_ =	sdelay $0x1  }
0x8b: {  	v6 =	vor.u32 $0x1, v6  }
.Ltmp2:
0x8c: {  	(pc) =	sbr.rel @p0 .LBB2_6-.Ltmp2, $3  }
0x8d: {  	_ =	sdelay $0x1  }
0x8e: {  	[tilespmem:v5+s24+$0x0] =	vst.idx.add.f32.msk $0xffff, v7  }
0x8f: {  	v6 =	vld.idx.msk [tilespmem:v6+s22+$0x0], $0xffff  }
0x90: {  	_ =	sdelay $0x3  }
0x91: {  	s2 =	sshra.s32 s2, $0x2;
	[tilespmem:v5+s26+$0x0] =	vst.idx.add.f32.msk $0xffff, v6  }
0x92: {  	v5 =	vld [tilespmem:s2+$0x0];
	_ =	sdelay $0x4  }
0x93: {  	v5 =	vshll.u32 v5, $0x3;
	_ =	sdelay $0x1  }
0x94: {  	v6 =	vld [tilespmem:s2+$0x1400];
	_ =	sdelay $0x2  }
0x95: {  	v7 =	vld.idx.msk [tilespmem:v5+s22+$0x0], $0xffff  }
0x96: {  	v5 =	vor.u32 $0x1, v5;
	_ =	sdelay $0x3  }
0x97: {  	[tilespmem:v6+s24+$0x0] =	vst.idx.add.f32.msk $0xffff, v7  }
0x98: {  	v5 =	vld.idx.msk [tilespmem:v5+s22+$0x0], $0xffff;
	_ =	sdelay $0x4  }
0x99: {  	s5 =	simm.s32 $0x0;
	[tilespmem:v6+s26+$0x0] =	vst.idx.add.f32.msk $0xffff, v5  }
0x9a: {  	[tilespmem:s5], [sflag:$0x1] =	stream.linear.gather [hbm4b:s16+s5], $0x1400, $0x38;
	[tilespmem:$0x1B5D0] =	vst v63  }
0x9b: {  	_ =	swait.ge [sflag:s23], $0x1400  }
0x9c: {  	[sflag:s23] =	ssyncset.done $0x0  }
0x9d: {  	[sflag:s23] =	ssyncadd.s32 $0xFFFFEC00  }
0x9e: {  	[tilespmem:s25], [sflag:$0x1] =	stream.linear.gather [hbm4b:s17+s5], $0x1400, $0x38;
	[tilespmem:$0x1B5D0] =	vst v63  }
0x9f: {  	_ =	swait.ge [sflag:s23], $0x1400  }
0xa0: {  	[sflag:s23] =	ssyncset.done $0x0  }
0xa1: {  	s6 =	simm.s32 $0x0;
	[sflag:s23] =	ssyncadd.s32 $0xFFFFEC00  }
0xa2: {  	v5 =	vld [tilespmem:s6+$0x0];
	_ =	sdelay $0x4  }
0xa3: {  	v6 =	vshll.u32 v5, $0x3;
	_ =	sdelay $0x1  }
0xa4: {  	v5 =	vld [tilespmem:s6+$0x1400];
	_ =	sdelay $0x2  }
0xa5: {  	v7 =	vld.idx.msk [tilespmem:v6+s22+$0x0], $0xffff  }
0xa6: {  	v6 =	vor.u32 $0x1, v6;
	_ =	sdelay $0x3  }
0xa7: {  	[tilespmem:v5+s24+$0x0] =	vst.idx.add.f32.msk $0xffff, v7  }
0xa8: {  	s2 =	simm.s32 $0x40;
	s5 =	simm.s32 $0x80;
	v6 =	vld.idx.msk [tilespmem:v6+s22+$0x0], $0xffff  }
.LBB2_8:
0xa9: {  	_ =	sdelay $0x2  }
0xaa: {  	p0 =	sne.s32 s5, $0x4FC0  }
0xab: {  	s6 =	sshra.s32 s2, $0x2;
	s2 =	smov.u32 s5;
	s5 =	sadd.s32 $0x40, s5;
	[tilespmem:v5+s26+$0x0] =	vst.idx.add.f32.msk $0xffff, v6  }
0xac: {  	v5 =	vld [tilespmem:s6+$0x0];
	_ =	sdelay $0x4  }
0xad: {  	v6 =	vshll.u32 v5, $0x3;
	_ =	sdelay $0x2  }
0xae: {  	v5 =	vld [tilespmem:s6+$0x1400];
	_ =	sdelay $0x1  }
0xaf: {  	v7 =	vld.idx.msk [tilespmem:v6+s22+$0x0], $0xffff;
	_ =	sdelay $0x1  }
0xb0: {  	v6 =	vor.u32 $0x1, v6  }
.Ltmp3:
0xb1: {  	(pc) =	sbr.rel @p0 .LBB2_8-.Ltmp3, $3  }
0xb2: {  	_ =	sdelay $0x1  }
0xb3: {  	[tilespmem:v5+s24+$0x0] =	vst.idx.add.f32.msk $0xffff, v7  }
0xb4: {  	v6 =	vld.idx.msk [tilespmem:v6+s22+$0x0], $0xffff  }
0xb5: {  	_ =	sdelay $0x3  }
0xb6: {  	s2 =	sshra.s32 s2, $0x2;
	[tilespmem:v5+s26+$0x0] =	vst.idx.add.f32.msk $0xffff, v6  }
0xb7: {  	v5 =	vld [tilespmem:s2+$0x0];
	_ =	sdelay $0x4  }
0xb8: {  	v5 =	vshll.u32 v5, $0x3;
	_ =	sdelay $0x1  }
0xb9: {  	v6 =	vld [tilespmem:s2+$0x1400];
	_ =	sdelay $0x2  }
0xba: {  	v7 =	vld.idx.msk [tilespmem:v5+s22+$0x0], $0xffff  }
0xbb: {  	v5 =	vor.u32 $0x1, v5;
	_ =	sdelay $0x3  }
0xbc: {  	[tilespmem:v6+s24+$0x0] =	vst.idx.add.f32.msk $0xffff, v7  }
0xbd: {  	v5 =	vld.idx.msk [tilespmem:v5+s22+$0x0], $0xffff;
	_ =	sdelay $0x4  }
0xbe: {  	[tilespmem:v6+s26+$0x0] =	vst.idx.add.f32.msk $0xffff, v5  }
0xbf: {  	[bflag:$0x0] =	sbarrier.arrive $0xFFFF  }
0xc0: {  	s6 =	rddreg [dreg:$0x2]  }
0xc1: {  	[spmem:s6] =	stream.indirect.scatter.add.f32 [tilespmem:s24], [sflag:$0x1], $0x80, s29, s28, $0xb8;
	[tilespmem:$0x1B5D0] =	vst v63  }
0xc2: {  	_ =	swait.ge [sflag:s23], $0x2800  }
0xc3: {  	[sflag:s23] =	ssyncset.done $0x0  }
0xc4: {  	[sflag:s23] =	ssyncadd.s32 $0xFFFFD800  }
0xc5: {  	[spmem:s18] =	stream.indirect.scatter.add.f32 [tilespmem:s26], [sflag:$0x1], $0x80, s29, s28, $0xb8;
	[tilespmem:$0x1B5D0] =	vst v63  }
0xc6: {  	_ =	swait.ge [sflag:s23], $0x2800  }
0xc7: {  	[sflag:s23] =	ssyncset.done $0x0  }
0xc8: {  	[sflag:s23] =	ssyncadd.s32 $0xFFFFD800  }
0xc9: {  	[bflag:$0x0] =	sbarrier.arrive $0xFFFF  }
0xca: {  	[hbm:s19], [sflag:s31] =	dma.local [spmem:s0], $0x50  }
0xcb: {  	s30 =	sadd.s32 $0x1, s30;
	_ =	swait.ge [sflag:s23], $0x50  }
0xcc: {  	p0 =	sne.s32 s30, s21;
	[sflag:s23] =	ssyncset.done $0x0  }
.Ltmp4:
0xcd: {  	[sflag:s23] =	ssyncadd.s32 $0xFFFFFFB0;
	(pc) =	sbr.rel @p0 .LBB2_1-.Ltmp4, $4  }
0xce: {  	[hbm:s20], [sflag:s31] =	dma.local [spmem:s1], $0x50  }
0xcf: {  	_ =	swait.ge [sflag:s23], $0x50  }
0xd0: {  	[sflag:s23] =	ssyncset.done $0x0  }
0xd1: {  	[sflag:s23] =	ssyncadd.s32 $0xFFFFFFB0  }
0xd2: {  	_ =	sfence.sel $0x180000  }
0xd3: {  	[bflag:$0x0] =	sbarrier.arrive $0xFFFF  }
0xd4: {  	_ =	strace $0x9000004A  }
0xd5: {  	s0 =	stileid.u32;
	[bflag:$0x2] =	sbarrier.arrive $0xFFFF  }
0xd6: {  	p0 =	sne.s32 s0, $0x0;
	s0 =	rddreg [dreg:$0x3]  }
0xd7: {  	s0 =	sadd.s32 @!p0 $0x100000, s0  }
0xd8: {  	[sflag:s0] =	ssyncadd.tile.s32 @!p0 $0x1;
	_ =	shalt  }
.Lfunc_end2:
_tile_overlayer_lowered:
.L_overlay_start_2:
0xd9: {  	(tag) =	ssettag $0x2  }
0xda: {  	s0 =	rddreg [dreg:$0x0];
	s2 =	stileid.u32  }
0xdb: {  	s1 =	rddreg [dreg:$0x1];
	p0 =	sne.s32 s2, $0x0  }
0xdc: {  	s3 =	rddreg [dreg:$0x2];
	[bflag:$0x3] =	sbarrier.arrive $0xFFFF;
	s2 =	simm.s32 @!p0 $0x1C01  }
0xdd: {  	[timem:s3], [sflag:s2] =	dma.local @!p0 [hbm:s0], s1  }
0xde: {  	s0 =	simm.s32 @!p0 $0x1  }
0xdf: {  	_ =	swait.ge @!p0 [sflag:s0], s1  }
0xe0: {  	s1 =	ssub.s32 @!p0 $0x0, s1;
	[sflag:s0] =	ssyncset.done @!p0 $0x0  }
0xe1: {  	[sflag:s0] =	ssyncadd.s32 @!p0 s1  }
0xe2: {  	[bflag:$0x3] =	sbarrier.arrive $0xFFFF  }
0xe3: {  	_ =	shalt  }

// kernel: kernel.17.cloned.1.call-start
scs
__scs_entry_jumppad:
0x0: {  	(pc) =	sbr.rel $0x88, $3  }
0x1: {  	(tag) =	ssettag $0x0;
	lr =	simm.s32 $0x1  }
0x2: {  	[smem:$0x3F95] =	sst lr;
	_ =	strace $0xD0000000  }
0x3: {  	_ = 	snop  }
0x4: {  	_ = 	snop  }
0x5: {  	_ = 	snop  }
0x6: {  	_ = 	snop  }
0x7: {  	_ = 	snop  }
__scs_overlays_trampoline_lowered:
0x8: {  	[smem:$0x3FA4] =	sst s0  }
0x9: {  	[smem:$0x3FA5] =	sst s1  }
0xa: {  	[smem:$0x3FA6] =	sst s2  }
0xb: {  	[smem:$0x3FA7] =	sst s3  }
0xc: {  	[smem:$0x3FA8] =	sst s4  }
0xd: {  	[smem:$0x3FA9] =	sst s5  }
0xe: {  	[smem:$0x3FAA] =	sst s6  }
0xf: {  	[smem:$0x3FAB] =	sst s7  }
0x10: {  	[smem:$0x3FAC] =	sst s8  }
0x11: {  	[smem:$0x3FAD] =	sst s9;
	s0 =	simm.s32 @!p0 $0x0  }
0x12: {  	s1 =	sld [smem:$0x3F93];
	s0 =	simm.s32 @p0 $0x1  }
0x13: {  	[smem:$0x3FAE] =	sst s0;
	s0 =	simm.s32 @!p1 $0x0  }
0x14: {  	s2 =	sld [smem:$0x3F92];
	s0 =	simm.s32 @p1 $0x1  }
0x15: {  	[smem:$0x3FAF] =	sst s0;
	s0 =	simm.s32 @!p2 $0x0  }
0x16: {  	s3 =	sld [smem:$0x3FDB];
	s0 =	simm.s32 @p2 $0x1  }
0x17: {  	s4 =	simm.s32 $0x1BF5;
	[smem:$0x3FB1] =	sst s0  }
0x18: {  	s0 =	sld [smem:$0x3F94];
	_ =	swait.ge [sflag:s4], $0x0  }
0x19: {  	s7 =	sld [smem:$0x3F95]  }
0x1a: {  	s8 =	sadd.s32 $0xFFFFE003, lr  }
0x1b: {  	s9 =	sadd.s32 $0xFFFFFEF7, lr;
	s5 =	simm.s32 $0xFFFFFFFF;
	p2 =	slt.u32 s8, $0xFFFFF086  }
0x1c: {  	p1 =	slt.u32 s9, $0xF7A;
	s5 =	simm.s32 @!p2 $0x0  }
0x1d: {  	s5 =	simm.s32 @p1 $0x1;
	p0 =	seq.s32 s7, s2  }
0x1e: {  	s7 =	smul.u32 @!p0 $0xF7A, s2;
	p2 =	seq.s32 @!p0 s5, $0x0  }
0x1f: {  	s9 =	smul.u32 $0xF7A, s1;
	s8 =	simm.s32 @!p0 $0x1BF5;
	p2 =	por !p2, p0  }
0x20: {  	[sflag:s8] =	ssyncset.s32 @!p0 $0xFFFFF086;
	s6 =	sadd.s32 @!p0 s3, s7;
	s7 =	simm.s32 @!p0 $0x108  }
0x21: {  	s3 =	sadd.s32 s3, s9;
	s6 =	sadd.s32 @!p0 $0x88, s6;
	s7 =	simm.s32 @p2 $0x1082  }
0x22: {  	[simem:s7], [sflag:s8] =	dma.local @!p0 [hbm:s6], $0xF7A  }
0x23: {  	s9 =	sor.u32 $0xD0000000, s2;
	s6 =	simm.s32 $0x108;
	_ =	swait.ge @!p0 [sflag:s8], $0x0  }
0x24: {  	s3 =	sadd.s32 $0x88, s3;
	s6 =	simm.s32 @!p1 $0x1082;
	[sflag:s4] =	ssyncset.s32 $0xFFFFF086  }
0x25: {  	[simem:s6], [sflag:s4] =	dma.local [hbm:s3], $0xF7A  }
0x26: {  	[smem:$0x3F95] =	sst s1;
	(tag) =	ssettag s2;
	_ =	strace s9  }
0x27: {  	s1 =	sld [smem:$0x3FA5]  }
0x28: {  	s2 =	sld [smem:$0x3FA6]  }
0x29: {  	s4 =	sld [smem:$0x3FA8]  }
0x2a: {  	p0 =	seq.s32 s5, $0x0;
	s5 =	sld [smem:$0x3FA9]  }
0x2b: {  	s6 =	sld [smem:$0x3FAA]  }
0x2c: {  	s7 =	sld [smem:$0x3FAB]  }
0x2d: {  	s3 =	simm.s32 $0x108;
	s8 =	sld [smem:$0x3FAC]  }
0x2e: {  	s3 =	simm.s32 @!p0 $0x1082;
	s9 =	sld [smem:$0x3FAD]  }
0x2f: {  	lr =	sadd.s32 s0, s3;
	s0 =	sld [smem:$0x3FA4]  }
0x30: {  	s3 =	sld [smem:$0x3FA7]  }
0x31: {  	[smem:$0x3FB0] =	sst s10  }
0x32: {  	s10 =	sld [smem:$0x3FAE];
	_ =	sdelay $0x3  }
0x33: {  	p0 =	seq.s32 s10, $0x1;
	s10 =	sld [smem:$0x3FB0];
	_ =	sdelay $0x3  }
0x34: {  	[smem:$0x3FB0] =	sst s10  }
0x35: {  	s10 =	sld [smem:$0x3FAF];
	_ =	sdelay $0x3  }
0x36: {  	p1 =	seq.s32 s10, $0x1;
	s10 =	sld [smem:$0x3FB0];
	_ =	sdelay $0x3  }
0x37: {  	[smem:$0x3FB0] =	sst s10  }
0x38: {  	s10 =	sld [smem:$0x3FB1]  }
0x39: {  	_ = 	snop;
	(pc) =	sbr.ind lr, $3  }
0x3a: {  	_ = 	snop  }
0x3b: {  	_ = 	snop  }
0x3c: {  	p2 =	seq.s32 s10, $0x1;
	s10 =	sld [smem:$0x3FB0]  }
0x3d: {  	_ =	shalt  }
0x3e: {  	_ =	shalt  }
0x3f: {  	_ =	shalt  }
0x40: {  	_ =	shalt  }
0x41: {  	_ =	shalt  }
0x42: {  	_ =	shalt  }
0x43: {  	_ =	shalt  }
0x44: {  	_ =	shalt  }
0x45: {  	_ =	shalt  }
0x46: {  	_ =	shalt  }
0x47: {  	_ =	shalt  }
0x48: {  	_ =	shalt  }
0x49: {  	_ =	shalt  }
0x4a: {  	_ =	shalt  }
0x4b: {  	_ =	shalt  }
0x4c: {  	_ =	shalt  }
0x4d: {  	_ =	shalt  }
0x4e: {  	_ =	shalt  }
0x4f: {  	_ =	shalt  }
0x50: {  	_ =	shalt  }
0x51: {  	_ =	shalt  }
0x52: {  	_ =	shalt  }
0x53: {  	_ =	shalt  }
0x54: {  	_ =	shalt  }
0x55: {  	_ =	shalt  }
0x56: {  	_ =	shalt  }
0x57: {  	_ =	shalt  }
0x58: {  	_ =	shalt  }
0x59: {  	_ =	shalt  }
0x5a: {  	_ =	shalt  }
0x5b: {  	_ =	shalt  }
0x5c: {  	_ =	shalt  }
0x5d: {  	_ =	shalt  }
0x5e: {  	_ =	shalt  }
0x5f: {  	_ =	shalt  }
0x60: {  	_ =	shalt  }
0x61: {  	_ =	shalt  }
0x62: {  	_ =	shalt  }
0x63: {  	_ =	shalt  }
0x64: {  	_ =	shalt  }
0x65: {  	_ =	shalt  }
0x66: {  	_ =	shalt  }
0x67: {  	_ =	shalt  }
0x68: {  	_ =	shalt  }
0x69: {  	_ =	shalt  }
0x6a: {  	_ =	shalt  }
0x6b: {  	_ =	shalt  }
0x6c: {  	_ =	shalt  }
0x6d: {  	_ =	shalt  }
0x6e: {  	_ =	shalt  }
0x6f: {  	_ =	shalt  }
0x70: {  	_ =	shalt  }
0x71: {  	_ =	shalt  }
0x72: {  	_ =	shalt  }
0x73: {  	_ =	shalt  }
0x74: {  	_ =	shalt  }
0x75: {  	_ =	shalt  }
0x76: {  	_ =	shalt  }
0x77: {  	_ =	shalt  }
0x78: {  	_ =	shalt  }
0x79: {  	_ =	shalt  }
0x7a: {  	_ =	shalt  }
0x7b: {  	_ =	shalt  }
0x7c: {  	_ =	shalt  }
0x7d: {  	_ =	shalt  }
0x7e: {  	_ =	shalt  }
0x7f: {  	_ =	shalt  }
0x80: {  	_ =	shalt  }
0x81: {  	_ =	shalt  }
0x82: {  	_ =	shalt  }
0x83: {  	_ =	shalt  }
0x84: {  	_ =	shalt  }
0x85: {  	_ =	shalt  }
0x86: {  	_ =	shalt  }
0x87: {  	_ =	shalt  }
.Lfunc_end0:
.L_simem_size_0:
called_computation.2_lowered:
.L_overlay_start_0:
0x88: {  	s2 =	sld [smem:$0x3FD9]  }
0x89: {  	s3 =	sld [smem:$0x3FFE];
	_ =	sdelay $0x1  }
0x8a: {  	s1 =	srdreg.scid  }
0x8b: {  	s0 =	sand.u32 $0x1, s1  }
0x8c: {  	s17 =	sshll.u32 s0, $0xA;
	s2 =	sadd.s32 s3, s2  }
0x8d: {  	s2 =	sadd.s32 s2, s17  }
0x8e: {  	[smem:$0x3FBC] =	sst s2  }
0x8f: {  	_ = 	snop  }
0x90: {  	s2 =	sld [smem:$0x3FD0];
	(tm) =	ssettm $0x1  }
0x91: {  	s18 =	sld [smem:$0x3FFB];
	_ =	sdelay $0x3  }
0x92: {  	_ =	strace s18  }
0x93: {  	s3 =	sld [smem:$0x3FFC];
	_ =	sdelay $0x3  }
0x94: {  	_ =	strace s3  }
0x95: {  	s3 =	sld [smem:$0x3FFD];
	_ =	sdelay $0x3  }
0x96: {  	_ =	strace s3  }
0x97: {  	_ =	strace $0x8FFFFFFF  }
0x98: {  	s19 =	sld [smem:$0x3FDB];
	_ =	sdelay $0x1  }
0x99: {  	s4 =	simm.s32 $_scs_section_size  }
0x9a: {  	s5 =	simm.s32 $_size__tile_overlayer_lowered;
	s6 =	simm.s32 $_tile_overlayer_lowered  }
0x9b: {  	s22 =	simm.s32 $0x1BFF;
	s21 =	sshll.u32 s6, $0x1;
	s3 =	sadd.s32 s4, s19  }
0x9c: {  	s7 =	simm.s32 $0x0;
	s20 =	sshll.u32 s5, $0x1;
	s5 =	sadd.s32 s21, s3  }
0x9d: {  	[timem:s7], [sflag:s22] =	dma.local [hbm:s5], s20  }
0x9e: {  	_ =	swait.ge [sflag:s22], s20  }
0x9f: {  	s4 =	ssub.s32 $0x0, s20;
	[sflag:s22] =	ssyncset.done $0x0  }
0xa0: {  	[sflag:s22] =	ssyncadd.s32 s4;
	_ =	sdelay $0x1  }
0xa1: {  	s23 =	simm.s32 $0x1B8B  }
0xa2: {  	_ =	swait.ge [sflag:s23], $0x1  }
0xa3: {  	[sflag:s23] =	ssyncset.done $0x0  }
0xa4: {  	s25 =	simm.s32 $0x1B8E;
	s24 =	sld [smem:$0x3FFE];
	[sflag:s23] =	ssyncadd.s32 $0xFFFFFFFF  }
0xa5: {  	s26 =	simm.s32 $execute0_lowered;
	[smem:$0x3FD2] =	sst s25  }
0xa6: {  	s5 =	sshll.u32 s26, $0x1;
	_ =	strace $0x8000004C;
	[dreg:$0x1] =	wrdreg $0xFFFFFFFF  }
0xa7: {  	s28 =	simm.s32 $_size_execute0_lowered;
	s3 =	sadd.s32 s3, s5;
	[dreg:$0x0] =	wrdreg $0x0  }
0xa8: {  	s5 =	sshll.u32 s28, $0x1;
	[dreg:$0x2] =	wrdreg s3  }
0xa9: {  	[dreg:$0x3] =	wrdreg s5  }
0xaa: {  	[dreg:$0x4] =	wrdreg $0xC0  }
0xab: {  	_ =	task [dreg:s7], $0x5FFFF  }
0xac: {  	[dreg:$0x1] =	wrdreg $0xFFFFFFFF  }
0xad: {  	[dreg:$0x0] =	wrdreg $0x60  }
0xae: {  	[dreg:$0x2] =	wrdreg s24  }
0xaf: {  	[dreg:$0x3] =	wrdreg s2  }
0xb0: {  	[dreg:$0x4] =	wrdreg $0xA0500  }
0xb1: {  	[dreg:$0x5] =	wrdreg $0x9  }
0xb2: {  	_ =	task.clear_ibuf [dreg:s7], $0x6FFFF;
	_ =	strace $0x9000004C  }
0xb3: {  	s29 =	simm.s32 $0x9;
	_ =	strace $0x8000004E  }
0xb4: {  	_ =	swait.ge [sflag:s29], $0x1  }
0xb5: {  	[sflag:s29] =	ssyncadd.s32 $0xFFFFFFFF  }
0xb6: {  	_ =	strace $0x9000004E  }
0xb7: {  	_ =	sfence  }
0xb8: {  	s30 =	sld [smem:$0x0];
	_ =	sdelay $0x2  }
0xb9: {  	s31 =	sshll.u32 s1, $0xD;
	s1 =	sshrl.u32 s1, $0x2  }
0xba: {  	s3 =	sand.u32 $0x4000, s31;
	s1 =	sadd.s32 s1, s30  }
0xbb: {  	s0 =	sor.u32 s3, s0;
	s1 =	sshll.u32 s1, $0x11  }
0xbc: {  	s0 =	sor.u32 s1, s0  }
0xbd: {  	s0 =	sadd.s32 $0x8F2B, s0  }
0xbe: {  	[sflag:s0] =	ssyncadd.remote.s32 $0x1  }
0xbf: {  	_ =	sfence.sel $0xFFFF  }
0xc0: {  	[dreg:$0x0] =	wrdreg $0xFFFFFFFF;
	(pc) =	sbr.abs _section_cstart, $3  }
0xc1: {  	[dreg:$0x1] =	wrdreg $0xFFFFFFFF  }
0xc2: {  	_ =	task.clear_ibuf [dreg:s7], $0x2FFFF;
	_ =	strace $0x9FFFFFFF  }
0xc3: {  	(tm) =	ssettm $0x7FFFFFFF  }
tec
execute0_lowered:
.L_overlay_start_1:
0x0: {  	(tag) =	ssettag $0x1  }
0x1: {  	s6 =	rddreg [dreg:$0x0]  }
0x2: {  	s9 =	rddreg [dreg:$0x1];
	s1 =	srdreg.scid  }
0x3: {  	s0 =	stileid.u32;
	s2 =	rddreg [dreg:$0x2];
	s3 =	simm.s32 $0x0  }
0x4: {  	s13 =	simm.s32 $0x5000;
	s14 =	simm.s32 $0x7800;
	s17 =	simm.s32 $0x50  }
0x5: {  	s18 =	simm.s32 $0xA000;
	s5 =	sand.u32 $0x1, s1;
	s1 =	rddreg [dreg:$0x3]  }
0x6: {  	s19 =	simm.s32 $0x0;
	s4 =	sshll.u32 s0, $0x1;
	[smem:$0x7FF] =	sst s3  }
0x7: {  	s10 =	smul.u32 $0x280, s0;
	s15 =	sshll.u32 s0, $0x6;
	s4 =	sor.u32 s5, s4  }
0x8: {  	_ =	strace $0x8000004D;
	s8 =	ssub.s32 $0x2, s5;
	s12 =	smul.u32 $0x2800, s5  }
0x9: {  	s5 =	sadd.s32 $0xA000, s6;
	s15 =	sor.u32 $0x1C01, s15;
	s7 =	smul.u32 $0x500, s4  }
0xa: {  	s4 =	sadd.s32 $0x14600, s6;
	s11 =	sshrl.u32 s8, $0x1;
	s30 =	sshrl.u32 s10, $0x3  }
0xb: {  	s16 =	sadd.s32 s10, s2;
	s11 =	ssub.s32 s8, s11;
	s12 =	sadd.s32 s10, s12  }
0xc: {  	v0 =	vlaneseq.u32;
	s8 =	sadd.s32 s5, s30;
	s16 =	sshrl.u32 s16, $0x3;
	s6 =	sadd.s32 s6, s7  }
0xd: {  	v1 =	vor.u32 $0x10, v0;
	s31 =	sshrl.u32 s12, $0x3;
	s10 =	smax.u32 s11, $0x1;
	s11 =	simm.s32 $0x1  }
0xe: {  	v2 =	vor.u32 $0x20, v0;
	v3 =	vor.u32 $0x30, v0;
	v4 =	vor.u32 $0x40, v0;
	s12 =	simm.s32 $0x2800;
	s7 =	sadd.s32 $0xA600, s6;
	s9 =	sadd.s32 s9, s31  }
.LBB2_1:
0xf: {  	[tilespmem:s3], [sflag:$0x1] =	stream.linear.gather [hbm4b:s7+s3], $0x2800, $0x38;
	[tilespmem:$0xA2D0] =	vst v63  }
0x10: {  	_ =	swait.ge [sflag:s11], $0x2800  }
0x11: {  	[sflag:s11] =	ssyncset.done $0x0  }
0x12: {  	[sflag:s11] =	ssyncadd.s32 $0xFFFFD800  }
0x13: {  	[tilespmem:s12], [sflag:$0x1] =	stream.linear.gather [hbm4b:s6+s3], $0x2800, $0x38;
	[tilespmem:$0xA2D0] =	vst v63  }
0x14: {  	_ =	swait.ge [sflag:s11], $0x2800  }
0x15: {  	[sflag:s11] =	ssyncset.done $0x0  }
0x16: {  	[sflag:s11] =	ssyncadd.s32 $0xFFFFD800  }
0x17: {  	[tilespmem:s13], [sflag:$0x1] =	stream.linear.gather [hbm4b:s4+s3], $0x2800, $0x38;
	[tilespmem:$0xA2D0] =	vst v63  }
0x18: {  	_ =	swait.ge [sflag:s11], $0x2800  }
0x19: {  	[sflag:s11] =	ssyncset.done $0x0  }
0x1a: {  	[sflag:s11] =	ssyncadd.s32 $0xFFFFD800  }
0x1b: {  	[tilespmem:s14], [sflag:$0x1] =	stream.linear.gather [hbm4b:s5+s3], $0x2800, $0x38;
	[tilespmem:$0xA2D0] =	vst v63  }
0x1c: {  	_ =	swait.ge [sflag:s11], $0x2800  }
0x1d: {  	[sflag:s11] =	ssyncset.done $0x0  }
0x1e: {  	[sflag:s11] =	ssyncadd.s32 $0xFFFFD800  }
0x1f: {  	[spmem:s16], [sflag:s15] =	dma.local [hbm:s8], $0x50  }
0x20: {  	_ =	swait.ge [sflag:s11], $0x50  }
0x21: {  	[sflag:s11] =	ssyncset.done $0x0  }
0x22: {  	[sflag:s11] =	ssyncadd.s32 $0xFFFFFFB0  }
0x23: {  	[tilespmem:$0xA000] =	vst v0  }
0x24: {  	[tilespmem:$0xA010] =	vst v1  }
0x25: {  	[tilespmem:$0xA020] =	vst v2  }
0x26: {  	[tilespmem:$0xA030] =	vst v3  }
0x27: {  	s21 =	simm.s32 $0x0;
	s20 =	simm.s32 $0x40;
	[tilespmem:$0xA040] =	vst v4  }
.LBB2_2:
0x28: {  	p0 =	sne.s32 s20, $0x9FC0;
	v5 =	vld [tilespmem:s21+$0x0];
	_ =	sdelay $0x5  }
0x29: {  	v6 =	vld [tilespmem:s21+$0x2800];
	_ =	sdelay $0x1  }
0x2a: {  	v5 =	vld.idx.msk [tilespmem:v5+s13+$0x0], $0xffff;
	_ =	sdelay $0x1  }
.Ltmp0:
0x2b: {  	(pc) =	sbr.rel @p0 .LBB2_2-.Ltmp0, $2  }
0x2c: {  	_ =	sdelay $0x2  }
0x2d: {  	s21 =	sshra.s32 s20, $0x2;
	s20 =	sadd.s32 $0x40, s20;
	[tilespmem:v6+s14+$0x0] =	vst.idx.add.f32.msk $0xffff, v5  }
0x2e: {  	v5 =	vld [tilespmem:s21+$0x0];
	_ =	sdelay $0x4  }
0x2f: {  	v6 =	vld [tilespmem:s21+$0x2800];
	_ =	sdelay $0x2  }
0x30: {  	v5 =	vld.idx.msk [tilespmem:v5+s13+$0x0], $0xffff;
	_ =	sdelay $0x4  }
0x31: {  	[tilespmem:v6+s14+$0x0] =	vst.idx.add.f32.msk $0xffff, v5  }
0x32: {  	[bflag:$0x0] =	sbarrier.arrive $0xFFFF  }
0x33: {  	[spmem:s2] =	stream.indirect.scatter.add.f32 [tilespmem:s14], [sflag:$0x1], $0x80, s18, s17, $0xb8;
	[tilespmem:$0xA2D0] =	vst v63  }
0x34: {  	_ =	swait.ge [sflag:s11], $0x2800  }
0x35: {  	s19 =	sadd.s32 $0x1, s19;
	[sflag:s11] =	ssyncset.done $0x0  }
0x36: {  	p0 =	sne.s32 s19, s10;
	[sflag:s11] =	ssyncadd.s32 $0xFFFFD800  }
.Ltmp1:
0x37: {  	[bflag:$0x0] =	sbarrier.arrive $0xFFFF;
	(pc) =	sbr.rel @p0 .LBB2_1-.Ltmp1, $4  }
0x38: {  	[hbm:s9], [sflag:s15] =	dma.local [spmem:s16], $0x50  }
0x39: {  	_ =	swait.ge [sflag:s11], $0x50  }
0x3a: {  	[sflag:s11] =	ssyncset.done $0x0  }
0x3b: {  	[sflag:s11] =	ssyncadd.s32 $0xFFFFFFB0  }
0x3c: {  	_ =	sfence.sel $0x180000  }
0x3d: {  	[bflag:$0x0] =	sbarrier.arrive $0xFFFF  }
0x3e: {  	p0 =	sne.s32 s0, $0x0;
	_ =	strace $0x9000004D  }
0x3f: {  	s0 =	sadd.s32 @!p0 $0x100000, s1;
	[bflag:$0x2] =	sbarrier.arrive $0xFFFF  }
0x40: {  	[sflag:s0] =	ssyncadd.tile.s32 @!p0 $0x1;
	_ =	shalt  }
.Lfunc_end2:
_tile_overlayer_lowered:
.L_overlay_start_2:
0x41: {  	(tag) =	ssettag $0x2  }
0x42: {  	s0 =	rddreg [dreg:$0x0];
	s2 =	stileid.u32  }
0x43: {  	s1 =	rddreg [dreg:$0x1];
	p0 =	sne.s32 s2, $0x0  }
0x44: {  	s3 =	rddreg [dreg:$0x2];
	[bflag:$0x3] =	sbarrier.arrive $0xFFFF;
	s2 =	simm.s32 @!p0 $0x1C01  }
0x45: {  	[timem:s3], [sflag:s2] =	dma.local @!p0 [hbm:s0], s1  }
0x46: {  	s0 =	simm.s32 @!p0 $0x1  }
0x47: {  	_ =	swait.ge @!p0 [sflag:s0], s1  }
0x48: {  	s1 =	ssub.s32 @!p0 $0x0, s1;
	[sflag:s0] =	ssyncset.done @!p0 $0x0  }
0x49: {  	[sflag:s0] =	ssyncadd.s32 @!p0 s1  }
0x4a: {  	[bflag:$0x3] =	sbarrier.arrive $0xFFFF  }
0x4b: {  	_ =	shalt  }

// kernel: kernel.20.cloned.1.call-start
scs
__scs_entry_jumppad:
0x0: {  	(pc) =	sbr.rel $0x88, $3  }
0x1: {  	(tag) =	ssettag $0x0;
	lr =	simm.s32 $0x1  }
0x2: {  	[smem:$0x3F95] =	sst lr;
	_ =	strace $0xD0000000  }
0x3: {  	_ = 	snop  }
0x4: {  	_ = 	snop  }
0x5: {  	_ = 	snop  }
0x6: {  	_ = 	snop  }
0x7: {  	_ = 	snop  }
__scs_overlays_trampoline_lowered:
0x8: {  	[smem:$0x3FA4] =	sst s0  }
0x9: {  	[smem:$0x3FA5] =	sst s1  }
0xa: {  	[smem:$0x3FA6] =	sst s2  }
0xb: {  	[smem:$0x3FA7] =	sst s3  }
0xc: {  	[smem:$0x3FA8] =	sst s4  }
0xd: {  	[smem:$0x3FA9] =	sst s5  }
0xe: {  	[smem:$0x3FAA] =	sst s6  }
0xf: {  	[smem:$0x3FAB] =	sst s7  }
0x10: {  	[smem:$0x3FAC] =	sst s8  }
0x11: {  	[smem:$0x3FAD] =	sst s9;
	s0 =	simm.s32 @!p0 $0x0  }
0x12: {  	s1 =	sld [smem:$0x3F93];
	s0 =	simm.s32 @p0 $0x1  }
0x13: {  	[smem:$0x3FAE] =	sst s0;
	s0 =	simm.s32 @!p1 $0x0  }
0x14: {  	s2 =	sld [smem:$0x3F92];
	s0 =	simm.s32 @p1 $0x1  }
0x15: {  	[smem:$0x3FAF] =	sst s0;
	s0 =	simm.s32 @!p2 $0x0  }
0x16: {  	s3 =	sld [smem:$0x3FDB];
	s0 =	simm.s32 @p2 $0x1  }
0x17: {  	s4 =	simm.s32 $0x1BF5;
	[smem:$0x3FB1] =	sst s0  }
0x18: {  	s0 =	sld [smem:$0x3F94];
	_ =	swait.ge [sflag:s4], $0x0  }
0x19: {  	s7 =	sld [smem:$0x3F95]  }
0x1a: {  	s8 =	sadd.s32 $0xFFFFE003, lr  }
0x1b: {  	s9 =	sadd.s32 $0xFFFFFEF7, lr;
	s5 =	simm.s32 $0xFFFFFFFF;
	p2 =	slt.u32 s8, $0xFFFFF086  }
0x1c: {  	p1 =	slt.u32 s9, $0xF7A;
	s5 =	simm.s32 @!p2 $0x0  }
0x1d: {  	s5 =	simm.s32 @p1 $0x1;
	p0 =	seq.s32 s7, s2  }
0x1e: {  	s7 =	smul.u32 @!p0 $0xF7A, s2;
	p2 =	seq.s32 @!p0 s5, $0x0  }
0x1f: {  	s9 =	smul.u32 $0xF7A, s1;
	s8 =	simm.s32 @!p0 $0x1BF5;
	p2 =	por !p2, p0  }
0x20: {  	[sflag:s8] =	ssyncset.s32 @!p0 $0xFFFFF086;
	s6 =	sadd.s32 @!p0 s3, s7;
	s7 =	simm.s32 @!p0 $0x108  }
0x21: {  	s3 =	sadd.s32 s3, s9;
	s6 =	sadd.s32 @!p0 $0x88, s6;
	s7 =	simm.s32 @p2 $0x1082  }
0x22: {  	[simem:s7], [sflag:s8] =	dma.local @!p0 [hbm:s6], $0xF7A  }
0x23: {  	s9 =	sor.u32 $0xD0000000, s2;
	s6 =	simm.s32 $0x108;
	_ =	swait.ge @!p0 [sflag:s8], $0x0  }
0x24: {  	s3 =	sadd.s32 $0x88, s3;
	s6 =	simm.s32 @!p1 $0x1082;
	[sflag:s4] =	ssyncset.s32 $0xFFFFF086  }
0x25: {  	[simem:s6], [sflag:s4] =	dma.local [hbm:s3], $0xF7A  }
0x26: {  	[smem:$0x3F95] =	sst s1;
	(tag) =	ssettag s2;
	_ =	strace s9  }
0x27: {  	s1 =	sld [smem:$0x3FA5]  }
0x28: {  	s2 =	sld [smem:$0x3FA6]  }
0x29: {  	s4 =	sld [smem:$0x3FA8]  }
0x2a: {  	p0 =	seq.s32 s5, $0x0;
	s5 =	sld [smem:$0x3FA9]  }
0x2b: {  	s6 =	sld [smem:$0x3FAA]  }
0x2c: {  	s7 =	sld [smem:$0x3FAB]  }
0x2d: {  	s3 =	simm.s32 $0x108;
	s8 =	sld [smem:$0x3FAC]  }
0x2e: {  	s3 =	simm.s32 @!p0 $0x1082;
	s9 =	sld [smem:$0x3FAD]  }
0x2f: {  	lr =	sadd.s32 s0, s3;
	s0 =	sld [smem:$0x3FA4]  }
0x30: {  	s3 =	sld [smem:$0x3FA7]  }
0x31: {  	[smem:$0x3FB0] =	sst s10  }
0x32: {  	s10 =	sld [smem:$0x3FAE];
	_ =	sdelay $0x3  }
0x33: {  	p0 =	seq.s32 s10, $0x1;
	s10 =	sld [smem:$0x3FB0];
	_ =	sdelay $0x3  }
0x34: {  	[smem:$0x3FB0] =	sst s10  }
0x35: {  	s10 =	sld [smem:$0x3FAF];
	_ =	sdelay $0x3  }
0x36: {  	p1 =	seq.s32 s10, $0x1;
	s10 =	sld [smem:$0x3FB0];
	_ =	sdelay $0x3  }
0x37: {  	[smem:$0x3FB0] =	sst s10  }
0x38: {  	s10 =	sld [smem:$0x3FB1]  }
0x39: {  	_ = 	snop;
	(pc) =	sbr.ind lr, $3  }
0x3a: {  	_ = 	snop  }
0x3b: {  	_ = 	snop  }
0x3c: {  	p2 =	seq.s32 s10, $0x1;
	s10 =	sld [smem:$0x3FB0]  }
0x3d: {  	_ =	shalt  }
0x3e: {  	_ =	shalt  }
0x3f: {  	_ =	shalt  }
0x40: {  	_ =	shalt  }
0x41: {  	_ =	shalt  }
0x42: {  	_ =	shalt  }
0x43: {  	_ =	shalt  }
0x44: {  	_ =	shalt  }
0x45: {  	_ =	shalt  }
0x46: {  	_ =	shalt  }
0x47: {  	_ =	shalt  }
0x48: {  	_ =	shalt  }
0x49: {  	_ =	shalt  }
0x4a: {  	_ =	shalt  }
0x4b: {  	_ =	shalt  }
0x4c: {  	_ =	shalt  }
0x4d: {  	_ =	shalt  }
0x4e: {  	_ =	shalt  }
0x4f: {  	_ =	shalt  }
0x50: {  	_ =	shalt  }
0x51: {  	_ =	shalt  }
0x52: {  	_ =	shalt  }
0x53: {  	_ =	shalt  }
0x54: {  	_ =	shalt  }
0x55: {  	_ =	shalt  }
0x56: {  	_ =	shalt  }
0x57: {  	_ =	shalt  }
0x58: {  	_ =	shalt  }
0x59: {  	_ =	shalt  }
0x5a: {  	_ =	shalt  }
0x5b: {  	_ =	shalt  }
0x5c: {  	_ =	shalt  }
0x5d: {  	_ =	shalt  }
0x5e: {  	_ =	shalt  }
0x5f: {  	_ =	shalt  }
0x60: {  	_ =	shalt  }
0x61: {  	_ =	shalt  }
0x62: {  	_ =	shalt  }
0x63: {  	_ =	shalt  }
0x64: {  	_ =	shalt  }
0x65: {  	_ =	shalt  }
0x66: {  	_ =	shalt  }
0x67: {  	_ =	shalt  }
0x68: {  	_ =	shalt  }
0x69: {  	_ =	shalt  }
0x6a: {  	_ =	shalt  }
0x6b: {  	_ =	shalt  }
0x6c: {  	_ =	shalt  }
0x6d: {  	_ =	shalt  }
0x6e: {  	_ =	shalt  }
0x6f: {  	_ =	shalt  }
0x70: {  	_ =	shalt  }
0x71: {  	_ =	shalt  }
0x72: {  	_ =	shalt  }
0x73: {  	_ =	shalt  }
0x74: {  	_ =	shalt  }
0x75: {  	_ =	shalt  }
0x76: {  	_ =	shalt  }
0x77: {  	_ =	shalt  }
0x78: {  	_ =	shalt  }
0x79: {  	_ =	shalt  }
0x7a: {  	_ =	shalt  }
0x7b: {  	_ =	shalt  }
0x7c: {  	_ =	shalt  }
0x7d: {  	_ =	shalt  }
0x7e: {  	_ =	shalt  }
0x7f: {  	_ =	shalt  }
0x80: {  	_ =	shalt  }
0x81: {  	_ =	shalt  }
0x82: {  	_ =	shalt  }
0x83: {  	_ =	shalt  }
0x84: {  	_ =	shalt  }
0x85: {  	_ =	shalt  }
0x86: {  	_ =	shalt  }
0x87: {  	_ =	shalt  }
.Lfunc_end0:
.L_simem_size_0:
called_computation.3_lowered:
.L_overlay_start_0:
0x88: {  	s2 =	sld [smem:$0x3FD9]  }
0x89: {  	s3 =	sld [smem:$0x3FFE];
	_ =	sdelay $0x1  }
0x8a: {  	s1 =	srdreg.scid  }
0x8b: {  	s0 =	sand.u32 $0x1, s1  }
0x8c: {  	s17 =	sshll.u32 s0, $0xA;
	s2 =	sadd.s32 s3, s2  }
0x8d: {  	s2 =	sadd.s32 s2, s17  }
0x8e: {  	[smem:$0x3FBC] =	sst s2  }
0x8f: {  	_ = 	snop  }
0x90: {  	s2 =	sld [smem:$0x3FD0];
	(tm) =	ssettm $0x1  }
0x91: {  	s18 =	sld [smem:$0x3FFB];
	_ =	sdelay $0x3  }
0x92: {  	_ =	strace s18  }
0x93: {  	s3 =	sld [smem:$0x3FFC];
	_ =	sdelay $0x3  }
0x94: {  	_ =	strace s3  }
0x95: {  	s3 =	sld [smem:$0x3FFD];
	_ =	sdelay $0x3  }
0x96: {  	_ =	strace s3  }
0x97: {  	_ =	strace $0x8FFFFFFF  }
0x98: {  	s19 =	sld [smem:$0x3FDB];
	_ =	sdelay $0x1  }
0x99: {  	s4 =	simm.s32 $_scs_section_size  }
0x9a: {  	s5 =	simm.s32 $_size__tile_overlayer_lowered;
	s6 =	simm.s32 $_tile_overlayer_lowered  }
0x9b: {  	s22 =	simm.s32 $0x1BFF;
	s21 =	sshll.u32 s6, $0x1;
	s3 =	sadd.s32 s4, s19  }
0x9c: {  	s7 =	simm.s32 $0x0;
	s20 =	sshll.u32 s5, $0x1;
	s5 =	sadd.s32 s21, s3  }
0x9d: {  	[timem:s7], [sflag:s22] =	dma.local [hbm:s5], s20  }
0x9e: {  	_ =	swait.ge [sflag:s22], s20  }
0x9f: {  	s4 =	ssub.s32 $0x0, s20;
	[sflag:s22] =	ssyncset.done $0x0  }
0xa0: {  	[sflag:s22] =	ssyncadd.s32 s4;
	_ =	sdelay $0x1  }
0xa1: {  	s23 =	simm.s32 $0x1B8B  }
0xa2: {  	_ =	swait.ge [sflag:s23], $0x1  }
0xa3: {  	[sflag:s23] =	ssyncset.done $0x0  }
0xa4: {  	s25 =	simm.s32 $0x1B8E;
	s24 =	sld [smem:$0x3FFE];
	[sflag:s23] =	ssyncadd.s32 $0xFFFFFFFF  }
0xa5: {  	s26 =	simm.s32 $execute0_lowered;
	[smem:$0x3FD2] =	sst s25  }
0xa6: {  	s5 =	sshll.u32 s26, $0x1;
	_ =	strace $0x8000004F;
	[dreg:$0x1] =	wrdreg $0xFFFFFFFF  }
0xa7: {  	s28 =	simm.s32 $_size_execute0_lowered;
	s3 =	sadd.s32 s3, s5;
	[dreg:$0x0] =	wrdreg $0x0  }
0xa8: {  	s5 =	sshll.u32 s28, $0x1;
	[dreg:$0x2] =	wrdreg s3  }
0xa9: {  	[dreg:$0x3] =	wrdreg s5  }
0xaa: {  	[dreg:$0x4] =	wrdreg $0xC0  }
0xab: {  	_ =	task [dreg:s7], $0x5FFFF  }
0xac: {  	[dreg:$0x1] =	wrdreg $0xFFFFFFFF  }
0xad: {  	[dreg:$0x0] =	wrdreg $0x60  }
0xae: {  	[dreg:$0x2] =	wrdreg s24  }
0xaf: {  	[dreg:$0x3] =	wrdreg s2  }
0xb0: {  	[dreg:$0x4] =	wrdreg $0x140000  }
0xb1: {  	[dreg:$0x5] =	wrdreg $0x9  }
0xb2: {  	_ =	task.clear_ibuf [dreg:s7], $0x6FFFF;
	_ =	strace $0x9000004F  }
0xb3: {  	s29 =	simm.s32 $0x9;
	_ =	strace $0x80000051  }
0xb4: {  	_ =	swait.ge [sflag:s29], $0x1  }
0xb5: {  	[sflag:s29] =	ssyncadd.s32 $0xFFFFFFFF  }
0xb6: {  	_ =	strace $0x90000051  }
0xb7: {  	_ =	sfence  }
0xb8: {  	s30 =	sld [smem:$0x0];
	_ =	sdelay $0x2  }
0xb9: {  	s31 =	sshll.u32 s1, $0xD;
	s1 =	sshrl.u32 s1, $0x2  }
0xba: {  	s3 =	sand.u32 $0x4000, s31;
	s1 =	sadd.s32 s1, s30  }
0xbb: {  	s0 =	sor.u32 s3, s0;
	s1 =	sshll.u32 s1, $0x11  }
0xbc: {  	s0 =	sor.u32 s1, s0  }
0xbd: {  	s0 =	sadd.s32 $0x8F2B, s0  }
0xbe: {  	[sflag:s0] =	ssyncadd.remote.s32 $0x1  }
0xbf: {  	_ =	sfence.sel $0xFFFF  }
0xc0: {  	[dreg:$0x0] =	wrdreg $0xFFFFFFFF;
	(pc) =	sbr.abs _section_cstart, $3  }
0xc1: {  	[dreg:$0x1] =	wrdreg $0xFFFFFFFF  }
0xc2: {  	_ =	task.clear_ibuf [dreg:s7], $0x2FFFF;
	_ =	strace $0x9FFFFFFF  }
0xc3: {  	(tm) =	ssettm $0x7FFFFFFF  }
tec
execute0_lowered:
.L_overlay_start_1:
0x0: {  	(tag) =	ssettag $0x1  }
0x1: {  	s4 =	rddreg [dreg:$0x0]  }
0x2: {  	s8 =	rddreg [dreg:$0x1]  }
0x3: {  	s2 =	rddreg [dreg:$0x2]  }
0x4: {  	s0 =	rddreg [dreg:$0x3]  }
0x5: {  	s1 =	stileid.u32;
	s5 =	srdreg.scid;
	s3 =	simm.s32 $0x0  }
0x6: {  	s14 =	simm.s32 $0x80;
	s15 =	simm.s32 $0xA000;
	s16 =	simm.s32 $0xC000  }
0x7: {  	s17 =	simm.s32 $0xE000;
	s18 =	simm.s32 $0x10000;
	s19 =	simm.s32 $0x12000  }
0x8: {  	s20 =	simm.s32 $0x1;
	s21 =	simm.s32 $0x2;
	s6 =	smul.u32 $0xA000, s1  }
0x9: {  	s22 =	simm.s32 $0x0;
	s5 =	sand.u32 $0x1, s5;
	s12 =	smul.u32 $0xA00, s1  }
0xa: {  	[smem:$0x7FF] =	sst s3;
	s30 =	sshll.u32 s1, $0x6;
	s7 =	smul.u32 $0xA0000, s5  }
0xb: {  	_ =	strace $0x80000050;
	s10 =	ssub.s32 $0x2, s5;
	s31 =	smul.u32 $0x13880, s5  }
0xc: {  	s9 =	sshrl.u32 s6, $0x3;
	s11 =	sshrl.u32 s10, $0x1;
	s29 =	sadd.s32 s6, s2  }
0xd: {  	s9 =	sadd.s32 s9, s4;
	s7 =	sadd.s32 s6, s7;
	s10 =	ssub.s32 s10, s11  }
0xe: {  	s6 =	sor.u32 $0x1C03, s30;
	s8 =	sadd.s32 s8, s31;
	s11 =	sshrl.u32 s29, $0x3  }
0xf: {  	s7 =	sshrl.u32 s7, $0x3;
	s5 =	sadd.s32 $0x14600, s9;
	s10 =	smax.u32 s10, $0x1  }
0x10: {  	s13 =	sadd.s32 s7, s4;
	s4 =	sadd.s32 s4, s12;
	s12 =	simm.s32 $0x3  }
0x11: {  	s7 =	sadd.s32 $0xA600, s4;
	s9 =	sadd.s32 $0x28600, s13;
	s13 =	simm.s32 $0x5000  }
.LBB2_1:
0x12: {  	[spmem:s11], [sflag:s6] =	dma.local [hbm:s5], $0x1400  }
0x13: {  	_ =	swait.ge [sflag:s12], $0x1400  }
0x14: {  	[sflag:s12] =	ssyncset.done $0x0  }
0x15: {  	[sflag:s12] =	ssyncadd.s32 $0xFFFFEC00  }
0x16: {  	[tilespmem:s3], [sflag:$0x3] =	stream.linear.gather [hbm4b:s7+s3], $0x5000, $0x38;
	[tilespmem:$0x1E000] =	vst v63  }
0x17: {  	_ =	swait.ge [sflag:s12], $0x5000  }
0x18: {  	[sflag:s12] =	ssyncset.done $0x0  }
0x19: {  	[sflag:s12] =	ssyncadd.s32 $0xFFFFB000  }
0x1a: {  	[tilespmem:s13], [sflag:$0x3] =	stream.linear.gather [hbm4b:s4+s3], $0x5000, $0x38;
	[tilespmem:$0x1E000] =	vst v63  }
0x1b: {  	_ =	swait.ge [sflag:s12], $0x5000  }
0x1c: {  	[sflag:s12] =	ssyncset.done $0x0  }
0x1d: {  	[sflag:s12] =	ssyncadd.s32 $0xFFFFB000  }
0x1e: {  	s23 =	simm.s32 $0x0;
	[bflag:$0x0] =	sbarrier.arrive $0xFFFF  }
0x1f: {  	[tilespmem:s15], [sflag:$0x1] =	stream.indirect.gather [hbm4b:s8+s14], $0x40, s23, s14, $0xb8;
	[tilespmem:$0x1E000] =	vst v63  }
0x20: {  	s30 =	simm.s32 $0x80  }
0x21: {  	[tilespmem:s16], [sflag:$0x1] =	stream.indirect.gather [hbm4b:s8+s14], $0x40, s30, s14, $0xb8;
	[tilespmem:$0x1E000] =	vst v63  }
0x22: {  	s31 =	simm.s32 $0x100  }
0x23: {  	[tilespmem:s17], [sflag:$0x1] =	stream.indirect.gather [hbm4b:s8+s14], $0x40, s31, s14, $0xb8;
	[tilespmem:$0x1E000] =	vst v63  }
0x24: {  	s24 =	simm.s32 $0x180  }
0x25: {  	[tilespmem:s18], [sflag:$0x1] =	stream.indirect.gather [hbm4b:s8+s14], $0x40, s24, s14, $0xb8;
	[tilespmem:$0x1E000] =	vst v63  }
0x26: {  	s25 =	simm.s32 $0x200  }
0x27: {  	[tilespmem:s19], [sflag:$0x1] =	stream.indirect.gather [hbm4b:s8+s14], $0x40, s25, s14, $0xb8;
	[tilespmem:$0x1E000] =	vst v63  }
0x28: {  	_ =	swait.ge [sflag:s20], $0x2000  }
0x29: {  	[sflag:s20] =	ssyncset.done $0x0  }
0x2a: {  	s26 =	simm.s32 $0x5000;
	[sflag:s20] =	ssyncadd.s32 $0xFFFFE000  }
0x2b: {  	[spmem:s2] =	stream.indirect.scatter.add.f32 [tilespmem:s15], [sflag:$0x2], $0x40, s26, s14, $0xb8;
	[tilespmem:$0x1E000] =	vst v63  }
0x2c: {  	_ =	swait.ge [sflag:s20], $0x2000  }
0x2d: {  	[sflag:s20] =	ssyncset.done $0x0  }
0x2e: {  	s28 =	simm.s32 $0x5080;
	[sflag:s20] =	ssyncadd.s32 $0xFFFFE000  }
0x2f: {  	[spmem:s2] =	stream.indirect.scatter.add.f32 [tilespmem:s16], [sflag:$0x2], $0x40, s28, s14, $0xb8;
	[tilespmem:$0x1E000] =	vst v63  }
0x30: {  	_ =	swait.ge [sflag:s20], $0x2000  }
0x31: {  	[sflag:s20] =	ssyncset.done $0x0  }
0x32: {  	s29 =	simm.s32 $0x5100;
	[sflag:s20] =	ssyncadd.s32 $0xFFFFE000  }
0x33: {  	[spmem:s2] =	stream.indirect.scatter.add.f32 [tilespmem:s17], [sflag:$0x2], $0x40, s29, s14, $0xb8;
	[tilespmem:$0x1E000] =	vst v63  }
0x34: {  	_ =	swait.ge [sflag:s20], $0x2000  }
0x35: {  	[sflag:s20] =	ssyncset.done $0x0  }
0x36: {  	s30 =	simm.s32 $0x5180;
	[sflag:s20] =	ssyncadd.s32 $0xFFFFE000  }
0x37: {  	[spmem:s2] =	stream.indirect.scatter.add.f32 [tilespmem:s18], [sflag:$0x2], $0x40, s30, s14, $0xb8;
	[tilespmem:$0x1E000] =	vst v63  }
0x38: {  	_ =	swait.ge [sflag:s20], $0x2000  }
0x39: {  	[sflag:s20] =	ssyncset.done $0x0  }
0x3a: {  	s31 =	simm.s32 $0x5200;
	[sflag:s20] =	ssyncadd.s32 $0xFFFFE000  }
0x3b: {  	[spmem:s2] =	stream.indirect.scatter.add.f32 [tilespmem:s19], [sflag:$0x2], $0x40, s31, s14, $0xb8;
	[tilespmem:$0x1E000] =	vst v63  }
0x3c: {  	_ =	swait.ge [sflag:s21], $0x2000  }
0x3d: {  	[sflag:s21] =	ssyncset.done $0x0  }
0x3e: {  	[sflag:s21] =	ssyncadd.s32 $0xFFFFE000  }
0x3f: {  	_ =	swait.ge [sflag:s21], $0x2000  }
0x40: {  	[sflag:s21] =	ssyncset.done $0x0  }
0x41: {  	[sflag:s21] =	ssyncadd.s32 $0xFFFFE000  }
0x42: {  	_ =	swait.ge [sflag:s21], $0x2000  }
0x43: {  	[sflag:s21] =	ssyncset.done $0x0  }
0x44: {  	[sflag:s21] =	ssyncadd.s32 $0xFFFFE000  }
0x45: {  	_ =	swait.ge [sflag:s21], $0x2000  }
0x46: {  	[sflag:s21] =	ssyncset.done $0x0  }
0x47: {  	[sflag:s21] =	ssyncadd.s32 $0xFFFFE000  }
0x48: {  	_ =	swait.ge [sflag:s21], $0x2000  }
0x49: {  	s23 =	simm.s32 $0xA00;
	s26 =	simm.s32 $0x1400;
	[sflag:s21] =	ssyncset.done $0x0  }
.LBB2_2:
0x4a: {  	s25 =	sshra.s32 s23, $0x2  }
0x4b: {  	[sflag:s21] =	ssyncadd.s32 $0xFFFFE000;
	s23 =	smov.u32 s26;
	s24 =	sadd.s32 $0xA00, s26  }
0x4c: {  	[tilespmem:s15], [sflag:$0x1] =	stream.indirect.gather [hbm4b:s8+s14], $0x40, s25, s14, $0xb8;
	[tilespmem:$0x1E000] =	vst v63  }
0x4d: {  	p0 =	sne.s32 s26, $0x13600;
	s26 =	sadd.s32 $0x80, s25  }
0x4e: {  	[tilespmem:s16], [sflag:$0x1] =	stream.indirect.gather [hbm4b:s8+s14], $0x40, s26, s14, $0xb8;
	[tilespmem:$0x1E000] =	vst v63  }
0x4f: {  	s26 =	sadd.s32 $0x100, s25  }
0x50: {  	[tilespmem:s17], [sflag:$0x1] =	stream.indirect.gather [hbm4b:s8+s14], $0x40, s26, s14, $0xb8;
	[tilespmem:$0x1E000] =	vst v63  }
0x51: {  	s26 =	sadd.s32 $0x180, s25  }
0x52: {  	[tilespmem:s18], [sflag:$0x1] =	stream.indirect.gather [hbm4b:s8+s14], $0x40, s26, s14, $0xb8;
	[tilespmem:$0x1E000] =	vst v63  }
0x53: {  	s26 =	sadd.s32 $0x200, s25  }
0x54: {  	[tilespmem:s19], [sflag:$0x1] =	stream.indirect.gather [hbm4b:s8+s14], $0x40, s26, s14, $0xb8;
	[tilespmem:$0x1E000] =	vst v63  }
0x55: {  	_ =	swait.ge [sflag:s20], $0x2000  }
0x56: {  	[sflag:s20] =	ssyncset.done $0x0  }
0x57: {  	s26 =	sadd.s32 $0x5000, s25;
	[sflag:s20] =	ssyncadd.s32 $0xFFFFE000  }
0x58: {  	[spmem:s2] =	stream.indirect.scatter.add.f32 [tilespmem:s15], [sflag:$0x2], $0x40, s26, s14, $0xb8;
	[tilespmem:$0x1E000] =	vst v63  }
0x59: {  	_ =	swait.ge [sflag:s20], $0x2000  }
0x5a: {  	[sflag:s20] =	ssyncset.done $0x0  }
0x5b: {  	s26 =	sadd.s32 $0x5080, s25;
	[sflag:s20] =	ssyncadd.s32 $0xFFFFE000  }
0x5c: {  	[spmem:s2] =	stream.indirect.scatter.add.f32 [tilespmem:s16], [sflag:$0x2], $0x40, s26, s14, $0xb8;
	[tilespmem:$0x1E000] =	vst v63  }
0x5d: {  	_ =	swait.ge [sflag:s20], $0x2000  }
0x5e: {  	[sflag:s20] =	ssyncset.done $0x0  }
0x5f: {  	s26 =	sadd.s32 $0x5100, s25;
	[sflag:s20] =	ssyncadd.s32 $0xFFFFE000  }
0x60: {  	[spmem:s2] =	stream.indirect.scatter.add.f32 [tilespmem:s17], [sflag:$0x2], $0x40, s26, s14, $0xb8;
	[tilespmem:$0x1E000] =	vst v63  }
0x61: {  	_ =	swait.ge [sflag:s20], $0x2000  }
0x62: {  	[sflag:s20] =	ssyncset.done $0x0  }
0x63: {  	s26 =	sadd.s32 $0x5180, s25;
	[sflag:s20] =	ssyncadd.s32 $0xFFFFE000  }
0x64: {  	[spmem:s2] =	stream.indirect.scatter.add.f32 [tilespmem:s18], [sflag:$0x2], $0x40, s26, s14, $0xb8;
	[tilespmem:$0x1E000] =	vst v63  }
0x65: {  	_ =	swait.ge [sflag:s20], $0x2000  }
0x66: {  	[sflag:s20] =	ssyncset.done $0x0  }
0x67: {  	s25 =	sadd.s32 $0x5200, s25;
	[sflag:s20] =	ssyncadd.s32 $0xFFFFE000  }
0x68: {  	[spmem:s2] =	stream.indirect.scatter.add.f32 [tilespmem:s19], [sflag:$0x2], $0x40, s25, s14, $0xb8;
	[tilespmem:$0x1E000] =	vst v63  }
0x69: {  	_ =	swait.ge [sflag:s21], $0x2000  }
0x6a: {  	[sflag:s21] =	ssyncset.done $0x0  }
0x6b: {  	[sflag:s21] =	ssyncadd.s32 $0xFFFFE000  }
0x6c: {  	_ =	swait.ge [sflag:s21], $0x2000  }
0x6d: {  	[sflag:s21] =	ssyncset.done $0x0  }
0x6e: {  	[sflag:s21] =	ssyncadd.s32 $0xFFFFE000  }
0x6f: {  	_ =	swait.ge [sflag:s21], $0x2000  }
0x70: {  	[sflag:s21] =	ssyncset.done $0x0  }
0x71: {  	[sflag:s21] =	ssyncadd.s32 $0xFFFFE000  }
.Ltmp0:
0x72: {  	_ =	swait.ge [sflag:s21], $0x2000;
	(pc) =	sbr.rel @p0 .LBB2_2-.Ltmp0, $4  }
0x73: {  	[sflag:s21] =	ssyncset.done $0x0  }
0x74: {  	[sflag:s21] =	ssyncadd.s32 $0xFFFFE000  }
0x75: {  	_ =	swait.ge [sflag:s21], $0x2000  }
0x76: {  	s26 =	smov.u32 s24;
	[sflag:s21] =	ssyncset.done $0x0  }
0x77: {  	s23 =	sshra.s32 s23, $0x2;
	[sflag:s21] =	ssyncadd.s32 $0xFFFFE000  }
0x78: {  	[tilespmem:s15], [sflag:$0x1] =	stream.indirect.gather [hbm4b:s8+s14], $0x40, s23, s14, $0xb8;
	[tilespmem:$0x1E000] =	vst v63  }
0x79: {  	s24 =	sadd.s32 $0x80, s23  }
0x7a: {  	[tilespmem:s16], [sflag:$0x1] =	stream.indirect.gather [hbm4b:s8+s14], $0x40, s24, s14, $0xb8;
	[tilespmem:$0x1E000] =	vst v63  }
0x7b: {  	s31 =	sadd.s32 $0x100, s23  }
0x7c: {  	[tilespmem:s17], [sflag:$0x1] =	stream.indirect.gather [hbm4b:s8+s14], $0x40, s31, s14, $0xb8;
	[tilespmem:$0x1E000] =	vst v63  }
0x7d: {  	s25 =	sadd.s32 $0x180, s23  }
0x7e: {  	[tilespmem:s18], [sflag:$0x1] =	stream.indirect.gather [hbm4b:s8+s14], $0x40, s25, s14, $0xb8;
	[tilespmem:$0x1E000] =	vst v63  }
0x7f: {  	s26 =	sadd.s32 $0x200, s23  }
0x80: {  	[tilespmem:s19], [sflag:$0x1] =	stream.indirect.gather [hbm4b:s8+s14], $0x40, s26, s14, $0xb8;
	[tilespmem:$0x1E000] =	vst v63  }
0x81: {  	_ =	swait.ge [sflag:s20], $0x2000  }
0x82: {  	[sflag:s20] =	ssyncset.done $0x0  }
0x83: {  	s28 =	sadd.s32 $0x5000, s23;
	[sflag:s20] =	ssyncadd.s32 $0xFFFFE000  }
0x84: {  	[spmem:s2] =	stream.indirect.scatter.add.f32 [tilespmem:s15], [sflag:$0x2], $0x40, s28, s14, $0xb8;
	[tilespmem:$0x1E000] =	vst v63  }
0x85: {  	_ =	swait.ge [sflag:s20], $0x2000  }
0x86: {  	[sflag:s20] =	ssyncset.done $0x0  }
0x87: {  	s29 =	sadd.s32 $0x5080, s23;
	[sflag:s20] =	ssyncadd.s32 $0xFFFFE000  }
0x88: {  	[spmem:s2] =	stream.indirect.scatter.add.f32 [tilespmem:s16], [sflag:$0x2], $0x40, s29, s14, $0xb8;
	[tilespmem:$0x1E000] =	vst v63  }
0x89: {  	_ =	swait.ge [sflag:s20], $0x2000  }
0x8a: {  	[sflag:s20] =	ssyncset.done $0x0  }
0x8b: {  	s30 =	sadd.s32 $0x5100, s23;
	[sflag:s20] =	ssyncadd.s32 $0xFFFFE000  }
0x8c: {  	[spmem:s2] =	stream.indirect.scatter.add.f32 [tilespmem:s17], [sflag:$0x2], $0x40, s30, s14, $0xb8;
	[tilespmem:$0x1E000] =	vst v63  }
0x8d: {  	_ =	swait.ge [sflag:s20], $0x2000  }
0x8e: {  	[sflag:s20] =	ssyncset.done $0x0  }
0x8f: {  	s31 =	sadd.s32 $0x5180, s23;
	[sflag:s20] =	ssyncadd.s32 $0xFFFFE000  }
0x90: {  	[spmem:s2] =	stream.indirect.scatter.add.f32 [tilespmem:s18], [sflag:$0x2], $0x40, s31, s14, $0xb8;
	[tilespmem:$0x1E000] =	vst v63  }
0x91: {  	_ =	swait.ge [sflag:s20], $0x2000  }
0x92: {  	[sflag:s20] =	ssyncset.done $0x0  }
0x93: {  	s23 =	sadd.s32 $0x5200, s23;
	[sflag:s20] =	ssyncadd.s32 $0xFFFFE000  }
0x94: {  	[spmem:s2] =	stream.indirect.scatter.add.f32 [tilespmem:s19], [sflag:$0x2], $0x40, s23, s14, $0xb8;
	[tilespmem:$0x1E000] =	vst v63  }
0x95: {  	_ =	swait.ge [sflag:s21], $0x2000  }
0x96: {  	[sflag:s21] =	ssyncset.done $0x0  }
0x97: {  	[sflag:s21] =	ssyncadd.s32 $0xFFFFE000  }
0x98: {  	_ =	swait.ge [sflag:s21], $0x2000  }
0x99: {  	[sflag:s21] =	ssyncset.done $0x0  }
0x9a: {  	[sflag:s21] =	ssyncadd.s32 $0xFFFFE000  }
0x9b: {  	_ =	swait.ge [sflag:s21], $0x2000  }
0x9c: {  	[sflag:s21] =	ssyncset.done $0x0  }
0x9d: {  	[sflag:s21] =	ssyncadd.s32 $0xFFFFE000  }
0x9e: {  	_ =	swait.ge [sflag:s21], $0x2000  }
0x9f: {  	[sflag:s21] =	ssyncset.done $0x0  }
0xa0: {  	[sflag:s21] =	ssyncadd.s32 $0xFFFFE000  }
0xa1: {  	_ =	swait.ge [sflag:s21], $0x2000  }
0xa2: {  	s22 =	sadd.s32 $0x1, s22;
	[sflag:s21] =	ssyncset.done $0x0  }
0xa3: {  	p0 =	sne.s32 s22, s10;
	[sflag:s21] =	ssyncadd.s32 $0xFFFFE000  }
.Ltmp1:
0xa4: {  	[bflag:$0x0] =	sbarrier.arrive $0xFFFF;
	(pc) =	sbr.rel @p0 .LBB2_1-.Ltmp1, $4  }
0xa5: {  	[hbm:s9], [sflag:s6] =	dma.local [spmem:s11], $0x1400  }
0xa6: {  	_ =	swait.ge [sflag:s12], $0x1400  }
0xa7: {  	[sflag:s12] =	ssyncset.done $0x0  }
0xa8: {  	[sflag:s12] =	ssyncadd.s32 $0xFFFFEC00  }
0xa9: {  	_ =	sfence.sel $0x180000  }
0xaa: {  	[bflag:$0x0] =	sbarrier.arrive $0xFFFF  }
0xab: {  	p0 =	sne.s32 s1, $0x0;
	_ =	strace $0x90000050  }
0xac: {  	s0 =	sadd.s32 @!p0 $0x100000, s0;
	[bflag:$0x2] =	sbarrier.arrive $0xFFFF  }
0xad: {  	[sflag:s0] =	ssyncadd.tile.s32 @!p0 $0x1;
	_ =	shalt  }
.Lfunc_end2:
_tile_overlayer_lowered:
.L_overlay_start_2:
0xae: {  	(tag) =	ssettag $0x2  }
0xaf: {  	s0 =	rddreg [dreg:$0x0];
	s2 =	stileid.u32  }
0xb0: {  	s1 =	rddreg [dreg:$0x1];
	p0 =	sne.s32 s2, $0x0  }
0xb1: {  	s3 =	rddreg [dreg:$0x2];
	[bflag:$0x3] =	sbarrier.arrive $0xFFFF;
	s2 =	simm.s32 @!p0 $0x1C03  }
0xb2: {  	[timem:s3], [sflag:s2] =	dma.local @!p0 [hbm:s0], s1  }
0xb3: {  	s0 =	simm.s32 @!p0 $0x3  }
0xb4: {  	_ =	swait.ge @!p0 [sflag:s0], s1  }
0xb5: {  	s1 =	ssub.s32 @!p0 $0x0, s1;
	[sflag:s0] =	ssyncset.done @!p0 $0x0  }
0xb6: {  	[sflag:s0] =	ssyncadd.s32 @!p0 s1  }
0xb7: {  	[bflag:$0x3] =	sbarrier.arrive $0xFFFF  }
0xb8: {  	_ =	shalt  }

// kernel: kernel.9.cloned.1.call-start
scs
__scs_entry_jumppad:
0x0: {  	(pc) =	sbr.rel $0x88, $3  }
0x1: {  	(tag) =	ssettag $0x0;
	lr =	simm.s32 $0x1  }
0x2: {  	[smem:$0x3F95] =	sst lr;
	_ =	strace $0xD0000000  }
0x3: {  	_ = 	snop  }
0x4: {  	_ = 	snop  }
0x5: {  	_ = 	snop  }
0x6: {  	_ = 	snop  }
0x7: {  	_ = 	snop  }
__scs_overlays_trampoline_lowered:
0x8: {  	[smem:$0x3FA4] =	sst s0  }
0x9: {  	[smem:$0x3FA5] =	sst s1  }
0xa: {  	[smem:$0x3FA6] =	sst s2  }
0xb: {  	[smem:$0x3FA7] =	sst s3  }
0xc: {  	[smem:$0x3FA8] =	sst s4  }
0xd: {  	[smem:$0x3FA9] =	sst s5  }
0xe: {  	[smem:$0x3FAA] =	sst s6  }
0xf: {  	[smem:$0x3FAB] =	sst s7  }
0x10: {  	[smem:$0x3FAC] =	sst s8  }
0x11: {  	[smem:$0x3FAD] =	sst s9;
	s0 =	simm.s32 @!p0 $0x0  }
0x12: {  	s1 =	sld [smem:$0x3F93];
	s0 =	simm.s32 @p0 $0x1  }
0x13: {  	[smem:$0x3FAE] =	sst s0;
	s0 =	simm.s32 @!p1 $0x0  }
0x14: {  	s2 =	sld [smem:$0x3F92];
	s0 =	simm.s32 @p1 $0x1  }
0x15: {  	[smem:$0x3FAF] =	sst s0;
	s0 =	simm.s32 @!p2 $0x0  }
0x16: {  	s3 =	sld [smem:$0x3FDB];
	s0 =	simm.s32 @p2 $0x1  }
0x17: {  	s4 =	simm.s32 $0x1BF5;
	[smem:$0x3FB1] =	sst s0  }
0x18: {  	s0 =	sld [smem:$0x3F94];
	_ =	swait.ge [sflag:s4], $0x0  }
0x19: {  	s7 =	sld [smem:$0x3F95]  }
0x1a: {  	s8 =	sadd.s32 $0xFFFFE003, lr  }
0x1b: {  	s9 =	sadd.s32 $0xFFFFFEF7, lr;
	s5 =	simm.s32 $0xFFFFFFFF;
	p2 =	slt.u32 s8, $0xFFFFF086  }
0x1c: {  	p1 =	slt.u32 s9, $0xF7A;
	s5 =	simm.s32 @!p2 $0x0  }
0x1d: {  	s5 =	simm.s32 @p1 $0x1;
	p0 =	seq.s32 s7, s2  }
0x1e: {  	s7 =	smul.u32 @!p0 $0xF7A, s2;
	p2 =	seq.s32 @!p0 s5, $0x0  }
0x1f: {  	s9 =	smul.u32 $0xF7A, s1;
	s8 =	simm.s32 @!p0 $0x1BF5;
	p2 =	por !p2, p0  }
0x20: {  	[sflag:s8] =	ssyncset.s32 @!p0 $0xFFFFF086;
	s6 =	sadd.s32 @!p0 s3, s7;
	s7 =	simm.s32 @!p0 $0x108  }
0x21: {  	s3 =	sadd.s32 s3, s9;
	s6 =	sadd.s32 @!p0 $0x88, s6;
	s7 =	simm.s32 @p2 $0x1082  }
0x22: {  	[simem:s7], [sflag:s8] =	dma.local @!p0 [hbm:s6], $0xF7A  }
0x23: {  	s9 =	sor.u32 $0xD0000000, s2;
	s6 =	simm.s32 $0x108;
	_ =	swait.ge @!p0 [sflag:s8], $0x0  }
0x24: {  	s3 =	sadd.s32 $0x88, s3;
	s6 =	simm.s32 @!p1 $0x1082;
	[sflag:s4] =	ssyncset.s32 $0xFFFFF086  }
0x25: {  	[simem:s6], [sflag:s4] =	dma.local [hbm:s3], $0xF7A  }
0x26: {  	[smem:$0x3F95] =	sst s1;
	(tag) =	ssettag s2;
	_ =	strace s9  }
0x27: {  	s1 =	sld [smem:$0x3FA5]  }
0x28: {  	s2 =	sld [smem:$0x3FA6]  }
0x29: {  	s4 =	sld [smem:$0x3FA8]  }
0x2a: {  	p0 =	seq.s32 s5, $0x0;
	s5 =	sld [smem:$0x3FA9]  }
0x2b: {  	s6 =	sld [smem:$0x3FAA]  }
0x2c: {  	s7 =	sld [smem:$0x3FAB]  }
0x2d: {  	s3 =	simm.s32 $0x108;
	s8 =	sld [smem:$0x3FAC]  }
0x2e: {  	s3 =	simm.s32 @!p0 $0x1082;
	s9 =	sld [smem:$0x3FAD]  }
0x2f: {  	lr =	sadd.s32 s0, s3;
	s0 =	sld [smem:$0x3FA4]  }
0x30: {  	s3 =	sld [smem:$0x3FA7]  }
0x31: {  	[smem:$0x3FB0] =	sst s10  }
0x32: {  	s10 =	sld [smem:$0x3FAE];
	_ =	sdelay $0x3  }
0x33: {  	p0 =	seq.s32 s10, $0x1;
	s10 =	sld [smem:$0x3FB0];
	_ =	sdelay $0x3  }
0x34: {  	[smem:$0x3FB0] =	sst s10  }
0x35: {  	s10 =	sld [smem:$0x3FAF];
	_ =	sdelay $0x3  }
0x36: {  	p1 =	seq.s32 s10, $0x1;
	s10 =	sld [smem:$0x3FB0];
	_ =	sdelay $0x3  }
0x37: {  	[smem:$0x3FB0] =	sst s10  }
0x38: {  	s10 =	sld [smem:$0x3FB1]  }
0x39: {  	_ = 	snop;
	(pc) =	sbr.ind lr, $3  }
0x3a: {  	_ = 	snop  }
0x3b: {  	_ = 	snop  }
0x3c: {  	p2 =	seq.s32 s10, $0x1;
	s10 =	sld [smem:$0x3FB0]  }
0x3d: {  	_ =	shalt  }
0x3e: {  	_ =	shalt  }
0x3f: {  	_ =	shalt  }
0x40: {  	_ =	shalt  }
0x41: {  	_ =	shalt  }
0x42: {  	_ =	shalt  }
0x43: {  	_ =	shalt  }
0x44: {  	_ =	shalt  }
0x45: {  	_ =	shalt  }
0x46: {  	_ =	shalt  }
0x47: {  	_ =	shalt  }
0x48: {  	_ =	shalt  }
0x49: {  	_ =	shalt  }
0x4a: {  	_ =	shalt  }
0x4b: {  	_ =	shalt  }
0x4c: {  	_ =	shalt  }
0x4d: {  	_ =	shalt  }
0x4e: {  	_ =	shalt  }
0x4f: {  	_ =	shalt  }
0x50: {  	_ =	shalt  }
0x51: {  	_ =	shalt  }
0x52: {  	_ =	shalt  }
0x53: {  	_ =	shalt  }
0x54: {  	_ =	shalt  }
0x55: {  	_ =	shalt  }
0x56: {  	_ =	shalt  }
0x57: {  	_ =	shalt  }
0x58: {  	_ =	shalt  }
0x59: {  	_ =	shalt  }
0x5a: {  	_ =	shalt  }
0x5b: {  	_ =	shalt  }
0x5c: {  	_ =	shalt  }
0x5d: {  	_ =	shalt  }
0x5e: {  	_ =	shalt  }
0x5f: {  	_ =	shalt  }
0x60: {  	_ =	shalt  }
0x61: {  	_ =	shalt  }
0x62: {  	_ =	shalt  }
0x63: {  	_ =	shalt  }
0x64: {  	_ =	shalt  }
0x65: {  	_ =	shalt  }
0x66: {  	_ =	shalt  }
0x67: {  	_ =	shalt  }
0x68: {  	_ =	shalt  }
0x69: {  	_ =	shalt  }
0x6a: {  	_ =	shalt  }
0x6b: {  	_ =	shalt  }
0x6c: {  	_ =	shalt  }
0x6d: {  	_ =	shalt  }
0x6e: {  	_ =	shalt  }
0x6f: {  	_ =	shalt  }
0x70: {  	_ =	shalt  }
0x71: {  	_ =	shalt  }
0x72: {  	_ =	shalt  }
0x73: {  	_ =	shalt  }
0x74: {  	_ =	shalt  }
0x75: {  	_ =	shalt  }
0x76: {  	_ =	shalt  }
0x77: {  	_ =	shalt  }
0x78: {  	_ =	shalt  }
0x79: {  	_ =	shalt  }
0x7a: {  	_ =	shalt  }
0x7b: {  	_ =	shalt  }
0x7c: {  	_ =	shalt  }
0x7d: {  	_ =	shalt  }
0x7e: {  	_ =	shalt  }
0x7f: {  	_ =	shalt  }
0x80: {  	_ =	shalt  }
0x81: {  	_ =	shalt  }
0x82: {  	_ =	shalt  }
0x83: {  	_ =	shalt  }
0x84: {  	_ =	shalt  }
0x85: {  	_ =	shalt  }
0x86: {  	_ =	shalt  }
0x87: {  	_ =	shalt  }
.Lfunc_end0:
.L_simem_size_0:
called_computation_lowered:
.L_overlay_start_0:
0x88: {  	s2 =	sld [smem:$0x3FD9]  }
0x89: {  	s3 =	sld [smem:$0x3FFE];
	_ =	sdelay $0x1  }
0x8a: {  	s1 =	srdreg.scid  }
0x8b: {  	s0 =	sand.u32 $0x1, s1  }
0x8c: {  	s17 =	sshll.u32 s0, $0xA;
	s2 =	sadd.s32 s3, s2  }
0x8d: {  	s2 =	sadd.s32 s2, s17  }
0x8e: {  	[smem:$0x3FBC] =	sst s2  }
0x8f: {  	_ = 	snop  }
0x90: {  	s2 =	sld [smem:$0x3FD0];
	(tm) =	ssettm $0x1  }
0x91: {  	s18 =	sld [smem:$0x3FFB];
	_ =	sdelay $0x3  }
0x92: {  	_ =	strace s18  }
0x93: {  	s3 =	sld [smem:$0x3FFC];
	_ =	sdelay $0x3  }
0x94: {  	_ =	strace s3  }
0x95: {  	s3 =	sld [smem:$0x3FFD];
	_ =	sdelay $0x3  }
0x96: {  	_ =	strace s3  }
0x97: {  	_ =	strace $0x8FFFFFFF  }
0x98: {  	s19 =	sld [smem:$0x3FDB];
	_ =	sdelay $0x1  }
0x99: {  	s4 =	simm.s32 $_scs_section_size  }
0x9a: {  	s5 =	simm.s32 $_size__tile_overlayer_lowered;
	s6 =	simm.s32 $_tile_overlayer_lowered  }
0x9b: {  	s22 =	simm.s32 $0x1BFF;
	s21 =	sshll.u32 s6, $0x1;
	s3 =	sadd.s32 s4, s19  }
0x9c: {  	s7 =	simm.s32 $0x0;
	s20 =	sshll.u32 s5, $0x1;
	s5 =	sadd.s32 s21, s3  }
0x9d: {  	[timem:s7], [sflag:s22] =	dma.local [hbm:s5], s20  }
0x9e: {  	_ =	swait.ge [sflag:s22], s20  }
0x9f: {  	s4 =	ssub.s32 $0x0, s20;
	[sflag:s22] =	ssyncset.done $0x0  }
0xa0: {  	[sflag:s22] =	ssyncadd.s32 s4;
	_ =	sdelay $0x1  }
0xa1: {  	s23 =	simm.s32 $0x1B8B  }
0xa2: {  	_ =	swait.ge [sflag:s23], $0x1  }
0xa3: {  	[sflag:s23] =	ssyncset.done $0x0  }
0xa4: {  	s25 =	simm.s32 $0x1B8E;
	s24 =	sld [smem:$0x3FFE];
	[sflag:s23] =	ssyncadd.s32 $0xFFFFFFFF  }
0xa5: {  	s26 =	simm.s32 $execute0_lowered;
	[smem:$0x3FD2] =	sst s25  }
0xa6: {  	s5 =	sshll.u32 s26, $0x1;
	_ =	strace $0x80000046;
	[dreg:$0x1] =	wrdreg $0xFFFFFFFF  }
0xa7: {  	s28 =	simm.s32 $_size_execute0_lowered;
	s3 =	sadd.s32 s3, s5;
	[dreg:$0x0] =	wrdreg $0x0  }
0xa8: {  	s5 =	sshll.u32 s28, $0x1;
	[dreg:$0x2] =	wrdreg s3  }
0xa9: {  	[dreg:$0x3] =	wrdreg s5  }
0xaa: {  	[dreg:$0x4] =	wrdreg $0xC0  }
0xab: {  	_ =	task [dreg:s7], $0x5FFFF  }
0xac: {  	[dreg:$0x1] =	wrdreg $0xFFFFFFFF  }
0xad: {  	[dreg:$0x0] =	wrdreg $0x60  }
0xae: {  	[dreg:$0x2] =	wrdreg s24  }
0xaf: {  	[dreg:$0x3] =	wrdreg s2  }
0xb0: {  	[dreg:$0x4] =	wrdreg $0x50500  }
0xb1: {  	[dreg:$0x5] =	wrdreg $0x9  }
0xb2: {  	_ =	task.clear_ibuf [dreg:s7], $0x6FFFF;
	_ =	strace $0x90000046  }
0xb3: {  	s29 =	simm.s32 $0x9;
	_ =	strace $0x80000048  }
0xb4: {  	_ =	swait.ge [sflag:s29], $0x1  }
0xb5: {  	[sflag:s29] =	ssyncadd.s32 $0xFFFFFFFF  }
0xb6: {  	_ =	strace $0x90000048  }
0xb7: {  	_ =	sfence  }
0xb8: {  	s30 =	sld [smem:$0x0];
	_ =	sdelay $0x2  }
0xb9: {  	s31 =	sshll.u32 s1, $0xD;
	s1 =	sshrl.u32 s1, $0x2  }
0xba: {  	s3 =	sand.u32 $0x4000, s31;
	s1 =	sadd.s32 s1, s30  }
0xbb: {  	s0 =	sor.u32 s3, s0;
	s1 =	sshll.u32 s1, $0x11  }
0xbc: {  	s0 =	sor.u32 s1, s0  }
0xbd: {  	s0 =	sadd.s32 $0x8F2B, s0  }
0xbe: {  	[sflag:s0] =	ssyncadd.remote.s32 $0x1  }
0xbf: {  	_ =	sfence.sel $0xFFFF  }
0xc0: {  	[dreg:$0x0] =	wrdreg $0xFFFFFFFF;
	(pc) =	sbr.abs _section_cstart, $3  }
0xc1: {  	[dreg:$0x1] =	wrdreg $0xFFFFFFFF  }
0xc2: {  	_ =	task.clear_ibuf [dreg:s7], $0x2FFFF;
	_ =	strace $0x9FFFFFFF  }
0xc3: {  	(tm) =	ssettm $0x7FFFFFFF  }
tec
execute0_lowered:
.L_overlay_start_1:
0x0: {  	(tag) =	ssettag $0x1  }
0x1: {  	s5 =	rddreg [dreg:$0x0]  }
0x2: {  	s7 =	rddreg [dreg:$0x1]  }
0x3: {  	s1 =	rddreg [dreg:$0x2]  }
0x4: {  	s0 =	rddreg [dreg:$0x3];
	s3 =	simm.s32 $0x0  }
0x5: {  	s4 =	srdreg.scid;
	s2 =	stileid.u32;
	s13 =	simm.s32 $0x50  }
0x6: {  	s14 =	simm.s32 $0x5000;
	s15 =	simm.s32 $0x0;
	[smem:$0x7FF] =	sst s3  }
0x7: {  	s4 =	sand.u32 $0x1, s4;
	s6 =	sshll.u32 s2, $0x1;
	s8 =	smul.u32 $0x280, s2  }
0x8: {  	s31 =	sshll.u32 s2, $0x6;
	s9 =	ssub.s32 $0x2, s4;
	s6 =	sor.u32 s4, s6  }
0x9: {  	s10 =	smul.u32 $0x2800, s4;
	_ =	strace $0x80000047;
	s4 =	sadd.s32 $0xA000, s5  }
0xa: {  	s11 =	sshrl.u32 s9, $0x1;
	s6 =	smul.u32 $0x500, s6;
	s30 =	sshrl.u32 s8, $0x3  }
0xb: {  	s12 =	sadd.s32 s8, s1;
	s9 =	ssub.s32 s9, s11;
	s10 =	sadd.s32 s8, s10  }
0xc: {  	v0 =	vlaneseq.u32;
	s11 =	sor.u32 $0x1C01, s31;
	s12 =	sshrl.u32 s12, $0x3;
	s5 =	sadd.s32 s5, s6  }
0xd: {  	v5 =	vimm.f32 $1.000000000e+00;
	v1 =	vor.u32 $0x10, v0;
	s10 =	sshrl.u32 s10, $0x3;
	s6 =	sadd.s32 s4, s30;
	s8 =	smax.u32 s9, $0x1  }
0xe: {  	v2 =	vor.u32 $0x20, v0;
	v3 =	vor.u32 $0x30, v0;
	v4 =	vor.u32 $0x40, v0;
	s9 =	simm.s32 $0x1;
	s7 =	sadd.s32 s7, s10;
	s10 =	simm.s32 $0x2800  }
.LBB2_1:
0xf: {  	[tilespmem:s3], [sflag:$0x1] =	stream.linear.gather [hbm4b:s5+s3], $0x2800, $0x38;
	[tilespmem:$0x52D0] =	vst v63  }
0x10: {  	_ =	swait.ge [sflag:s9], $0x2800  }
0x11: {  	[sflag:s9] =	ssyncset.done $0x0  }
0x12: {  	[sflag:s9] =	ssyncadd.s32 $0xFFFFD800  }
0x13: {  	[tilespmem:s10], [sflag:$0x1] =	stream.linear.gather [hbm4b:s4+s3], $0x2800, $0x38;
	[tilespmem:$0x52D0] =	vst v63  }
0x14: {  	_ =	swait.ge [sflag:s9], $0x2800  }
0x15: {  	[sflag:s9] =	ssyncset.done $0x0  }
0x16: {  	[sflag:s9] =	ssyncadd.s32 $0xFFFFD800  }
0x17: {  	[spmem:s12], [sflag:s11] =	dma.local [hbm:s6], $0x50  }
0x18: {  	_ =	swait.ge [sflag:s9], $0x50  }
0x19: {  	[sflag:s9] =	ssyncset.done $0x0  }
0x1a: {  	[sflag:s9] =	ssyncadd.s32 $0xFFFFFFB0  }
0x1b: {  	[tilespmem:$0x5000] =	vst v0  }
0x1c: {  	[tilespmem:$0x5010] =	vst v1  }
0x1d: {  	[tilespmem:$0x5020] =	vst v2  }
0x1e: {  	[tilespmem:$0x5030] =	vst v3  }
0x1f: {  	s17 =	simm.s32 $0x0;
	s16 =	simm.s32 $0x40;
	[tilespmem:$0x5040] =	vst v4  }
.LBB2_2:
0x20: {  	p0 =	sne.s32 s16, $0x9FC0;
	v6 =	vld [tilespmem:s17+$0x0];
	_ =	sdelay $0x3  }
.Ltmp0:
0x21: {  	(pc) =	sbr.rel @p0 .LBB2_2-.Ltmp0, $2  }
0x22: {  	_ =	sdelay $0x2  }
0x23: {  	s17 =	sshra.s32 s16, $0x2;
	s16 =	sadd.s32 $0x40, s16;
	[tilespmem:v6+s10+$0x0] =	vst.idx.add.f32.msk $0xffff, v5  }
0x24: {  	v6 =	vld [tilespmem:s17+$0x0];
	_ =	sdelay $0x7  }
0x25: {  	[tilespmem:v6+s10+$0x0] =	vst.idx.add.f32.msk $0xffff, v5  }
0x26: {  	[bflag:$0x0] =	sbarrier.arrive $0xFFFF  }
0x27: {  	[spmem:s1] =	stream.indirect.scatter.add.f32 [tilespmem:s10], [sflag:$0x1], $0x80, s14, s13, $0xb8;
	[tilespmem:$0x52D0] =	vst v63  }
0x28: {  	_ =	swait.ge [sflag:s9], $0x2800  }
0x29: {  	s15 =	sadd.s32 $0x1, s15;
	[sflag:s9] =	ssyncset.done $0x0  }
0x2a: {  	p0 =	sne.s32 s15, s8;
	[sflag:s9] =	ssyncadd.s32 $0xFFFFD800  }
.Ltmp1:
0x2b: {  	[bflag:$0x0] =	sbarrier.arrive $0xFFFF;
	(pc) =	sbr.rel @p0 .LBB2_1-.Ltmp1, $4  }
0x2c: {  	[hbm:s7], [sflag:s11] =	dma.local [spmem:s12], $0x50  }
0x2d: {  	_ =	swait.ge [sflag:s9], $0x50  }
0x2e: {  	[sflag:s9] =	ssyncset.done $0x0  }
0x2f: {  	[sflag:s9] =	ssyncadd.s32 $0xFFFFFFB0  }
0x30: {  	_ =	sfence.sel $0x180000  }
0x31: {  	[bflag:$0x0] =	sbarrier.arrive $0xFFFF  }
0x32: {  	p0 =	sne.s32 s2, $0x0;
	_ =	strace $0x90000047  }
0x33: {  	s0 =	sadd.s32 @!p0 $0x100000, s0;
	[bflag:$0x2] =	sbarrier.arrive $0xFFFF  }
0x34: {  	[sflag:s0] =	ssyncadd.tile.s32 @!p0 $0x1;
	_ =	shalt  }
.Lfunc_end2:
_tile_overlayer_lowered:
.L_overlay_start_2:
0x35: {  	(tag) =	ssettag $0x2  }
0x36: {  	s0 =	rddreg [dreg:$0x0];
	s2 =	stileid.u32  }
0x37: {  	s1 =	rddreg [dreg:$0x1];
	p0 =	sne.s32 s2, $0x0  }
0x38: {  	s3 =	rddreg [dreg:$0x2];
	[bflag:$0x3] =	sbarrier.arrive $0xFFFF;
	s2 =	simm.s32 @!p0 $0x1C01  }
0x39: {  	[timem:s3], [sflag:s2] =	dma.local @!p0 [hbm:s0], s1  }
0x3a: {  	s0 =	simm.s32 @!p0 $0x1  }
0x3b: {  	_ =	swait.ge @!p0 [sflag:s0], s1  }
0x3c: {  	s1 =	ssub.s32 @!p0 $0x0, s1;
	[sflag:s0] =	ssyncset.done @!p0 $0x0  }
0x3d: {  	[sflag:s0] =	ssyncadd.s32 @!p0 s1  }
0x3e: {  	[bflag:$0x3] =	sbarrier.arrive $0xFFFF  }
0x3f: {  	_ =	shalt  }

</sc_bundles>
